<compile_context>
chip_gen: v7x
topology: tpu7x:2x2x1
jax: 0.10.2.dev20260603
libtpu: 0.0.44.dev20260713+nightly
codegen_flags: <defaults>
</compile_context>

<pallas_src>
import functools

import jax
import jax.numpy as jnp
from jax import lax
from jax.experimental import pallas as pl
from jax.experimental.pallas import tpu as pltpu
from jax.experimental.pallas import tpu_sc as plsc

N = 10000
E = 320000
D = 128
ED = 16
CH = 128
NCHUNK = E // CH
NW = 32

_mesh = lambda: plsc.VectorSubcoreMesh(core_axis_name="c", subcore_axis_name="s")

f32 = jnp.float32
i32 = jnp.int32


def _proj_body(x_ref, w1s_ref, w1d_ref, b1_ref, psrc_ref, pdst_ref):
    x = x_ref[...]
    psrc_ref[...] = jnp.dot(x, w1s_ref[...], preferred_element_type=f32)
    pdst_ref[...] = jnp.dot(x, w1d_ref[...], preferred_element_type=f32) + b1_ref[...]


def _edge_mlp_body(s_ref, ea_ref, w1e_ref, w2_ref, b2_ref, out_ref):
    h = jnp.maximum(s_ref[...] + jnp.dot(ea_ref[...], w1e_ref[...],
                                         preferred_element_type=f32), 0.0)
    out_ref[...] = jnp.dot(h, w2_ref[...], preferred_element_type=f32) + b2_ref[...]


def _node_mlp_body(x_ref, a0_ref, a1_ref, d0_ref, d1_ref,
                   w1a_ref, w1b_ref, b1_ref, w2_ref, b2_ref,
                   upd_ref, em_ref):
    agg = a0_ref[...] + a1_ref[...]
    deg = jnp.maximum(d0_ref[:, :1] + d1_ref[:, :1], 1.0)
    h2 = jnp.maximum(jnp.dot(x_ref[...], w1a_ref[...], preferred_element_type=f32)
                     + jnp.dot(agg, w1b_ref[...], preferred_element_type=f32)
                     + b1_ref[...], 0.0)
    upd_ref[...] = jnp.dot(h2, w2_ref[...], preferred_element_type=f32) + b2_ref[...]
    em_ref[...] = agg / deg


def _final_body(upd_ref, m0_ref, m1_ref, d0_ref, d1_ref, out_ref):
    deg = jnp.maximum(d0_ref[:, :1] + d1_ref[:, :1], 1.0)
    out_ref[...] = 0.5 * (upd_ref[...] + (m0_ref[...] + m1_ref[...]) / deg)


def _gather_sum_body(psrc_hbm, pdst_hbm, src_hbm, dst_hbm, s_hbm,
                     sidx, didx, ra, rb, sem_a, sem_b):
    cid = lax.axis_index("c")
    sid = lax.axis_index("s")
    wid = sid * 2 + cid
    n_my = (NCHUNK - wid + NW - 1) // NW

    def body(i, carry):
        base = (wid + i * NW) * CH
        pltpu.sync_copy(src_hbm.at[pl.ds(base, CH)], sidx)
        pltpu.sync_copy(dst_hbm.at[pl.ds(base, CH)], didx.at[0])
        ca = pltpu.async_copy(psrc_hbm.at[sidx], ra, sem_a)
        cb = pltpu.async_copy(pdst_hbm.at[didx.at[0]], rb, sem_b)
        ca.wait()
        cb.wait()

        def add_row(r, c2):
            for j in range(D // 16):
                sl = pl.ds(j * 16, 16)
                ra[r, sl] = ra[r, sl] + rb[r, sl]
            return c2

        lax.fori_loop(0, CH, add_row, 0)
        pltpu.sync_copy(ra, s_hbm.at[pl.ds(base, CH)])
        return carry

    lax.fori_loop(0, n_my, body, 0)


def _sc_gather_sum(psrc, pdst, src, dst):
    k = pl.kernel(
        _gather_sum_body,
        out_type=jax.ShapeDtypeStruct((E, D), f32),
        mesh=_mesh(),
        scratch_types=[
            pltpu.VMEM((CH,), i32),
            pltpu.VMEM((1, CH), i32),
            pltpu.VMEM((CH, D), f32),
            pltpu.VMEM((CH, D), f32),
            pltpu.SemaphoreType.DMA,
            pltpu.SemaphoreType.DMA,
        ],
    )
    return k(psrc, pdst, src, dst)


def _row_split(sid):
    off = sid * 632
    return off


def _scatter_edges_body(upd_hbm, dst_hbm, z16_hbm, agg_out, deg_out,
                        didx, vals, ones_v, agg_sh, deg_sh, sem_v):
    cid = lax.axis_index("c")
    sid = lax.axis_index("s")
    wid = sid * 2 + cid
    n_my = (NCHUNK - wid + NW - 1) // NW

    def fill_ones(r, c2):
        ones_v[r, :] = jnp.ones((16,), f32)
        return c2

    lax.fori_loop(0, CH, fill_ones, 0)

    off = _row_split(sid)

    @pl.when(sid < 15)
    def _():
        pltpu.sync_copy(z16_hbm.at[pl.ds(off, 632)], agg_sh.at[pl.ds(off, 632)])
        pltpu.sync_copy(z16_hbm.at[pl.ds(off, 632)], deg_sh.at[pl.ds(off, 632)])

    @pl.when(sid == 15)
    def _():
        pltpu.sync_copy(z16_hbm.at[pl.ds(9480, 520)], agg_sh.at[pl.ds(9480, 520)])
        pltpu.sync_copy(z16_hbm.at[pl.ds(9480, 520)], deg_sh.at[pl.ds(9480, 520)])

    plsc.subcore_barrier()

    def body(i, carry):
        base = (wid + i * NW) * CH
        pltpu.sync_copy(dst_hbm.at[pl.ds(base, CH)], didx.at[0])
        cv = pltpu.async_copy(upd_hbm.at[pl.ds(base, CH)], vals, sem_v)
        cv.wait()
        pltpu.sync_copy(vals, agg_sh.at[didx.at[0]], add=True)
        pltpu.sync_copy(ones_v, deg_sh.at[didx.at[0]], add=True)
        return carry

    lax.fori_loop(0, n_my, body, 0)
    plsc.subcore_barrier()

    @pl.when(sid < 15)
    def _():
        pltpu.sync_copy(agg_sh.at[pl.ds(off, 632)], agg_out.at[cid, pl.ds(off, 632)])
        pltpu.sync_copy(deg_sh.at[pl.ds(off, 632)], deg_out.at[cid, pl.ds(off, 632)])

    @pl.when(sid == 15)
    def _():
        pltpu.sync_copy(agg_sh.at[pl.ds(9480, 520)], agg_out.at[cid, pl.ds(9480, 520)])
        pltpu.sync_copy(deg_sh.at[pl.ds(9480, 520)], deg_out.at[cid, pl.ds(9480, 520)])


def _sc_scatter_edges(upd_edges, dst, z16):
    k = pl.kernel(
        _scatter_edges_body,
        out_type=(jax.ShapeDtypeStruct((2, N, ED), f32),
                  jax.ShapeDtypeStruct((2, N, ED), f32)),
        mesh=_mesh(),
        scratch_types=[
            pltpu.VMEM((1, CH), i32),
            pltpu.VMEM((CH, ED), f32),
            pltpu.VMEM((CH, ED), f32),
            pltpu.VMEM_SHARED((N, ED), f32),
            pltpu.VMEM_SHARED((N, ED), f32),
            pltpu.SemaphoreType.DMA,
        ],
    )
    return k(upd_edges, dst, z16)


def _edge_smooth_body(em_hbm, ue_hbm, dst_hbm, eo_out,
                      didx, em_v, ue_v, em_sh, sem_e):
    cid = lax.axis_index("c")
    sid = lax.axis_index("s")
    wid = sid * 2 + cid
    n_my = (NCHUNK - wid + NW - 1) // NW

    off = _row_split(sid)

    @pl.when(sid < 15)
    def _():
        pltpu.sync_copy(em_hbm.at[pl.ds(off, 632)], em_sh.at[pl.ds(off, 632)])

    @pl.when(sid == 15)
    def _():
        pltpu.sync_copy(em_hbm.at[pl.ds(9480, 520)], em_sh.at[pl.ds(9480, 520)])

    plsc.subcore_barrier()

    def body(i, carry):
        base = (wid + i * NW) * CH
        pltpu.sync_copy(dst_hbm.at[pl.ds(base, CH)], didx.at[0])
        ce = pltpu.async_copy(em_sh.at[didx.at[0]], em_v, sem_e)
        pltpu.sync_copy(ue_hbm.at[pl.ds(base, CH)], ue_v)
        ce.wait()

        def mix_row(r, c2):
            ue_v[r, :] = 0.5 * (ue_v[r, :] + em_v[r, :])
            return c2

        lax.fori_loop(0, CH, mix_row, 0)
        pltpu.sync_copy(ue_v, eo_out.at[pl.ds(base, CH)])
        return carry

    lax.fori_loop(0, n_my, body, 0)


def _sc_edge_smooth(edge_mean, upd_edges, dst):
    k = pl.kernel(
        _edge_smooth_body,
        out_type=jax.ShapeDtypeStruct((E, ED), f32),
        mesh=_mesh(),
        scratch_types=[
            pltpu.VMEM((1, CH), i32),
            pltpu.VMEM((CH, ED), f32),
            pltpu.VMEM((CH, ED), f32),
            pltpu.VMEM_SHARED((N, ED), f32),
            pltpu.SemaphoreType.DMA,
        ],
    )
    return k(edge_mean, upd_edges, dst)


def _node_mean_body(updn_hbm, src_hbm, dst_hbm, z128_hbm, nm_out,
                    sidx, didx, rows, nm_sh, sem_r):
    cid = lax.axis_index("c")
    sid = lax.axis_index("s")
    wid = sid * 2 + cid
    n_my = (NCHUNK - wid + NW - 1) // NW

    off = _row_split(sid)

    @pl.when(sid < 15)
    def _():
        pltpu.sync_copy(z128_hbm.at[pl.ds(off, 632)], nm_sh.at[pl.ds(off, 632)])

    @pl.when(sid == 15)
    def _():
        pltpu.sync_copy(z128_hbm.at[pl.ds(9480, 520)], nm_sh.at[pl.ds(9480, 520)])

    plsc.subcore_barrier()

    def body(i, carry):
        base = (wid + i * NW) * CH
        pltpu.sync_copy(src_hbm.at[pl.ds(base, CH)], sidx)
        pltpu.sync_copy(dst_hbm.at[pl.ds(base, CH)], didx.at[0])
        cr = pltpu.async_copy(updn_hbm.at[sidx], rows, sem_r)
        cr.wait()
        pltpu.sync_copy(rows, nm_sh.at[didx.at[0]], add=True)
        return carry

    lax.fori_loop(0, n_my, body, 0)
    plsc.subcore_barrier()

    @pl.when(sid < 15)
    def _():
        pltpu.sync_copy(nm_sh.at[pl.ds(off, 632)], nm_out.at[cid, pl.ds(off, 632)])

    @pl.when(sid == 15)
    def _():
        pltpu.sync_copy(nm_sh.at[pl.ds(9480, 520)], nm_out.at[cid, pl.ds(9480, 520)])


def _sc_node_mean(upd_nodes, src, dst, z128):
    k = pl.kernel(
        _node_mean_body,
        out_type=jax.ShapeDtypeStruct((2, N, D), f32),
        mesh=_mesh(),
        scratch_types=[
            pltpu.VMEM((CH,), i32),
            pltpu.VMEM((1, CH), i32),
            pltpu.VMEM((CH, D), f32),
            pltpu.VMEM_SHARED((N, D), f32),
            pltpu.SemaphoreType.DMA,
        ],
    )
    return k(upd_nodes, src, dst, z128)


def kernel(node_attr, edge_idx, edge_attr, eW1, eb1, eW2, eb2, nW1, nb1, nW2, nb2):
    src = edge_idx[0]
    dst = edge_idx[1]
    w1s = eW1[:D]
    w1d = eW1[D:2 * D]
    w1e = eW1[2 * D:]
    nw1a = nW1[:D]
    nw1b = nW1[D:]
    eb1r = eb1.reshape(1, D)
    eb2r = eb2.reshape(1, ED)
    nb1r = nb1.reshape(1, D)
    nb2r = nb2.reshape(1, D)
    z16 = jnp.zeros((N, ED), f32)
    z128 = jnp.zeros((N, D), f32)

    TN = 2000
    gn = N // TN
    full = lambda shape: pl.BlockSpec(shape, lambda i: tuple(0 for _ in shape))

    eidx = edge_idx

    psrc, pdst = pl.pallas_call(
        _proj_body,
        grid=(gn,),
        in_specs=[pl.BlockSpec((TN, D), lambda i: (i, 0)),
                  full((D, D)), full((D, D)), full((1, D))],
        out_specs=[pl.BlockSpec((TN, D), lambda i: (i, 0)),
                   pl.BlockSpec((TN, D), lambda i: (i, 0))],
        out_shape=[jax.ShapeDtypeStruct((N, D), f32),
                   jax.ShapeDtypeStruct((N, D), f32)],
    )(node_attr, w1s, w1d, eb1r)

    s_sum = _sc_gather_sum(psrc, pdst, src, dst)

    TE = 3200
    ge = E // TE
    upd_edges = pl.pallas_call(
        _edge_mlp_body,
        grid=(ge,),
        in_specs=[pl.BlockSpec((TE, D), lambda i: (i, 0)),
                  pl.BlockSpec((TE, ED), lambda i: (i, 0)),
                  full((ED, D)), full((D, ED)), full((1, ED))],
        out_specs=pl.BlockSpec((TE, ED), lambda i: (i, 0)),
        out_shape=jax.ShapeDtypeStruct((E, ED), f32),
    )(s_sum, edge_attr, w1e, eW2, eb2r)

    agg_p, deg_p = _sc_scatter_edges(upd_edges, dst, z16)

    upd_nodes, edge_mean = pl.pallas_call(
        _node_mlp_body,
        grid=(gn,),
        in_specs=[pl.BlockSpec((TN, D), lambda i: (i, 0)),
                  pl.BlockSpec((TN, ED), lambda i: (i, 0)),
                  pl.BlockSpec((TN, ED), lambda i: (i, 0)),
                  pl.BlockSpec((TN, ED), lambda i: (i, 0)),
                  pl.BlockSpec((TN, ED), lambda i: (i, 0)),
                  full((D, D)), full((ED, D)), full((1, D)),
                  full((D, D)), full((1, D))],
        out_specs=[pl.BlockSpec((TN, D), lambda i: (i, 0)),
                   pl.BlockSpec((TN, ED), lambda i: (i, 0))],
        out_shape=[jax.ShapeDtypeStruct((N, D), f32),
                   jax.ShapeDtypeStruct((N, ED), f32)],
    )(node_attr, agg_p[0], agg_p[1], deg_p[0], deg_p[1],
      nw1a, nw1b, nb1r, nW2, nb2r)

    edge_out = _sc_edge_smooth(edge_mean, upd_edges, dst)
    nm_p = _sc_node_mean(upd_nodes, src, dst, z128)

    node_out = pl.pallas_call(
        _final_body,
        grid=(gn,),
        in_specs=[pl.BlockSpec((TN, D), lambda i: (i, 0)),
                  pl.BlockSpec((TN, D), lambda i: (i, 0)),
                  pl.BlockSpec((TN, D), lambda i: (i, 0)),
                  pl.BlockSpec((TN, ED), lambda i: (i, 0)),
                  pl.BlockSpec((TN, ED), lambda i: (i, 0))],
        out_specs=pl.BlockSpec((TN, D), lambda i: (i, 0)),
        out_shape=jax.ShapeDtypeStruct((N, D), f32),
    )(upd_nodes, nm_p[0], nm_p[1], deg_p[0], deg_p[1])

    return node_out, edge_out

# --- scband reference (transcript-rebuilt; emitter-appended) ---
"""Pipeline reference for scband-flow-gnn-conv-block-75007308857711 (READ-ONLY COPY).

The authoritative reference and input builder live on the scoring server;
editing this copy changes nothing except your own understanding.
"""

import jax, jax.numpy as jnp
import numpy as np

N = 10000
E = 320000
NODE_D = 128
EDGE_D = 16
HID = 128


def setup_inputs(seed: int = 0) -> dict:
    key = jax.random.key(seed)
    ks = jax.random.split(key, 12)
    node_attr = jax.random.normal(ks[0], (N, NODE_D), dtype=jnp.float32)
    edge_idx = jax.random.randint(ks[1], (2, E), 0, N, dtype=jnp.int32)
    edge_attr = jax.random.normal(ks[2], (E, EDGE_D), dtype=jnp.float32)
    # ProcessorLayer edge MLP: in = 2*NODE_D + EDGE_D -> HID -> EDGE_D
    e_in = 2 * NODE_D + EDGE_D
    eW1 = jax.random.normal(ks[3], (e_in, HID), dtype=jnp.float32) / np.sqrt(e_in)
    eb1 = jnp.zeros((HID,), dtype=jnp.float32)
    eW2 = jax.random.normal(ks[4], (HID, EDGE_D), dtype=jnp.float32) / np.sqrt(HID)
    eb2 = jnp.zeros((EDGE_D,), dtype=jnp.float32)
    # ProcessorLayer node MLP: in = NODE_D + EDGE_D -> HID -> NODE_D
    n_in = NODE_D + EDGE_D
    nW1 = jax.random.normal(ks[5], (n_in, HID), dtype=jnp.float32) / np.sqrt(n_in)
    nb1 = jnp.zeros((HID,), dtype=jnp.float32)
    nW2 = jax.random.normal(ks[6], (HID, NODE_D), dtype=jnp.float32) / np.sqrt(HID)
    nb2 = jnp.zeros((NODE_D,), dtype=jnp.float32)
    return {
        "node_attr": node_attr,
        "edge_idx": edge_idx,
        "edge_attr": edge_attr,
        "eW1": eW1, "eb1": eb1, "eW2": eW2, "eb2": eb2,
        "nW1": nW1, "nb1": nb1, "nW2": nW2, "nb2": nb2,
    }


def reference(node_attr, edge_idx, edge_attr, eW1, eb1, eW2, eb2, nW1, nb1, nW2, nb2):
    n_nodes = node_attr.shape[0]
    src = edge_idx[0]
    dst = edge_idx[1]
    # ---- ProcessorLayer ----
    # edge update: MLP over [x_src, x_dst, edge_attr]
    e_feat = jnp.concatenate([node_attr[src], node_attr[dst], edge_attr], axis=1)
    h = jax.nn.relu(e_feat @ eW1 + eb1)
    upd_edges = h @ eW2 + eb2
    # node update: scatter-add messages to dst, then MLP over [x, agg]
    agg = jax.ops.segment_sum(upd_edges, dst, num_segments=n_nodes)
    n_feat = jnp.concatenate([node_attr, agg], axis=1)
    h2 = jax.nn.relu(n_feat @ nW1 + nb1)
    upd_nodes = h2 @ nW2 + nb2
    # ---- SmoothingLayer ----
    ones = jnp.ones((src.shape[0],), dtype=jnp.float32)
    deg = jax.ops.segment_sum(ones, dst, num_segments=n_nodes)
    deg = jnp.clip(deg, 1.0, None)[:, None]
    node_mean = jax.ops.segment_sum(upd_nodes[src], dst, num_segments=n_nodes) / deg
    node_out = 0.5 * (upd_nodes + node_mean)
    edge_mean = jax.ops.segment_sum(upd_edges, dst, num_segments=n_nodes) / deg
    edge_out = 0.5 * (upd_edges + edge_mean[dst])
    return node_out, edge_out

if __name__ == "__main__":
    import jax
    _d = setup_inputs()
    print(jax.jit(kernel)(*tuple(_d.values())))

</pallas_src>

<mosaic_0001>
#map = affine_map<(d0, d1) -> (0, 0)>
#map1 = affine_map<(d0, d1) -> (0)>
#map2 = affine_map<(d0, d1) -> (0, 0, 0)>
module attributes {stable_mosaic.version = 14 : i64} {
  func.func @_node_mean_body(%arg0: i32, %arg1: i32, %arg2: memref<10000x128xf32, #tpu.memory_space<hbm>>, %arg3: memref<320000xi32, #tpu.memory_space<hbm>>, %arg4: memref<320000xi32, #tpu.memory_space<hbm>>, %arg5: memref<10000x128xf32, #tpu.memory_space<hbm>>, %arg6: memref<2x10000x128xf32, #tpu.memory_space<hbm>>, %arg7: memref<128xi32, #tpu.memory_space<vmem>>, %arg8: memref<1x128xi32, #tpu.memory_space<vmem>>, %arg9: memref<128x128xf32, #tpu.memory_space<vmem>>, %arg10: memref<10000x128xf32, #tpu.memory_space<vmem_shared>>, %arg11: memref<!tpu.dma_semaphore, #tpu.memory_space<semaphore_mem>>) attributes {dimension_semantics = [#tpu.dimension_semantics<core_parallel>, #tpu.dimension_semantics<subcore_parallel>], iteration_bounds = array<i64: 2, 16>, scalar_prefetch = 0 : i64, scratch_operands = 5 : i64, tpu.core_type = #tpu.core_type<sc_vector_subcore>, window_params = [{transform_indices = #map}, {transform_indices = #map1}, {transform_indices = #map1}, {transform_indices = #map}, {transform_indices = #map2}]} {
    %mul3A = arith.constant 2 : i32
    %mul3A_0 = arith.muli %arg1, %mul3A : i32
    %add3A = arith.addi %mul3A_0, %arg0 : i32
    %sub3A = arith.constant 2500 : i32
    %sub3A_1 = arith.subi %sub3A, %add3A : i32
    %add3A_2 = arith.constant 32 : i32
    %add3A_3 = arith.addi %sub3A_1, %add3A_2 : i32
    %sub3A_4 = arith.constant 1 : i32
    %sub3A_5 = arith.subi %add3A_3, %sub3A_4 : i32
    %jit3A = arith.constant 32 : i32
    %div3A = arith.divsi %sub3A_5, %jit3A : i32
    %sign3A = arith.constant 0 : i32
    %sign3A_6 = arith.cmpi sgt, %sub3A_5, %sign3A : i32
    %sign3A_7 = arith.extui %sign3A_6 : i1 to i32
    %sign3A_8 = arith.constant 0 : i32
    %sign3A_9 = arith.cmpi slt, %sub3A_5, %sign3A_8 : i32
    %sign3A_10 = arith.extui %sign3A_9 : i1 to i32
    %sign3A_11 = arith.subi %sign3A_7, %sign3A_10 : i32
    %sign3A_12 = arith.constant 0 : i32
    %sign3A_13 = arith.cmpi sgt, %jit3A, %sign3A_12 : i32
    %sign3A_14 = arith.extui %sign3A_13 : i1 to i32
    %sign3A_15 = arith.constant 0 : i32
    %sign3A_16 = arith.cmpi slt, %jit3A, %sign3A_15 : i32
    %sign3A_17 = arith.extui %sign3A_16 : i1 to i32
    %sign3A_18 = arith.subi %sign3A_14, %sign3A_17 : i32
    %ne3A = arith.cmpi ne, %sign3A_11, %sign3A_18 : i32
    %rem3A = arith.remsi %sub3A_5, %jit3A : i32
    %ne3A_19 = arith.constant 0 : i32
    %ne3A_20 = arith.cmpi ne, %rem3A, %ne3A_19 : i32
    %and3A = arith.andi %ne3A, %ne3A_20 : i1
    %sub3A_21 = arith.constant 1 : i32
    %sub3A_22 = arith.subi %div3A, %sub3A_21 : i32
    %select_n3A = arith.select %and3A, %sub3A_22, %div3A : i32
    %mul3A_23 = arith.constant 632 : i32
    %mul3A_24 = arith.muli %arg1, %mul3A_23 : i32
    %lt3A = arith.constant 15 : i32
    %lt3A_25 = arith.cmpi slt, %arg1, %lt3A : i32
    %convert_element_type3A = arith.extui %lt3A_25 : i1 to i32
    %cond3A = arith.constant 0 : i32
    %cond3A_26 = arith.cmpi ne, %convert_element_type3A, %cond3A : i32
    scf.if %cond3A_26 {
      "tpu.region"() ({
        %run_scoped3A = tpu.sem_alloc : memref<!tpu.dma_semaphore, #tpu.memory_space<semaphore_mem>>
        %dma_start3A = arith.constant 0 : i32
        %dma_start3A_51 = tpu.memref_slice %arg10[%mul3A_24, %dma_start3A] : memref<10000x128xf32, #tpu.memory_space<vmem_shared>> -> memref<632x128xf32, #tpu.memory_space<vmem_shared>>
        %dma_start3A_52 = arith.constant 0 : i32
        %dma_start3A_53 = tpu.memref_slice %arg5[%mul3A_24, %dma_start3A_52] : memref<10000x128xf32, #tpu.memory_space<hbm>> -> memref<632x128xf32, #tpu.memory_space<hbm>>
        tpu.enqueue_dma source(%dma_start3A_53 : memref<632x128xf32, #tpu.memory_space<hbm>>) target(%dma_start3A_51 : memref<632x128xf32, #tpu.memory_space<vmem_shared>>) target_semaphore(%run_scoped3A : memref<!tpu.dma_semaphore, #tpu.memory_space<semaphore_mem>>)
        %dma_wait3A = arith.constant 0 : i32
        %dma_wait3A_54 = tpu.memref_slice %arg10[%mul3A_24, %dma_wait3A] : memref<10000x128xf32, #tpu.memory_space<vmem_shared>> -> memref<632x128xf32, #tpu.memory_space<vmem_shared>>
        %dma_wait3A_55 = arith.constant 0 : i32
        %dma_wait3A_56 = tpu.memref_slice %arg5[%mul3A_24, %dma_wait3A_55] : memref<10000x128xf32, #tpu.memory_space<hbm>> -> memref<632x128xf32, #tpu.memory_space<hbm>>
        tpu.wait_dma2 semaphore(%run_scoped3A : memref<!tpu.dma_semaphore, #tpu.memory_space<semaphore_mem>>) src(%dma_wait3A_56 : memref<632x128xf32, #tpu.memory_space<hbm>>) dst(%dma_wait3A_54 : memref<632x128xf32, #tpu.memory_space<vmem_shared>>)
        tpu.yield
      }) : () -> ()
    } else {
    }
    %eq3A = arith.constant 15 : i32
    %eq3A_27 = arith.cmpi eq, %arg1, %eq3A : i32
    %convert_element_type3A_28 = arith.extui %eq3A_27 : i1 to i32
    %cond3A_29 = arith.constant 0 : i32
    %cond3A_30 = arith.cmpi ne, %convert_element_type3A_28, %cond3A_29 : i32
    scf.if %cond3A_30 {
      "tpu.region"() ({
        %run_scoped3A = tpu.sem_alloc : memref<!tpu.dma_semaphore, #tpu.memory_space<semaphore_mem>>
        %dma_start3A = arith.constant 9480 : i32
        %dma_start3A_51 = arith.constant 0 : i32
        %dma_start3A_52 = tpu.memref_slice %arg10[%dma_start3A, %dma_start3A_51] : memref<10000x128xf32, #tpu.memory_space<vmem_shared>> -> memref<520x128xf32, #tpu.memory_space<vmem_shared>>
        %dma_start3A_53 = arith.constant 9480 : i32
        %dma_start3A_54 = arith.constant 0 : i32
        %dma_start3A_55 = tpu.memref_slice %arg5[%dma_start3A_53, %dma_start3A_54] : memref<10000x128xf32, #tpu.memory_space<hbm>> -> memref<520x128xf32, #tpu.memory_space<hbm>>
        tpu.enqueue_dma source(%dma_start3A_55 : memref<520x128xf32, #tpu.memory_space<hbm>>) target(%dma_start3A_52 : memref<520x128xf32, #tpu.memory_space<vmem_shared>>) target_semaphore(%run_scoped3A : memref<!tpu.dma_semaphore, #tpu.memory_space<semaphore_mem>>)
        %dma_wait3A = arith.constant 9480 : i32
        %dma_wait3A_56 = arith.constant 0 : i32
        %dma_wait3A_57 = tpu.memref_slice %arg10[%dma_wait3A, %dma_wait3A_56] : memref<10000x128xf32, #tpu.memory_space<vmem_shared>> -> memref<520x128xf32, #tpu.memory_space<vmem_shared>>
        %dma_wait3A_58 = arith.constant 9480 : i32
        %dma_wait3A_59 = arith.constant 0 : i32
        %dma_wait3A_60 = tpu.memref_slice %arg5[%dma_wait3A_58, %dma_wait3A_59] : memref<10000x128xf32, #tpu.memory_space<hbm>> -> memref<520x128xf32, #tpu.memory_space<hbm>>
        tpu.wait_dma2 semaphore(%run_scoped3A : memref<!tpu.dma_semaphore, #tpu.memory_space<semaphore_mem>>) src(%dma_wait3A_60 : memref<520x128xf32, #tpu.memory_space<hbm>>) dst(%dma_wait3A_57 : memref<520x128xf32, #tpu.memory_space<vmem_shared>>)
        tpu.yield
      }) : () -> ()
    } else {
    }
    %barrier3A = arith.constant 0 : index
    tpu.barrier barrier_id(%barrier3A)
    %while3A = arith.constant 0 : i32
    %while3A_31 = arith.constant 0 : i32
    %while3A_32 = arith.subi %select_n3A, %while3A_31 : i32
    %while3A_33 = arith.addi %while3A_31, %while3A_32 : i32
    %while3A_34 = arith.constant 1 : i32
    %while3A_35 = arith.divsi %while3A_32, %while3A_34 : i32
    %while3A_36 = arith.muli %while3A_35, %while3A_34 : i32
    %while3A_37 = arith.addi %while3A_31, %while3A_36 : i32
    %while3A_38 = arith.constant 1 : i32
    scf.for %while3A_51 = %while3A_31 to %while3A_37 step %while3A_38  : i32 {
      %mul3A_52 = arith.constant 32 : i32
      %mul3A_53 = arith.muli %while3A_51, %mul3A_52 : i32
      %add3A_54 = arith.addi %add3A, %mul3A_53 : i32
      %mul3A_55 = arith.constant 128 : i32
      %mul3A_56 = arith.muli %add3A_54, %mul3A_55 : i32
      "tpu.region"() ({
        %run_scoped3A_62 = tpu.sem_alloc : memref<!tpu.dma_semaphore, #tpu.memory_space<semaphore_mem>>
        %dma_start3A_63 = tpu.memref_slice %arg3[%mul3A_56] : memref<320000xi32, #tpu.memory_space<hbm>> -> memref<128xi32, #tpu.memory_space<hbm>>
        %dma_start3A_64 = tpu.memref_slice %arg3[%mul3A_56] : memref<320000xi32, #tpu.memory_space<hbm>> -> memref<128xi32, #tpu.memory_space<hbm>>
        tpu.enqueue_dma source(%dma_start3A_64 : memref<128xi32, #tpu.memory_space<hbm>>) target(%arg7 : memref<128xi32, #tpu.memory_space<vmem>>) target_semaphore(%run_scoped3A_62 : memref<!tpu.dma_semaphore, #tpu.memory_space<semaphore_mem>>)
        %dma_wait3A_65 = tpu.memref_slice %arg3[%mul3A_56] : memref<320000xi32, #tpu.memory_space<hbm>> -> memref<128xi32, #tpu.memory_space<hbm>>
        %dma_wait3A_66 = tpu.memref_slice %arg3[%mul3A_56] : memref<320000xi32, #tpu.memory_space<hbm>> -> memref<128xi32, #tpu.memory_space<hbm>>
        tpu.wait_dma2 semaphore(%run_scoped3A_62 : memref<!tpu.dma_semaphore, #tpu.memory_space<semaphore_mem>>) src(%dma_wait3A_66 : memref<128xi32, #tpu.memory_space<hbm>>) dst(%arg7 : memref<128xi32, #tpu.memory_space<vmem>>)
        tpu.yield
      }) : () -> ()
      %run_scoped3A = arith.constant 0 : i32
      "tpu.region"() ({
        %run_scoped3A_62 = tpu.sem_alloc : memref<!tpu.dma_semaphore, #tpu.memory_space<semaphore_mem>>
        %dma_start3A_63 = arith.constant 0 : i32
        %dma_start3A_64 = tpu.memref_slice %arg8[%run_scoped3A, %dma_start3A_63] : memref<1x128xi32, #tpu.memory_space<vmem>> -> memref<1x128xi32, #tpu.memory_space<vmem>>
        %dma_start3A_65 = tpu.memref_squeeze %dma_start3A_64 : memref<1x128xi32, #tpu.memory_space<vmem>> -> memref<128xi32, #tpu.memory_space<vmem>>
        %dma_start3A_66 = tpu.memref_slice %arg4[%mul3A_56] : memref<320000xi32, #tpu.memory_space<hbm>> -> memref<128xi32, #tpu.memory_space<hbm>>
        %dma_start3A_67 = arith.constant 0 : i32
        %dma_start3A_68 = tpu.memref_slice %arg8[%run_scoped3A, %dma_start3A_67] : memref<1x128xi32, #tpu.memory_space<vmem>> -> memref<1x128xi32, #tpu.memory_space<vmem>>
        %dma_start3A_69 = tpu.memref_squeeze %dma_start3A_68 : memref<1x128xi32, #tpu.memory_space<vmem>> -> memref<128xi32, #tpu.memory_space<vmem>>
        %dma_start3A_70 = tpu.memref_slice %arg4[%mul3A_56] : memref<320000xi32, #tpu.memory_space<hbm>> -> memref<128xi32, #tpu.memory_space<hbm>>
        tpu.enqueue_dma source(%dma_start3A_70 : memref<128xi32, #tpu.memory_space<hbm>>) target(%dma_start3A_69 : memref<128xi32, #tpu.memory_space<vmem>>) target_semaphore(%run_scoped3A_62 : memref<!tpu.dma_semaphore, #tpu.memory_space<semaphore_mem>>)
        %dma_wait3A_71 = arith.constant 0 : i32
        %dma_wait3A_72 = tpu.memref_slice %arg8[%run_scoped3A, %dma_wait3A_71] : memref<1x128xi32, #tpu.memory_space<vmem>> -> memref<1x128xi32, #tpu.memory_space<vmem>>
        %dma_wait3A_73 = tpu.memref_squeeze %dma_wait3A_72 : memref<1x128xi32, #tpu.memory_space<vmem>> -> memref<128xi32, #tpu.memory_space<vmem>>
        %dma_wait3A_74 = tpu.memref_slice %arg4[%mul3A_56] : memref<320000xi32, #tpu.memory_space<hbm>> -> memref<128xi32, #tpu.memory_space<hbm>>
        %dma_wait3A_75 = arith.constant 0 : i32
        %dma_wait3A_76 = tpu.memref_slice %arg8[%run_scoped3A, %dma_wait3A_75] : memref<1x128xi32, #tpu.memory_space<vmem>> -> memref<1x128xi32, #tpu.memory_space<vmem>>
        %dma_wait3A_77 = tpu.memref_squeeze %dma_wait3A_76 : memref<1x128xi32, #tpu.memory_space<vmem>> -> memref<128xi32, #tpu.memory_space<vmem>>
        %dma_wait3A_78 = tpu.memref_slice %arg4[%mul3A_56] : memref<320000xi32, #tpu.memory_space<hbm>> -> memref<128xi32, #tpu.memory_space<hbm>>
        tpu.wait_dma2 semaphore(%run_scoped3A_62 : memref<!tpu.dma_semaphore, #tpu.memory_space<semaphore_mem>>) src(%dma_wait3A_78 : memref<128xi32, #tpu.memory_space<hbm>>) dst(%dma_wait3A_77 : memref<128xi32, #tpu.memory_space<vmem>>)
        tpu.yield
      }) : () -> ()
      %dma_start3A = arith.constant 0 : i32
      %dma_start3A_57 = arith.constant 0 : i32
      %dma_start3A_58 = tpu.memref_slice %arg2[%dma_start3A, %dma_start3A_57] : memref<10000x128xf32, #tpu.memory_space<hbm>> -> memref<10000x128xf32, #tpu.memory_space<hbm>>
      tpu.enqueue_indirect_dma source(%dma_start3A_58 : memref<10000x128xf32, #tpu.memory_space<hbm>>) target(%arg9 : memref<128x128xf32, #tpu.memory_space<vmem>>) offsets(%arg7 : memref<128xi32, #tpu.memory_space<vmem>>) semaphore(%arg11 : memref<!tpu.dma_semaphore, #tpu.memory_space<semaphore_mem>>)
      %dma_wait3A = arith.constant 0 : i32
      %dma_wait3A_59 = arith.constant 0 : i32
      %dma_wait3A_60 = tpu.memref_slice %arg2[%dma_wait3A, %dma_wait3A_59] : memref<10000x128xf32, #tpu.memory_space<hbm>> -> memref<10000x128xf32, #tpu.memory_space<hbm>>
      tpu.wait_indirect_dma semaphore(%arg11 : memref<!tpu.dma_semaphore, #tpu.memory_space<semaphore_mem>>) src(%dma_wait3A_60 : memref<10000x128xf32, #tpu.memory_space<hbm>>) dst(%arg9 : memref<128x128xf32, #tpu.memory_space<vmem>>)
      %run_scoped3A_61 = arith.constant 0 : i32
      "tpu.region"() ({
        %run_scoped3A_62 = tpu.sem_alloc : memref<!tpu.dma_semaphore, #tpu.memory_space<semaphore_mem>>
        %dma_start3A_63 = arith.constant 0 : i32
        %dma_start3A_64 = tpu.memref_slice %arg8[%run_scoped3A_61, %dma_start3A_63] : memref<1x128xi32, #tpu.memory_space<vmem>> -> memref<1x128xi32, #tpu.memory_space<vmem>>
        %dma_start3A_65 = tpu.memref_squeeze %dma_start3A_64 : memref<1x128xi32, #tpu.memory_space<vmem>> -> memref<128xi32, #tpu.memory_space<vmem>>
        %dma_start3A_66 = arith.constant 0 : i32
        %dma_start3A_67 = arith.constant 0 : i32
        %dma_start3A_68 = tpu.memref_slice %arg10[%dma_start3A_66, %dma_start3A_67] : memref<10000x128xf32, #tpu.memory_space<vmem_shared>> -> memref<10000x128xf32, #tpu.memory_space<vmem_shared>>
        tpu.enqueue_indirect_dma source(%arg9 : memref<128x128xf32, #tpu.memory_space<vmem>>) target(%dma_start3A_68 : memref<10000x128xf32, #tpu.memory_space<vmem_shared>>) offsets(%dma_start3A_65 : memref<128xi32, #tpu.memory_space<vmem>>) semaphore(%run_scoped3A_62 : memref<!tpu.dma_semaphore, #tpu.memory_space<semaphore_mem>>) {add = true}
        %dma_wait3A_69 = arith.constant 0 : i32
        %dma_wait3A_70 = tpu.memref_slice %arg8[%run_scoped3A_61, %dma_wait3A_69] : memref<1x128xi32, #tpu.memory_space<vmem>> -> memref<1x128xi32, #tpu.memory_space<vmem>>
        %dma_wait3A_71 = tpu.memref_squeeze %dma_wait3A_70 : memref<1x128xi32, #tpu.memory_space<vmem>> -> memref<128xi32, #tpu.memory_space<vmem>>
        %dma_wait3A_72 = arith.constant 0 : i32
        %dma_wait3A_73 = arith.constant 0 : i32
        %dma_wait3A_74 = tpu.memref_slice %arg10[%dma_wait3A_72, %dma_wait3A_73] : memref<10000x128xf32, #tpu.memory_space<vmem_shared>> -> memref<10000x128xf32, #tpu.memory_space<vmem_shared>>
        tpu.wait_indirect_dma semaphore(%run_scoped3A_62 : memref<!tpu.dma_semaphore, #tpu.memory_space<semaphore_mem>>) src(%arg9 : memref<128x128xf32, #tpu.memory_space<vmem>>) dst(%dma_wait3A_74 : memref<10000x128xf32, #tpu.memory_space<vmem_shared>>)
        tpu.yield
      }) : () -> ()
    }
    %while3A_39 = arith.constant 1 : i32
    scf.for %while3A_51 = %while3A_37 to %while3A_33 step %while3A_39  : i32 {
      %mul3A_52 = arith.constant 32 : i32
      %mul3A_53 = arith.muli %while3A_51, %mul3A_52 : i32
      %add3A_54 = arith.addi %add3A, %mul3A_53 : i32
      %mul3A_55 = arith.constant 128 : i32
      %mul3A_56 = arith.muli %add3A_54, %mul3A_55 : i32
      "tpu.region"() ({
        %run_scoped3A_62 = tpu.sem_alloc : memref<!tpu.dma_semaphore, #tpu.memory_space<semaphore_mem>>
        %dma_start3A_63 = tpu.memref_slice %arg3[%mul3A_56] : memref<320000xi32, #tpu.memory_space<hbm>> -> memref<128xi32, #tpu.memory_space<hbm>>
        %dma_start3A_64 = tpu.memref_slice %arg3[%mul3A_56] : memref<320000xi32, #tpu.memory_space<hbm>> -> memref<128xi32, #tpu.memory_space<hbm>>
        tpu.enqueue_dma source(%dma_start3A_64 : memref<128xi32, #tpu.memory_space<hbm>>) target(%arg7 : memref<128xi32, #tpu.memory_space<vmem>>) target_semaphore(%run_scoped3A_62 : memref<!tpu.dma_semaphore, #tpu.memory_space<semaphore_mem>>)
        %dma_wait3A_65 = tpu.memref_slice %arg3[%mul3A_56] : memref<320000xi32, #tpu.memory_space<hbm>> -> memref<128xi32, #tpu.memory_space<hbm>>
        %dma_wait3A_66 = tpu.memref_slice %arg3[%mul3A_56] : memref<320000xi32, #tpu.memory_space<hbm>> -> memref<128xi32, #tpu.memory_space<hbm>>
        tpu.wait_dma2 semaphore(%run_scoped3A_62 : memref<!tpu.dma_semaphore, #tpu.memory_space<semaphore_mem>>) src(%dma_wait3A_66 : memref<128xi32, #tpu.memory_space<hbm>>) dst(%arg7 : memref<128xi32, #tpu.memory_space<vmem>>)
        tpu.yield
      }) : () -> ()
      %run_scoped3A = arith.constant 0 : i32
      "tpu.region"() ({
        %run_scoped3A_62 = tpu.sem_alloc : memref<!tpu.dma_semaphore, #tpu.memory_space<semaphore_mem>>
        %dma_start3A_63 = arith.constant 0 : i32
        %dma_start3A_64 = tpu.memref_slice %arg8[%run_scoped3A, %dma_start3A_63] : memref<1x128xi32, #tpu.memory_space<vmem>> -> memref<1x128xi32, #tpu.memory_space<vmem>>
        %dma_start3A_65 = tpu.memref_squeeze %dma_start3A_64 : memref<1x128xi32, #tpu.memory_space<vmem>> -> memref<128xi32, #tpu.memory_space<vmem>>
        %dma_start3A_66 = tpu.memref_slice %arg4[%mul3A_56] : memref<320000xi32, #tpu.memory_space<hbm>> -> memref<128xi32, #tpu.memory_space<hbm>>
        %dma_start3A_67 = arith.constant 0 : i32
        %dma_start3A_68 = tpu.memref_slice %arg8[%run_scoped3A, %dma_start3A_67] : memref<1x128xi32, #tpu.memory_space<vmem>> -> memref<1x128xi32, #tpu.memory_space<vmem>>
        %dma_start3A_69 = tpu.memref_squeeze %dma_start3A_68 : memref<1x128xi32, #tpu.memory_space<vmem>> -> memref<128xi32, #tpu.memory_space<vmem>>
        %dma_start3A_70 = tpu.memref_slice %arg4[%mul3A_56] : memref<320000xi32, #tpu.memory_space<hbm>> -> memref<128xi32, #tpu.memory_space<hbm>>
        tpu.enqueue_dma source(%dma_start3A_70 : memref<128xi32, #tpu.memory_space<hbm>>) target(%dma_start3A_69 : memref<128xi32, #tpu.memory_space<vmem>>) target_semaphore(%run_scoped3A_62 : memref<!tpu.dma_semaphore, #tpu.memory_space<semaphore_mem>>)
        %dma_wait3A_71 = arith.constant 0 : i32
        %dma_wait3A_72 = tpu.memref_slice %arg8[%run_scoped3A, %dma_wait3A_71] : memref<1x128xi32, #tpu.memory_space<vmem>> -> memref<1x128xi32, #tpu.memory_space<vmem>>
        %dma_wait3A_73 = tpu.memref_squeeze %dma_wait3A_72 : memref<1x128xi32, #tpu.memory_space<vmem>> -> memref<128xi32, #tpu.memory_space<vmem>>
        %dma_wait3A_74 = tpu.memref_slice %arg4[%mul3A_56] : memref<320000xi32, #tpu.memory_space<hbm>> -> memref<128xi32, #tpu.memory_space<hbm>>
        %dma_wait3A_75 = arith.constant 0 : i32
        %dma_wait3A_76 = tpu.memref_slice %arg8[%run_scoped3A, %dma_wait3A_75] : memref<1x128xi32, #tpu.memory_space<vmem>> -> memref<1x128xi32, #tpu.memory_space<vmem>>
        %dma_wait3A_77 = tpu.memref_squeeze %dma_wait3A_76 : memref<1x128xi32, #tpu.memory_space<vmem>> -> memref<128xi32, #tpu.memory_space<vmem>>
        %dma_wait3A_78 = tpu.memref_slice %arg4[%mul3A_56] : memref<320000xi32, #tpu.memory_space<hbm>> -> memref<128xi32, #tpu.memory_space<hbm>>
        tpu.wait_dma2 semaphore(%run_scoped3A_62 : memref<!tpu.dma_semaphore, #tpu.memory_space<semaphore_mem>>) src(%dma_wait3A_78 : memref<128xi32, #tpu.memory_space<hbm>>) dst(%dma_wait3A_77 : memref<128xi32, #tpu.memory_space<vmem>>)
        tpu.yield
      }) : () -> ()
      %dma_start3A = arith.constant 0 : i32
      %dma_start3A_57 = arith.constant 0 : i32
      %dma_start3A_58 = tpu.memref_slice %arg2[%dma_start3A, %dma_start3A_57] : memref<10000x128xf32, #tpu.memory_space<hbm>> -> memref<10000x128xf32, #tpu.memory_space<hbm>>
      tpu.enqueue_indirect_dma source(%dma_start3A_58 : memref<10000x128xf32, #tpu.memory_space<hbm>>) target(%arg9 : memref<128x128xf32, #tpu.memory_space<vmem>>) offsets(%arg7 : memref<128xi32, #tpu.memory_space<vmem>>) semaphore(%arg11 : memref<!tpu.dma_semaphore, #tpu.memory_space<semaphore_mem>>)
      %dma_wait3A = arith.constant 0 : i32
      %dma_wait3A_59 = arith.constant 0 : i32
      %dma_wait3A_60 = tpu.memref_slice %arg2[%dma_wait3A, %dma_wait3A_59] : memref<10000x128xf32, #tpu.memory_space<hbm>> -> memref<10000x128xf32, #tpu.memory_space<hbm>>
      tpu.wait_indirect_dma semaphore(%arg11 : memref<!tpu.dma_semaphore, #tpu.memory_space<semaphore_mem>>) src(%dma_wait3A_60 : memref<10000x128xf32, #tpu.memory_space<hbm>>) dst(%arg9 : memref<128x128xf32, #tpu.memory_space<vmem>>)
      %run_scoped3A_61 = arith.constant 0 : i32
      "tpu.region"() ({
        %run_scoped3A_62 = tpu.sem_alloc : memref<!tpu.dma_semaphore, #tpu.memory_space<semaphore_mem>>
        %dma_start3A_63 = arith.constant 0 : i32
        %dma_start3A_64 = tpu.memref_slice %arg8[%run_scoped3A_61, %dma_start3A_63] : memref<1x128xi32, #tpu.memory_space<vmem>> -> memref<1x128xi32, #tpu.memory_space<vmem>>
        %dma_start3A_65 = tpu.memref_squeeze %dma_start3A_64 : memref<1x128xi32, #tpu.memory_space<vmem>> -> memref<128xi32, #tpu.memory_space<vmem>>
        %dma_start3A_66 = arith.constant 0 : i32
        %dma_start3A_67 = arith.constant 0 : i32
        %dma_start3A_68 = tpu.memref_slice %arg10[%dma_start3A_66, %dma_start3A_67] : memref<10000x128xf32, #tpu.memory_space<vmem_shared>> -> memref<10000x128xf32, #tpu.memory_space<vmem_shared>>
        tpu.enqueue_indirect_dma source(%arg9 : memref<128x128xf32, #tpu.memory_space<vmem>>) target(%dma_start3A_68 : memref<10000x128xf32, #tpu.memory_space<vmem_shared>>) offsets(%dma_start3A_65 : memref<128xi32, #tpu.memory_space<vmem>>) semaphore(%run_scoped3A_62 : memref<!tpu.dma_semaphore, #tpu.memory_space<semaphore_mem>>) {add = true}
        %dma_wait3A_69 = arith.constant 0 : i32
        %dma_wait3A_70 = tpu.memref_slice %arg8[%run_scoped3A_61, %dma_wait3A_69] : memref<1x128xi32, #tpu.memory_space<vmem>> -> memref<1x128xi32, #tpu.memory_space<vmem>>
        %dma_wait3A_71 = tpu.memref_squeeze %dma_wait3A_70 : memref<1x128xi32, #tpu.memory_space<vmem>> -> memref<128xi32, #tpu.memory_space<vmem>>
        %dma_wait3A_72 = arith.constant 0 : i32
        %dma_wait3A_73 = arith.constant 0 : i32
        %dma_wait3A_74 = tpu.memref_slice %arg10[%dma_wait3A_72, %dma_wait3A_73] : memref<10000x128xf32, #tpu.memory_space<vmem_shared>> -> memref<10000x128xf32, #tpu.memory_space<vmem_shared>>
        tpu.wait_indirect_dma semaphore(%run_scoped3A_62 : memref<!tpu.dma_semaphore, #tpu.memory_space<semaphore_mem>>) src(%arg9 : memref<128x128xf32, #tpu.memory_space<vmem>>) dst(%dma_wait3A_74 : memref<10000x128xf32, #tpu.memory_space<vmem_shared>>)
        tpu.yield
      }) : () -> ()
    }
    %barrier3A_40 = arith.constant 0 : index
    tpu.barrier barrier_id(%barrier3A_40)
    %lt3A_41 = arith.constant 15 : i32
    %lt3A_42 = arith.cmpi slt, %arg1, %lt3A_41 : i32
    %convert_element_type3A_43 = arith.extui %lt3A_42 : i1 to i32
    %cond3A_44 = arith.constant 0 : i32
    %cond3A_45 = arith.cmpi ne, %convert_element_type3A_43, %cond3A_44 : i32
    scf.if %cond3A_45 {
      "tpu.region"() ({
        %run_scoped3A = tpu.sem_alloc : memref<!tpu.dma_semaphore, #tpu.memory_space<semaphore_mem>>
        %dma_start3A = arith.constant 0 : i32
        %dma_start3A_51 = tpu.memref_slice %arg6[%arg0, %mul3A_24, %dma_start3A] : memref<2x10000x128xf32, #tpu.memory_space<hbm>> -> memref<1x632x128xf32, #tpu.memory_space<hbm>>
        %dma_start3A_52 = tpu.memref_squeeze %dma_start3A_51 : memref<1x632x128xf32, #tpu.memory_space<hbm>> -> memref<632x128xf32, #tpu.memory_space<hbm>>
        %dma_start3A_53 = arith.constant 0 : i32
        %dma_start3A_54 = tpu.memref_slice %arg10[%mul3A_24, %dma_start3A_53] : memref<10000x128xf32, #tpu.memory_space<vmem_shared>> -> memref<632x128xf32, #tpu.memory_space<vmem_shared>>
        tpu.enqueue_dma source(%dma_start3A_54 : memref<632x128xf32, #tpu.memory_space<vmem_shared>>) target(%dma_start3A_52 : memref<632x128xf32, #tpu.memory_space<hbm>>) target_semaphore(%run_scoped3A : memref<!tpu.dma_semaphore, #tpu.memory_space<semaphore_mem>>)
        %dma_wait3A = arith.constant 0 : i32
        %dma_wait3A_55 = tpu.memref_slice %arg6[%arg0, %mul3A_24, %dma_wait3A] : memref<2x10000x128xf32, #tpu.memory_space<hbm>> -> memref<1x632x128xf32, #tpu.memory_space<hbm>>
        %dma_wait3A_56 = tpu.memref_squeeze %dma_wait3A_55 : memref<1x632x128xf32, #tpu.memory_space<hbm>> -> memref<632x128xf32, #tpu.memory_space<hbm>>
        %dma_wait3A_57 = arith.constant 0 : i32
        %dma_wait3A_58 = tpu.memref_slice %arg10[%mul3A_24, %dma_wait3A_57] : memref<10000x128xf32, #tpu.memory_space<vmem_shared>> -> memref<632x128xf32, #tpu.memory_space<vmem_shared>>
        tpu.wait_dma2 semaphore(%run_scoped3A : memref<!tpu.dma_semaphore, #tpu.memory_space<semaphore_mem>>) src(%dma_wait3A_58 : memref<632x128xf32, #tpu.memory_space<vmem_shared>>) dst(%dma_wait3A_56 : memref<632x128xf32, #tpu.memory_space<hbm>>)
        tpu.yield
      }) : () -> ()
    } else {
    }
    %eq3A_46 = arith.constant 15 : i32
    %eq3A_47 = arith.cmpi eq, %arg1, %eq3A_46 : i32
    %convert_element_type3A_48 = arith.extui %eq3A_47 : i1 to i32
    %cond3A_49 = arith.constant 0 : i32
    %cond3A_50 = arith.cmpi ne, %convert_element_type3A_48, %cond3A_49 : i32
    scf.if %cond3A_50 {
      "tpu.region"() ({
        %run_scoped3A = tpu.sem_alloc : memref<!tpu.dma_semaphore, #tpu.memory_space<semaphore_mem>>
        %dma_start3A = arith.constant 9480 : i32
        %dma_start3A_51 = arith.constant 0 : i32
        %dma_start3A_52 = tpu.memref_slice %arg6[%arg0, %dma_start3A, %dma_start3A_51] : memref<2x10000x128xf32, #tpu.memory_space<hbm>> -> memref<1x520x128xf32, #tpu.memory_space<hbm>>
        %dma_start3A_53 = tpu.memref_squeeze %dma_start3A_52 : memref<1x520x128xf32, #tpu.memory_space<hbm>> -> memref<520x128xf32, #tpu.memory_space<hbm>>
        %dma_start3A_54 = arith.constant 9480 : i32
        %dma_start3A_55 = arith.constant 0 : i32
        %dma_start3A_56 = tpu.memref_slice %arg10[%dma_start3A_54, %dma_start3A_55] : memref<10000x128xf32, #tpu.memory_space<vmem_shared>> -> memref<520x128xf32, #tpu.memory_space<vmem_shared>>
        tpu.enqueue_dma source(%dma_start3A_56 : memref<520x128xf32, #tpu.memory_space<vmem_shared>>) target(%dma_start3A_53 : memref<520x128xf32, #tpu.memory_space<hbm>>) target_semaphore(%run_scoped3A : memref<!tpu.dma_semaphore, #tpu.memory_space<semaphore_mem>>)
        %dma_wait3A = arith.constant 9480 : i32
        %dma_wait3A_57 = arith.constant 0 : i32
        %dma_wait3A_58 = tpu.memref_slice %arg6[%arg0, %dma_wait3A, %dma_wait3A_57] : memref<2x10000x128xf32, #tpu.memory_space<hbm>> -> memref<1x520x128xf32, #tpu.memory_space<hbm>>
        %dma_wait3A_59 = tpu.memref_squeeze %dma_wait3A_58 : memref<1x520x128xf32, #tpu.memory_space<hbm>> -> memref<520x128xf32, #tpu.memory_space<hbm>>
        %dma_wait3A_60 = arith.constant 9480 : i32
        %dma_wait3A_61 = arith.constant 0 : i32
        %dma_wait3A_62 = tpu.memref_slice %arg10[%dma_wait3A_60, %dma_wait3A_61] : memref<10000x128xf32, #tpu.memory_space<vmem_shared>> -> memref<520x128xf32, #tpu.memory_space<vmem_shared>>
        tpu.wait_dma2 semaphore(%run_scoped3A : memref<!tpu.dma_semaphore, #tpu.memory_space<semaphore_mem>>) src(%dma_wait3A_62 : memref<520x128xf32, #tpu.memory_space<vmem_shared>>) dst(%dma_wait3A_59 : memref<520x128xf32, #tpu.memory_space<hbm>>)
        tpu.yield
      }) : () -> ()
    } else {
    }
    return
  }
}

#map = affine_map<(d0, d1) -> (0, 0)>
#map1 = affine_map<(d0, d1) -> (0)>
#map2 = affine_map<(d0, d1) -> (0, 0, 0)>
module attributes {stable_mosaic.version = 14 : i64} {
  func.func @_scatter_edges_body(%arg0: i32, %arg1: i32, %arg2: memref<320000x16xf32, #tpu.memory_space<hbm>>, %arg3: memref<320000xi32, #tpu.memory_space<hbm>>, %arg4: memref<10000x16xf32, #tpu.memory_space<hbm>>, %arg5: memref<2x10000x16xf32, #tpu.memory_space<hbm>>, %arg6: memref<2x10000x16xf32, #tpu.memory_space<hbm>>, %arg7: memref<1x128xi32, #tpu.memory_space<vmem>>, %arg8: memref<128x16xf32, #tpu.memory_space<vmem>>, %arg9: memref<128x16xf32, #tpu.memory_space<vmem>>, %arg10: memref<10000x16xf32, #tpu.memory_space<vmem_shared>>, %arg11: memref<10000x16xf32, #tpu.memory_space<vmem_shared>>, %arg12: memref<!tpu.dma_semaphore, #tpu.memory_space<semaphore_mem>>) attributes {dimension_semantics = [#tpu.dimension_semantics<core_parallel>, #tpu.dimension_semantics<subcore_parallel>], iteration_bounds = array<i64: 2, 16>, scalar_prefetch = 0 : i64, scratch_operands = 6 : i64, tpu.core_type = #tpu.core_type<sc_vector_subcore>, window_params = [{transform_indices = #map}, {transform_indices = #map1}, {transform_indices = #map}, {transform_indices = #map2}, {transform_indices = #map2}]} {
    %mul3A = arith.constant 2 : i32
    %mul3A_0 = arith.muli %arg1, %mul3A : i32
    %add3A = arith.addi %mul3A_0, %arg0 : i32
    %sub3A = arith.constant 2500 : i32
    %sub3A_1 = arith.subi %sub3A, %add3A : i32
    %add3A_2 = arith.constant 32 : i32
    %add3A_3 = arith.addi %sub3A_1, %add3A_2 : i32
    %sub3A_4 = arith.constant 1 : i32
    %sub3A_5 = arith.subi %add3A_3, %sub3A_4 : i32
    %jit3A = arith.constant 32 : i32
    %div3A = arith.divsi %sub3A_5, %jit3A : i32
    %sign3A = arith.constant 0 : i32
    %sign3A_6 = arith.cmpi sgt, %sub3A_5, %sign3A : i32
    %sign3A_7 = arith.extui %sign3A_6 : i1 to i32
    %sign3A_8 = arith.constant 0 : i32
    %sign3A_9 = arith.cmpi slt, %sub3A_5, %sign3A_8 : i32
    %sign3A_10 = arith.extui %sign3A_9 : i1 to i32
    %sign3A_11 = arith.subi %sign3A_7, %sign3A_10 : i32
    %sign3A_12 = arith.constant 0 : i32
    %sign3A_13 = arith.cmpi sgt, %jit3A, %sign3A_12 : i32
    %sign3A_14 = arith.extui %sign3A_13 : i1 to i32
    %sign3A_15 = arith.constant 0 : i32
    %sign3A_16 = arith.cmpi slt, %jit3A, %sign3A_15 : i32
    %sign3A_17 = arith.extui %sign3A_16 : i1 to i32
    %sign3A_18 = arith.subi %sign3A_14, %sign3A_17 : i32
    %ne3A = arith.cmpi ne, %sign3A_11, %sign3A_18 : i32
    %rem3A = arith.remsi %sub3A_5, %jit3A : i32
    %ne3A_19 = arith.constant 0 : i32
    %ne3A_20 = arith.cmpi ne, %rem3A, %ne3A_19 : i32
    %and3A = arith.andi %ne3A, %ne3A_20 : i1
    %sub3A_21 = arith.constant 1 : i32
    %sub3A_22 = arith.subi %div3A, %sub3A_21 : i32
    %select_n3A = arith.select %and3A, %sub3A_22, %div3A : i32
    %scan3A = arith.constant 0 : i32
    %scan3A_23 = arith.constant 0 : i32
    %scan3A_24 = arith.constant 128 : i32
    %scan3A_25 = arith.addi %scan3A_23, %scan3A_24 : i32
    %scan3A_26 = arith.constant 1 : i32
    scf.for %scan3A_56 = %scan3A_23 to %scan3A_25 step %scan3A_26  : i32 {
      %broadcast_in_dim3A = arith.constant 1.000000e+00 : f32
      %broadcast_in_dim3A_57 = vector.broadcast %broadcast_in_dim3A : f32 to vector<16xf32>
      %swap3A = arith.index_cast %scan3A_56 : i32 to index
      %swap3A_58 = arith.constant 0 : index
      %swap3A_59 = tpu.vector_load %arg9[%swap3A, %swap3A_58] {strides = array<i32>} : memref<128x16xf32, #tpu.memory_space<vmem>>, vector<1x16xf32>,
      %swap3A_60 = vector.shape_cast %swap3A_59 : vector<1x16xf32> to vector<16xf32>
      %swap3A_61 = vector.shape_cast %broadcast_in_dim3A_57 : vector<16xf32> to vector<1x16xf32>
      tpu.vector_store %arg9[%swap3A, %swap3A_58], %swap3A_61 {strides = array<i32>} : memref<128x16xf32, #tpu.memory_space<vmem>>, vector<1x16xf32>,
    }
    %scan3A_27 = arith.constant 128 : i32
    %mul3A_28 = arith.constant 632 : i32
    %mul3A_29 = arith.muli %arg1, %mul3A_28 : i32
    %lt3A = arith.constant 15 : i32
    %lt3A_30 = arith.cmpi slt, %arg1, %lt3A : i32
    %convert_element_type3A = arith.extui %lt3A_30 : i1 to i32
    %cond3A = arith.constant 0 : i32
    %cond3A_31 = arith.cmpi ne, %convert_element_type3A, %cond3A : i32
    scf.if %cond3A_31 {
      "tpu.region"() ({
        %run_scoped3A = tpu.sem_alloc : memref<!tpu.dma_semaphore, #tpu.memory_space<semaphore_mem>>
        %dma_start3A = arith.constant 0 : i32
        %dma_start3A_56 = tpu.memref_slice %arg10[%mul3A_29, %dma_start3A] : memref<10000x16xf32, #tpu.memory_space<vmem_shared>> -> memref<632x16xf32, #tpu.memory_space<vmem_shared>>
        %dma_start3A_57 = arith.constant 0 : i32
        %dma_start3A_58 = tpu.memref_slice %arg4[%mul3A_29, %dma_start3A_57] : memref<10000x16xf32, #tpu.memory_space<hbm>> -> memref<632x16xf32, #tpu.memory_space<hbm>>
        tpu.enqueue_dma source(%dma_start3A_58 : memref<632x16xf32, #tpu.memory_space<hbm>>) target(%dma_start3A_56 : memref<632x16xf32, #tpu.memory_space<vmem_shared>>) target_semaphore(%run_scoped3A : memref<!tpu.dma_semaphore, #tpu.memory_space<semaphore_mem>>)
        %dma_wait3A = arith.constant 0 : i32
        %dma_wait3A_59 = tpu.memref_slice %arg10[%mul3A_29, %dma_wait3A] : memref<10000x16xf32, #tpu.memory_space<vmem_shared>> -> memref<632x16xf32, #tpu.memory_space<vmem_shared>>
        %dma_wait3A_60 = arith.constant 0 : i32
        %dma_wait3A_61 = tpu.memref_slice %arg4[%mul3A_29, %dma_wait3A_60] : memref<10000x16xf32, #tpu.memory_space<hbm>> -> memref<632x16xf32, #tpu.memory_space<hbm>>
        tpu.wait_dma2 semaphore(%run_scoped3A : memref<!tpu.dma_semaphore, #tpu.memory_space<semaphore_mem>>) src(%dma_wait3A_61 : memref<632x16xf32, #tpu.memory_space<hbm>>) dst(%dma_wait3A_59 : memref<632x16xf32, #tpu.memory_space<vmem_shared>>)
        tpu.yield
      }) : () -> ()
      "tpu.region"() ({
        %run_scoped3A = tpu.sem_alloc : memref<!tpu.dma_semaphore, #tpu.memory_space<semaphore_mem>>
        %dma_start3A = arith.constant 0 : i32
        %dma_start3A_56 = tpu.memref_slice %arg11[%mul3A_29, %dma_start3A] : memref<10000x16xf32, #tpu.memory_space<vmem_shared>> -> memref<632x16xf32, #tpu.memory_space<vmem_shared>>
        %dma_start3A_57 = arith.constant 0 : i32
        %dma_start3A_58 = tpu.memref_slice %arg4[%mul3A_29, %dma_start3A_57] : memref<10000x16xf32, #tpu.memory_space<hbm>> -> memref<632x16xf32, #tpu.memory_space<hbm>>
        tpu.enqueue_dma source(%dma_start3A_58 : memref<632x16xf32, #tpu.memory_space<hbm>>) target(%dma_start3A_56 : memref<632x16xf32, #tpu.memory_space<vmem_shared>>) target_semaphore(%run_scoped3A : memref<!tpu.dma_semaphore, #tpu.memory_space<semaphore_mem>>)
        %dma_wait3A = arith.constant 0 : i32
        %dma_wait3A_59 = tpu.memref_slice %arg11[%mul3A_29, %dma_wait3A] : memref<10000x16xf32, #tpu.memory_space<vmem_shared>> -> memref<632x16xf32, #tpu.memory_space<vmem_shared>>
        %dma_wait3A_60 = arith.constant 0 : i32
        %dma_wait3A_61 = tpu.memref_slice %arg4[%mul3A_29, %dma_wait3A_60] : memref<10000x16xf32, #tpu.memory_space<hbm>> -> memref<632x16xf32, #tpu.memory_space<hbm>>
        tpu.wait_dma2 semaphore(%run_scoped3A : memref<!tpu.dma_semaphore, #tpu.memory_space<semaphore_mem>>) src(%dma_wait3A_61 : memref<632x16xf32, #tpu.memory_space<hbm>>) dst(%dma_wait3A_59 : memref<632x16xf32, #tpu.memory_space<vmem_shared>>)
        tpu.yield
      }) : () -> ()
    } else {
    }
    %eq3A = arith.constant 15 : i32
    %eq3A_32 = arith.cmpi eq, %arg1, %eq3A : i32
    %convert_element_type3A_33 = arith.extui %eq3A_32 : i1 to i32
    %cond3A_34 = arith.constant 0 : i32
    %cond3A_35 = arith.cmpi ne, %convert_element_type3A_33, %cond3A_34 : i32
    scf.if %cond3A_35 {
      "tpu.region"() ({
        %run_scoped3A = tpu.sem_alloc : memref<!tpu.dma_semaphore, #tpu.memory_space<semaphore_mem>>
        %dma_start3A = arith.constant 9480 : i32
        %dma_start3A_56 = arith.constant 0 : i32
        %dma_start3A_57 = tpu.memref_slice %arg10[%dma_start3A, %dma_start3A_56] : memref<10000x16xf32, #tpu.memory_space<vmem_shared>> -> memref<520x16xf32, #tpu.memory_space<vmem_shared>>
        %dma_start3A_58 = arith.constant 9480 : i32
        %dma_start3A_59 = arith.constant 0 : i32
        %dma_start3A_60 = tpu.memref_slice %arg4[%dma_start3A_58, %dma_start3A_59] : memref<10000x16xf32, #tpu.memory_space<hbm>> -> memref<520x16xf32, #tpu.memory_space<hbm>>
        tpu.enqueue_dma source(%dma_start3A_60 : memref<520x16xf32, #tpu.memory_space<hbm>>) target(%dma_start3A_57 : memref<520x16xf32, #tpu.memory_space<vmem_shared>>) target_semaphore(%run_scoped3A : memref<!tpu.dma_semaphore, #tpu.memory_space<semaphore_mem>>)
        %dma_wait3A = arith.constant 9480 : i32
        %dma_wait3A_61 = arith.constant 0 : i32
        %dma_wait3A_62 = tpu.memref_slice %arg10[%dma_wait3A, %dma_wait3A_61] : memref<10000x16xf32, #tpu.memory_space<vmem_shared>> -> memref<520x16xf32, #tpu.memory_space<vmem_shared>>
        %dma_wait3A_63 = arith.constant 9480 : i32
        %dma_wait3A_64 = arith.constant 0 : i32
        %dma_wait3A_65 = tpu.memref_slice %arg4[%dma_wait3A_63, %dma_wait3A_64] : memref<10000x16xf32, #tpu.memory_space<hbm>> -> memref<520x16xf32, #tpu.memory_space<hbm>>
        tpu.wait_dma2 semaphore(%run_scoped3A : memref<!tpu.dma_semaphore, #tpu.memory_space<semaphore_mem>>) src(%dma_wait3A_65 : memref<520x16xf32, #tpu.memory_space<hbm>>) dst(%dma_wait3A_62 : memref<520x16xf32, #tpu.memory_space<vmem_shared>>)
        tpu.yield
      }) : () -> ()
      "tpu.region"() ({
        %run_scoped3A = tpu.sem_alloc : memref<!tpu.dma_semaphore, #tpu.memory_space<semaphore_mem>>
        %dma_start3A = arith.constant 9480 : i32
        %dma_start3A_56 = arith.constant 0 : i32
        %dma_start3A_57 = tpu.memref_slice %arg11[%dma_start3A, %dma_start3A_56] : memref<10000x16xf32, #tpu.memory_space<vmem_shared>> -> memref<520x16xf32, #tpu.memory_space<vmem_shared>>
        %dma_start3A_58 = arith.constant 9480 : i32
        %dma_start3A_59 = arith.constant 0 : i32
        %dma_start3A_60 = tpu.memref_slice %arg4[%dma_start3A_58, %dma_start3A_59] : memref<10000x16xf32, #tpu.memory_space<hbm>> -> memref<520x16xf32, #tpu.memory_space<hbm>>
        tpu.enqueue_dma source(%dma_start3A_60 : memref<520x16xf32, #tpu.memory_space<hbm>>) target(%dma_start3A_57 : memref<520x16xf32, #tpu.memory_space<vmem_shared>>) target_semaphore(%run_scoped3A : memref<!tpu.dma_semaphore, #tpu.memory_space<semaphore_mem>>)
        %dma_wait3A = arith.constant 9480 : i32
        %dma_wait3A_61 = arith.constant 0 : i32
        %dma_wait3A_62 = tpu.memref_slice %arg11[%dma_wait3A, %dma_wait3A_61] : memref<10000x16xf32, #tpu.memory_space<vmem_shared>> -> memref<520x16xf32, #tpu.memory_space<vmem_shared>>
        %dma_wait3A_63 = arith.constant 9480 : i32
        %dma_wait3A_64 = arith.constant 0 : i32
        %dma_wait3A_65 = tpu.memref_slice %arg4[%dma_wait3A_63, %dma_wait3A_64] : memref<10000x16xf32, #tpu.memory_space<hbm>> -> memref<520x16xf32, #tpu.memory_space<hbm>>
        tpu.wait_dma2 semaphore(%run_scoped3A : memref<!tpu.dma_semaphore, #tpu.memory_space<semaphore_mem>>) src(%dma_wait3A_65 : memref<520x16xf32, #tpu.memory_space<hbm>>) dst(%dma_wait3A_62 : memref<520x16xf32, #tpu.memory_space<vmem_shared>>)
        tpu.yield
      }) : () -> ()
    } else {
    }
    %barrier3A = arith.constant 0 : index
    tpu.barrier barrier_id(%barrier3A)
    %while3A = arith.constant 0 : i32
    %while3A_36 = arith.constant 0 : i32
    %while3A_37 = arith.subi %select_n3A, %while3A_36 : i32
    %while3A_38 = arith.addi %while3A_36, %while3A_37 : i32
    %while3A_39 = arith.constant 1 : i32
    %while3A_40 = arith.divsi %while3A_37, %while3A_39 : i32
    %while3A_41 = arith.muli %while3A_40, %while3A_39 : i32
    %while3A_42 = arith.addi %while3A_36, %while3A_41 : i32
    %while3A_43 = arith.constant 1 : i32
    scf.for %while3A_56 = %while3A_36 to %while3A_42 step %while3A_43  : i32 {
      %mul3A_57 = arith.constant 32 : i32
      %mul3A_58 = arith.muli %while3A_56, %mul3A_57 : i32
      %add3A_59 = arith.addi %add3A, %mul3A_58 : i32
      %mul3A_60 = arith.constant 128 : i32
      %mul3A_61 = arith.muli %add3A_59, %mul3A_60 : i32
      %run_scoped3A = arith.constant 0 : i32
      "tpu.region"() ({
        %run_scoped3A_70 = tpu.sem_alloc : memref<!tpu.dma_semaphore, #tpu.memory_space<semaphore_mem>>
        %dma_start3A_71 = arith.constant 0 : i32
        %dma_start3A_72 = tpu.memref_slice %arg7[%run_scoped3A, %dma_start3A_71] : memref<1x128xi32, #tpu.memory_space<vmem>> -> memref<1x128xi32, #tpu.memory_space<vmem>>
        %dma_start3A_73 = tpu.memref_squeeze %dma_start3A_72 : memref<1x128xi32, #tpu.memory_space<vmem>> -> memref<128xi32, #tpu.memory_space<vmem>>
        %dma_start3A_74 = tpu.memref_slice %arg3[%mul3A_61] : memref<320000xi32, #tpu.memory_space<hbm>> -> memref<128xi32, #tpu.memory_space<hbm>>
        %dma_start3A_75 = arith.constant 0 : i32
        %dma_start3A_76 = tpu.memref_slice %arg7[%run_scoped3A, %dma_start3A_75] : memref<1x128xi32, #tpu.memory_space<vmem>> -> memref<1x128xi32, #tpu.memory_space<vmem>>
        %dma_start3A_77 = tpu.memref_squeeze %dma_start3A_76 : memref<1x128xi32, #tpu.memory_space<vmem>> -> memref<128xi32, #tpu.memory_space<vmem>>
        %dma_start3A_78 = tpu.memref_slice %arg3[%mul3A_61] : memref<320000xi32, #tpu.memory_space<hbm>> -> memref<128xi32, #tpu.memory_space<hbm>>
        tpu.enqueue_dma source(%dma_start3A_78 : memref<128xi32, #tpu.memory_space<hbm>>) target(%dma_start3A_77 : memref<128xi32, #tpu.memory_space<vmem>>) target_semaphore(%run_scoped3A_70 : memref<!tpu.dma_semaphore, #tpu.memory_space<semaphore_mem>>)
        %dma_wait3A_79 = arith.constant 0 : i32
        %dma_wait3A_80 = tpu.memref_slice %arg7[%run_scoped3A, %dma_wait3A_79] : memref<1x128xi32, #tpu.memory_space<vmem>> -> memref<1x128xi32, #tpu.memory_space<vmem>>
        %dma_wait3A_81 = tpu.memref_squeeze %dma_wait3A_80 : memref<1x128xi32, #tpu.memory_space<vmem>> -> memref<128xi32, #tpu.memory_space<vmem>>
        %dma_wait3A_82 = tpu.memref_slice %arg3[%mul3A_61] : memref<320000xi32, #tpu.memory_space<hbm>> -> memref<128xi32, #tpu.memory_space<hbm>>
        %dma_wait3A_83 = arith.constant 0 : i32
        %dma_wait3A_84 = tpu.memref_slice %arg7[%run_scoped3A, %dma_wait3A_83] : memref<1x128xi32, #tpu.memory_space<vmem>> -> memref<1x128xi32, #tpu.memory_space<vmem>>
        %dma_wait3A_85 = tpu.memref_squeeze %dma_wait3A_84 : memref<1x128xi32, #tpu.memory_space<vmem>> -> memref<128xi32, #tpu.memory_space<vmem>>
        %dma_wait3A_86 = tpu.memref_slice %arg3[%mul3A_61] : memref<320000xi32, #tpu.memory_space<hbm>> -> memref<128xi32, #tpu.memory_space<hbm>>
        tpu.wait_dma2 semaphore(%run_scoped3A_70 : memref<!tpu.dma_semaphore, #tpu.memory_space<semaphore_mem>>) src(%dma_wait3A_86 : memref<128xi32, #tpu.memory_space<hbm>>) dst(%dma_wait3A_85 : memref<128xi32, #tpu.memory_space<vmem>>)
        tpu.yield
      }) : () -> ()
      %dma_start3A = arith.constant 0 : i32
      %dma_start3A_62 = tpu.memref_slice %arg2[%mul3A_61, %dma_start3A] : memref<320000x16xf32, #tpu.memory_space<hbm>> -> memref<128x16xf32, #tpu.memory_space<hbm>>
      %dma_start3A_63 = arith.constant 0 : i32
      %dma_start3A_64 = tpu.memref_slice %arg2[%mul3A_61, %dma_start3A_63] : memref<320000x16xf32, #tpu.memory_space<hbm>> -> memref<128x16xf32, #tpu.memory_space<hbm>>
      tpu.enqueue_dma source(%dma_start3A_64 : memref<128x16xf32, #tpu.memory_space<hbm>>) target(%arg8 : memref<128x16xf32, #tpu.memory_space<vmem>>) target_semaphore(%arg12 : memref<!tpu.dma_semaphore, #tpu.memory_space<semaphore_mem>>)
      %dma_wait3A = arith.constant 0 : i32
      %dma_wait3A_65 = tpu.memref_slice %arg2[%mul3A_61, %dma_wait3A] : memref<320000x16xf32, #tpu.memory_space<hbm>> -> memref<128x16xf32, #tpu.memory_space<hbm>>
      %dma_wait3A_66 = arith.constant 0 : i32
      %dma_wait3A_67 = tpu.memref_slice %arg2[%mul3A_61, %dma_wait3A_66] : memref<320000x16xf32, #tpu.memory_space<hbm>> -> memref<128x16xf32, #tpu.memory_space<hbm>>
      tpu.wait_dma2 semaphore(%arg12 : memref<!tpu.dma_semaphore, #tpu.memory_space<semaphore_mem>>) src(%dma_wait3A_67 : memref<128x16xf32, #tpu.memory_space<hbm>>) dst(%arg8 : memref<128x16xf32, #tpu.memory_space<vmem>>)
      %run_scoped3A_68 = arith.constant 0 : i32
      "tpu.region"() ({
        %run_scoped3A_70 = tpu.sem_alloc : memref<!tpu.dma_semaphore, #tpu.memory_space<semaphore_mem>>
        %dma_start3A_71 = arith.constant 0 : i32
        %dma_start3A_72 = tpu.memref_slice %arg7[%run_scoped3A_68, %dma_start3A_71] : memref<1x128xi32, #tpu.memory_space<vmem>> -> memref<1x128xi32, #tpu.memory_space<vmem>>
        %dma_start3A_73 = tpu.memref_squeeze %dma_start3A_72 : memref<1x128xi32, #tpu.memory_space<vmem>> -> memref<128xi32, #tpu.memory_space<vmem>>
        %dma_start3A_74 = arith.constant 0 : i32
        %dma_start3A_75 = arith.constant 0 : i32
        %dma_start3A_76 = tpu.memref_slice %arg10[%dma_start3A_74, %dma_start3A_75] : memref<10000x16xf32, #tpu.memory_space<vmem_shared>> -> memref<10000x16xf32, #tpu.memory_space<vmem_shared>>
        tpu.enqueue_indirect_dma source(%arg8 : memref<128x16xf32, #tpu.memory_space<vmem>>) target(%dma_start3A_76 : memref<10000x16xf32, #tpu.memory_space<vmem_shared>>) offsets(%dma_start3A_73 : memref<128xi32, #tpu.memory_space<vmem>>) semaphore(%run_scoped3A_70 : memref<!tpu.dma_semaphore, #tpu.memory_space<semaphore_mem>>) {add = true}
        %dma_wait3A_77 = arith.constant 0 : i32
        %dma_wait3A_78 = tpu.memref_slice %arg7[%run_scoped3A_68, %dma_wait3A_77] : memref<1x128xi32, #tpu.memory_space<vmem>> -> memref<1x128xi32, #tpu.memory_space<vmem>>
        %dma_wait3A_79 = tpu.memref_squeeze %dma_wait3A_78 : memref<1x128xi32, #tpu.memory_space<vmem>> -> memref<128xi32, #tpu.memory_space<vmem>>
        %dma_wait3A_80 = arith.constant 0 : i32
        %dma_wait3A_81 = arith.constant 0 : i32
        %dma_wait3A_82 = tpu.memref_slice %arg10[%dma_wait3A_80, %dma_wait3A_81] : memref<10000x16xf32, #tpu.memory_space<vmem_shared>> -> memref<10000x16xf32, #tpu.memory_space<vmem_shared>>
        tpu.wait_indirect_dma semaphore(%run_scoped3A_70 : memref<!tpu.dma_semaphore, #tpu.memory_space<semaphore_mem>>) src(%arg8 : memref<128x16xf32, #tpu.memory_space<vmem>>) dst(%dma_wait3A_82 : memref<10000x16xf32, #tpu.memory_space<vmem_shared>>)
        tpu.yield
      }) : () -> ()
      %run_scoped3A_69 = arith.constant 0 : i32
      "tpu.region"() ({
        %run_scoped3A_70 = tpu.sem_alloc : memref<!tpu.dma_semaphore, #tpu.memory_space<semaphore_mem>>
        %dma_start3A_71 = arith.constant 0 : i32
        %dma_start3A_72 = tpu.memref_slice %arg7[%run_scoped3A_69, %dma_start3A_71] : memref<1x128xi32, #tpu.memory_space<vmem>> -> memref<1x128xi32, #tpu.memory_space<vmem>>
        %dma_start3A_73 = tpu.memref_squeeze %dma_start3A_72 : memref<1x128xi32, #tpu.memory_space<vmem>> -> memref<128xi32, #tpu.memory_space<vmem>>
        %dma_start3A_74 = arith.constant 0 : i32
        %dma_start3A_75 = arith.constant 0 : i32
        %dma_start3A_76 = tpu.memref_slice %arg11[%dma_start3A_74, %dma_start3A_75] : memref<10000x16xf32, #tpu.memory_space<vmem_shared>> -> memref<10000x16xf32, #tpu.memory_space<vmem_shared>>
        tpu.enqueue_indirect_dma source(%arg9 : memref<128x16xf32, #tpu.memory_space<vmem>>) target(%dma_start3A_76 : memref<10000x16xf32, #tpu.memory_space<vmem_shared>>) offsets(%dma_start3A_73 : memref<128xi32, #tpu.memory_space<vmem>>) semaphore(%run_scoped3A_70 : memref<!tpu.dma_semaphore, #tpu.memory_space<semaphore_mem>>) {add = true}
        %dma_wait3A_77 = arith.constant 0 : i32
        %dma_wait3A_78 = tpu.memref_slice %arg7[%run_scoped3A_69, %dma_wait3A_77] : memref<1x128xi32, #tpu.memory_space<vmem>> -> memref<1x128xi32, #tpu.memory_space<vmem>>
        %dma_wait3A_79 = tpu.memref_squeeze %dma_wait3A_78 : memref<1x128xi32, #tpu.memory_space<vmem>> -> memref<128xi32, #tpu.memory_space<vmem>>
        %dma_wait3A_80 = arith.constant 0 : i32
        %dma_wait3A_81 = arith.constant 0 : i32
        %dma_wait3A_82 = tpu.memref_slice %arg11[%dma_wait3A_80, %dma_wait3A_81] : memref<10000x16xf32, #tpu.memory_space<vmem_shared>> -> memref<10000x16xf32, #tpu.memory_space<vmem_shared>>
        tpu.wait_indirect_dma semaphore(%run_scoped3A_70 : memref<!tpu.dma_semaphore, #tpu.memory_space<semaphore_mem>>) src(%arg9 : memref<128x16xf32, #tpu.memory_space<vmem>>) dst(%dma_wait3A_82 : memref<10000x16xf32, #tpu.memory_space<vmem_shared>>)
        tpu.yield
      }) : () -> ()
    }
    %while3A_44 = arith.constant 1 : i32
    scf.for %while3A_56 = %while3A_42 to %while3A_38 step %while3A_44  : i32 {
      %mul3A_57 = arith.constant 32 : i32
      %mul3A_58 = arith.muli %while3A_56, %mul3A_57 : i32
      %add3A_59 = arith.addi %add3A, %mul3A_58 : i32
      %mul3A_60 = arith.constant 128 : i32
      %mul3A_61 = arith.muli %add3A_59, %mul3A_60 : i32
      %run_scoped3A = arith.constant 0 : i32
      "tpu.region"() ({
        %run_scoped3A_70 = tpu.sem_alloc : memref<!tpu.dma_semaphore, #tpu.memory_space<semaphore_mem>>
        %dma_start3A_71 = arith.constant 0 : i32
        %dma_start3A_72 = tpu.memref_slice %arg7[%run_scoped3A, %dma_start3A_71] : memref<1x128xi32, #tpu.memory_space<vmem>> -> memref<1x128xi32, #tpu.memory_space<vmem>>
        %dma_start3A_73 = tpu.memref_squeeze %dma_start3A_72 : memref<1x128xi32, #tpu.memory_space<vmem>> -> memref<128xi32, #tpu.memory_space<vmem>>
        %dma_start3A_74 = tpu.memref_slice %arg3[%mul3A_61] : memref<320000xi32, #tpu.memory_space<hbm>> -> memref<128xi32, #tpu.memory_space<hbm>>
        %dma_start3A_75 = arith.constant 0 : i32
        %dma_start3A_76 = tpu.memref_slice %arg7[%run_scoped3A, %dma_start3A_75] : memref<1x128xi32, #tpu.memory_space<vmem>> -> memref<1x128xi32, #tpu.memory_space<vmem>>
        %dma_start3A_77 = tpu.memref_squeeze %dma_start3A_76 : memref<1x128xi32, #tpu.memory_space<vmem>> -> memref<128xi32, #tpu.memory_space<vmem>>
        %dma_start3A_78 = tpu.memref_slice %arg3[%mul3A_61] : memref<320000xi32, #tpu.memory_space<hbm>> -> memref<128xi32, #tpu.memory_space<hbm>>
        tpu.enqueue_dma source(%dma_start3A_78 : memref<128xi32, #tpu.memory_space<hbm>>) target(%dma_start3A_77 : memref<128xi32, #tpu.memory_space<vmem>>) target_semaphore(%run_scoped3A_70 : memref<!tpu.dma_semaphore, #tpu.memory_space<semaphore_mem>>)
        %dma_wait3A_79 = arith.constant 0 : i32
        %dma_wait3A_80 = tpu.memref_slice %arg7[%run_scoped3A, %dma_wait3A_79] : memref<1x128xi32, #tpu.memory_space<vmem>> -> memref<1x128xi32, #tpu.memory_space<vmem>>
        %dma_wait3A_81 = tpu.memref_squeeze %dma_wait3A_80 : memref<1x128xi32, #tpu.memory_space<vmem>> -> memref<128xi32, #tpu.memory_space<vmem>>
        %dma_wait3A_82 = tpu.memref_slice %arg3[%mul3A_61] : memref<320000xi32, #tpu.memory_space<hbm>> -> memref<128xi32, #tpu.memory_space<hbm>>
        %dma_wait3A_83 = arith.constant 0 : i32
        %dma_wait3A_84 = tpu.memref_slice %arg7[%run_scoped3A, %dma_wait3A_83] : memref<1x128xi32, #tpu.memory_space<vmem>> -> memref<1x128xi32, #tpu.memory_space<vmem>>
        %dma_wait3A_85 = tpu.memref_squeeze %dma_wait3A_84 : memref<1x128xi32, #tpu.memory_space<vmem>> -> memref<128xi32, #tpu.memory_space<vmem>>
        %dma_wait3A_86 = tpu.memref_slice %arg3[%mul3A_61] : memref<320000xi32, #tpu.memory_space<hbm>> -> memref<128xi32, #tpu.memory_space<hbm>>
        tpu.wait_dma2 semaphore(%run_scoped3A_70 : memref<!tpu.dma_semaphore, #tpu.memory_space<semaphore_mem>>) src(%dma_wait3A_86 : memref<128xi32, #tpu.memory_space<hbm>>) dst(%dma_wait3A_85 : memref<128xi32, #tpu.memory_space<vmem>>)
        tpu.yield
      }) : () -> ()
      %dma_start3A = arith.constant 0 : i32
      %dma_start3A_62 = tpu.memref_slice %arg2[%mul3A_61, %dma_start3A] : memref<320000x16xf32, #tpu.memory_space<hbm>> -> memref<128x16xf32, #tpu.memory_space<hbm>>
      %dma_start3A_63 = arith.constant 0 : i32
      %dma_start3A_64 = tpu.memref_slice %arg2[%mul3A_61, %dma_start3A_63] : memref<320000x16xf32, #tpu.memory_space<hbm>> -> memref<128x16xf32, #tpu.memory_space<hbm>>
      tpu.enqueue_dma source(%dma_start3A_64 : memref<128x16xf32, #tpu.memory_space<hbm>>) target(%arg8 : memref<128x16xf32, #tpu.memory_space<vmem>>) target_semaphore(%arg12 : memref<!tpu.dma_semaphore, #tpu.memory_space<semaphore_mem>>)
      %dma_wait3A = arith.constant 0 : i32
      %dma_wait3A_65 = tpu.memref_slice %arg2[%mul3A_61, %dma_wait3A] : memref<320000x16xf32, #tpu.memory_space<hbm>> -> memref<128x16xf32, #tpu.memory_space<hbm>>
      %dma_wait3A_66 = arith.constant 0 : i32
      %dma_wait3A_67 = tpu.memref_slice %arg2[%mul3A_61, %dma_wait3A_66] : memref<320000x16xf32, #tpu.memory_space<hbm>> -> memref<128x16xf32, #tpu.memory_space<hbm>>
      tpu.wait_dma2 semaphore(%arg12 : memref<!tpu.dma_semaphore, #tpu.memory_space<semaphore_mem>>) src(%dma_wait3A_67 : memref<128x16xf32, #tpu.memory_space<hbm>>) dst(%arg8 : memref<128x16xf32, #tpu.memory_space<vmem>>)
      %run_scoped3A_68 = arith.constant 0 : i32
      "tpu.region"() ({
        %run_scoped3A_70 = tpu.sem_alloc : memref<!tpu.dma_semaphore, #tpu.memory_space<semaphore_mem>>
        %dma_start3A_71 = arith.constant 0 : i32
        %dma_start3A_72 = tpu.memref_slice %arg7[%run_scoped3A_68, %dma_start3A_71] : memref<1x128xi32, #tpu.memory_space<vmem>> -> memref<1x128xi32, #tpu.memory_space<vmem>>
        %dma_start3A_73 = tpu.memref_squeeze %dma_start3A_72 : memref<1x128xi32, #tpu.memory_space<vmem>> -> memref<128xi32, #tpu.memory_space<vmem>>
        %dma_start3A_74 = arith.constant 0 : i32
        %dma_start3A_75 = arith.constant 0 : i32
        %dma_start3A_76 = tpu.memref_slice %arg10[%dma_start3A_74, %dma_start3A_75] : memref<10000x16xf32, #tpu.memory_space<vmem_shared>> -> memref<10000x16xf32, #tpu.memory_space<vmem_shared>>
        tpu.enqueue_indirect_dma source(%arg8 : memref<128x16xf32, #tpu.memory_space<vmem>>) target(%dma_start3A_76 : memref<10000x16xf32, #tpu.memory_space<vmem_shared>>) offsets(%dma_start3A_73 : memref<128xi32, #tpu.memory_space<vmem>>) semaphore(%run_scoped3A_70 : memref<!tpu.dma_semaphore, #tpu.memory_space<semaphore_mem>>) {add = true}
        %dma_wait3A_77 = arith.constant 0 : i32
        %dma_wait3A_78 = tpu.memref_slice %arg7[%run_scoped3A_68, %dma_wait3A_77] : memref<1x128xi32, #tpu.memory_space<vmem>> -> memref<1x128xi32, #tpu.memory_space<vmem>>
        %dma_wait3A_79 = tpu.memref_squeeze %dma_wait3A_78 : memref<1x128xi32, #tpu.memory_space<vmem>> -> memref<128xi32, #tpu.memory_space<vmem>>
        %dma_wait3A_80 = arith.constant 0 : i32
        %dma_wait3A_81 = arith.constant 0 : i32
        %dma_wait3A_82 = tpu.memref_slice %arg10[%dma_wait3A_80, %dma_wait3A_81] : memref<10000x16xf32, #tpu.memory_space<vmem_shared>> -> memref<10000x16xf32, #tpu.memory_space<vmem_shared>>
        tpu.wait_indirect_dma semaphore(%run_scoped3A_70 : memref<!tpu.dma_semaphore, #tpu.memory_space<semaphore_mem>>) src(%arg8 : memref<128x16xf32, #tpu.memory_space<vmem>>) dst(%dma_wait3A_82 : memref<10000x16xf32, #tpu.memory_space<vmem_shared>>)
        tpu.yield
      }) : () -> ()
      %run_scoped3A_69 = arith.constant 0 : i32
      "tpu.region"() ({
        %run_scoped3A_70 = tpu.sem_alloc : memref<!tpu.dma_semaphore, #tpu.memory_space<semaphore_mem>>
        %dma_start3A_71 = arith.constant 0 : i32
        %dma_start3A_72 = tpu.memref_slice %arg7[%run_scoped3A_69, %dma_start3A_71] : memref<1x128xi32, #tpu.memory_space<vmem>> -> memref<1x128xi32, #tpu.memory_space<vmem>>
        %dma_start3A_73 = tpu.memref_squeeze %dma_start3A_72 : memref<1x128xi32, #tpu.memory_space<vmem>> -> memref<128xi32, #tpu.memory_space<vmem>>
        %dma_start3A_74 = arith.constant 0 : i32
        %dma_start3A_75 = arith.constant 0 : i32
        %dma_start3A_76 = tpu.memref_slice %arg11[%dma_start3A_74, %dma_start3A_75] : memref<10000x16xf32, #tpu.memory_space<vmem_shared>> -> memref<10000x16xf32, #tpu.memory_space<vmem_shared>>
        tpu.enqueue_indirect_dma source(%arg9 : memref<128x16xf32, #tpu.memory_space<vmem>>) target(%dma_start3A_76 : memref<10000x16xf32, #tpu.memory_space<vmem_shared>>) offsets(%dma_start3A_73 : memref<128xi32, #tpu.memory_space<vmem>>) semaphore(%run_scoped3A_70 : memref<!tpu.dma_semaphore, #tpu.memory_space<semaphore_mem>>) {add = true}
        %dma_wait3A_77 = arith.constant 0 : i32
        %dma_wait3A_78 = tpu.memref_slice %arg7[%run_scoped3A_69, %dma_wait3A_77] : memref<1x128xi32, #tpu.memory_space<vmem>> -> memref<1x128xi32, #tpu.memory_space<vmem>>
        %dma_wait3A_79 = tpu.memref_squeeze %dma_wait3A_78 : memref<1x128xi32, #tpu.memory_space<vmem>> -> memref<128xi32, #tpu.memory_space<vmem>>
        %dma_wait3A_80 = arith.constant 0 : i32
        %dma_wait3A_81 = arith.constant 0 : i32
        %dma_wait3A_82 = tpu.memref_slice %arg11[%dma_wait3A_80, %dma_wait3A_81] : memref<10000x16xf32, #tpu.memory_space<vmem_shared>> -> memref<10000x16xf32, #tpu.memory_space<vmem_shared>>
        tpu.wait_indirect_dma semaphore(%run_scoped3A_70 : memref<!tpu.dma_semaphore, #tpu.memory_space<semaphore_mem>>) src(%arg9 : memref<128x16xf32, #tpu.memory_space<vmem>>) dst(%dma_wait3A_82 : memref<10000x16xf32, #tpu.memory_space<vmem_shared>>)
        tpu.yield
      }) : () -> ()
    }
    %barrier3A_45 = arith.constant 0 : index
    tpu.barrier barrier_id(%barrier3A_45)
    %lt3A_46 = arith.constant 15 : i32
    %lt3A_47 = arith.cmpi slt, %arg1, %lt3A_46 : i32
    %convert_element_type3A_48 = arith.extui %lt3A_47 : i1 to i32
    %cond3A_49 = arith.constant 0 : i32
    %cond3A_50 = arith.cmpi ne, %convert_element_type3A_48, %cond3A_49 : i32
    scf.if %cond3A_50 {
      "tpu.region"() ({
        %run_scoped3A = tpu.sem_alloc : memref<!tpu.dma_semaphore, #tpu.memory_space<semaphore_mem>>
        %dma_start3A = arith.constant 0 : i32
        %dma_start3A_56 = tpu.memref_slice %arg5[%arg0, %mul3A_29, %dma_start3A] : memref<2x10000x16xf32, #tpu.memory_space<hbm>> -> memref<1x632x16xf32, #tpu.memory_space<hbm>>
        %dma_start3A_57 = tpu.memref_squeeze %dma_start3A_56 : memref<1x632x16xf32, #tpu.memory_space<hbm>> -> memref<632x16xf32, #tpu.memory_space<hbm>>
        %dma_start3A_58 = arith.constant 0 : i32
        %dma_start3A_59 = tpu.memref_slice %arg10[%mul3A_29, %dma_start3A_58] : memref<10000x16xf32, #tpu.memory_space<vmem_shared>> -> memref<632x16xf32, #tpu.memory_space<vmem_shared>>
        tpu.enqueue_dma source(%dma_start3A_59 : memref<632x16xf32, #tpu.memory_space<vmem_shared>>) target(%dma_start3A_57 : memref<632x16xf32, #tpu.memory_space<hbm>>) target_semaphore(%run_scoped3A : memref<!tpu.dma_semaphore, #tpu.memory_space<semaphore_mem>>)
        %dma_wait3A = arith.constant 0 : i32
        %dma_wait3A_60 = tpu.memref_slice %arg5[%arg0, %mul3A_29, %dma_wait3A] : memref<2x10000x16xf32, #tpu.memory_space<hbm>> -> memref<1x632x16xf32, #tpu.memory_space<hbm>>
        %dma_wait3A_61 = tpu.memref_squeeze %dma_wait3A_60 : memref<1x632x16xf32, #tpu.memory_space<hbm>> -> memref<632x16xf32, #tpu.memory_space<hbm>>
        %dma_wait3A_62 = arith.constant 0 : i32
        %dma_wait3A_63 = tpu.memref_slice %arg10[%mul3A_29, %dma_wait3A_62] : memref<10000x16xf32, #tpu.memory_space<vmem_shared>> -> memref<632x16xf32, #tpu.memory_space<vmem_shared>>
        tpu.wait_dma2 semaphore(%run_scoped3A : memref<!tpu.dma_semaphore, #tpu.memory_space<semaphore_mem>>) src(%dma_wait3A_63 : memref<632x16xf32, #tpu.memory_space<vmem_shared>>) dst(%dma_wait3A_61 : memref<632x16xf32, #tpu.memory_space<hbm>>)
        tpu.yield
      }) : () -> ()
      "tpu.region"() ({
        %run_scoped3A = tpu.sem_alloc : memref<!tpu.dma_semaphore, #tpu.memory_space<semaphore_mem>>
        %dma_start3A = arith.constant 0 : i32
        %dma_start3A_56 = tpu.memref_slice %arg6[%arg0, %mul3A_29, %dma_start3A] : memref<2x10000x16xf32, #tpu.memory_space<hbm>> -> memref<1x632x16xf32, #tpu.memory_space<hbm>>
        %dma_start3A_57 = tpu.memref_squeeze %dma_start3A_56 : memref<1x632x16xf32, #tpu.memory_space<hbm>> -> memref<632x16xf32, #tpu.memory_space<hbm>>
        %dma_start3A_58 = arith.constant 0 : i32
        %dma_start3A_59 = tpu.memref_slice %arg11[%mul3A_29, %dma_start3A_58] : memref<10000x16xf32, #tpu.memory_space<vmem_shared>> -> memref<632x16xf32, #tpu.memory_space<vmem_shared>>
        tpu.enqueue_dma source(%dma_start3A_59 : memref<632x16xf32, #tpu.memory_space<vmem_shared>>) target(%dma_start3A_57 : memref<632x16xf32, #tpu.memory_space<hbm>>) target_semaphore(%run_scoped3A : memref<!tpu.dma_semaphore, #tpu.memory_space<semaphore_mem>>)
        %dma_wait3A = arith.constant 0 : i32
        %dma_wait3A_60 = tpu.memref_slice %arg6[%arg0, %mul3A_29, %dma_wait3A] : memref<2x10000x16xf32, #tpu.memory_space<hbm>> -> memref<1x632x16xf32, #tpu.memory_space<hbm>>
        %dma_wait3A_61 = tpu.memref_squeeze %dma_wait3A_60 : memref<1x632x16xf32, #tpu.memory_space<hbm>> -> memref<632x16xf32, #tpu.memory_space<hbm>>
        %dma_wait3A_62 = arith.constant 0 : i32
        %dma_wait3A_63 = tpu.memref_slice %arg11[%mul3A_29, %dma_wait3A_62] : memref<10000x16xf32, #tpu.memory_space<vmem_shared>> -> memref<632x16xf32, #tpu.memory_space<vmem_shared>>
        tpu.wait_dma2 semaphore(%run_scoped3A : memref<!tpu.dma_semaphore, #tpu.memory_space<semaphore_mem>>) src(%dma_wait3A_63 : memref<632x16xf32, #tpu.memory_space<vmem_shared>>) dst(%dma_wait3A_61 : memref<632x16xf32, #tpu.memory_space<hbm>>)
        tpu.yield
      }) : () -> ()
    } else {
    }
    %eq3A_51 = arith.constant 15 : i32
    %eq3A_52 = arith.cmpi eq, %arg1, %eq3A_51 : i32
    %convert_element_type3A_53 = arith.extui %eq3A_52 : i1 to i32
    %cond3A_54 = arith.constant 0 : i32
    %cond3A_55 = arith.cmpi ne, %convert_element_type3A_53, %cond3A_54 : i32
    scf.if %cond3A_55 {
      "tpu.region"() ({
        %run_scoped3A = tpu.sem_alloc : memref<!tpu.dma_semaphore, #tpu.memory_space<semaphore_mem>>
        %dma_start3A = arith.constant 9480 : i32
        %dma_start3A_56 = arith.constant 0 : i32
        %dma_start3A_57 = tpu.memref_slice %arg5[%arg0, %dma_start3A, %dma_start3A_56] : memref<2x10000x16xf32, #tpu.memory_space<hbm>> -> memref<1x520x16xf32, #tpu.memory_space<hbm>>
        %dma_start3A_58 = tpu.memref_squeeze %dma_start3A_57 : memref<1x520x16xf32, #tpu.memory_space<hbm>> -> memref<520x16xf32, #tpu.memory_space<hbm>>
        %dma_start3A_59 = arith.constant 9480 : i32
        %dma_start3A_60 = arith.constant 0 : i32
        %dma_start3A_61 = tpu.memref_slice %arg10[%dma_start3A_59, %dma_start3A_60] : memref<10000x16xf32, #tpu.memory_space<vmem_shared>> -> memref<520x16xf32, #tpu.memory_space<vmem_shared>>
        tpu.enqueue_dma source(%dma_start3A_61 : memref<520x16xf32, #tpu.memory_space<vmem_shared>>) target(%dma_start3A_58 : memref<520x16xf32, #tpu.memory_space<hbm>>) target_semaphore(%run_scoped3A : memref<!tpu.dma_semaphore, #tpu.memory_space<semaphore_mem>>)
        %dma_wait3A = arith.constant 9480 : i32
        %dma_wait3A_62 = arith.constant 0 : i32
        %dma_wait3A_63 = tpu.memref_slice %arg5[%arg0, %dma_wait3A, %dma_wait3A_62] : memref<2x10000x16xf32, #tpu.memory_space<hbm>> -> memref<1x520x16xf32, #tpu.memory_space<hbm>>
        %dma_wait3A_64 = tpu.memref_squeeze %dma_wait3A_63 : memref<1x520x16xf32, #tpu.memory_space<hbm>> -> memref<520x16xf32, #tpu.memory_space<hbm>>
        %dma_wait3A_65 = arith.constant 9480 : i32
        %dma_wait3A_66 = arith.constant 0 : i32
        %dma_wait3A_67 = tpu.memref_slice %arg10[%dma_wait3A_65, %dma_wait3A_66] : memref<10000x16xf32, #tpu.memory_space<vmem_shared>> -> memref<520x16xf32, #tpu.memory_space<vmem_shared>>
        tpu.wait_dma2 semaphore(%run_scoped3A : memref<!tpu.dma_semaphore, #tpu.memory_space<semaphore_mem>>) src(%dma_wait3A_67 : memref<520x16xf32, #tpu.memory_space<vmem_shared>>) dst(%dma_wait3A_64 : memref<520x16xf32, #tpu.memory_space<hbm>>)
        tpu.yield
      }) : () -> ()
      "tpu.region"() ({
        %run_scoped3A = tpu.sem_alloc : memref<!tpu.dma_semaphore, #tpu.memory_space<semaphore_mem>>
        %dma_start3A = arith.constant 9480 : i32
        %dma_start3A_56 = arith.constant 0 : i32
        %dma_start3A_57 = tpu.memref_slice %arg6[%arg0, %dma_start3A, %dma_start3A_56] : memref<2x10000x16xf32, #tpu.memory_space<hbm>> -> memref<1x520x16xf32, #tpu.memory_space<hbm>>
        %dma_start3A_58 = tpu.memref_squeeze %dma_start3A_57 : memref<1x520x16xf32, #tpu.memory_space<hbm>> -> memref<520x16xf32, #tpu.memory_space<hbm>>
        %dma_start3A_59 = arith.constant 9480 : i32
        %dma_start3A_60 = arith.constant 0 : i32
        %dma_start3A_61 = tpu.memref_slice %arg11[%dma_start3A_59, %dma_start3A_60] : memref<10000x16xf32, #tpu.memory_space<vmem_shared>> -> memref<520x16xf32, #tpu.memory_space<vmem_shared>>
        tpu.enqueue_dma source(%dma_start3A_61 : memref<520x16xf32, #tpu.memory_space<vmem_shared>>) target(%dma_start3A_58 : memref<520x16xf32, #tpu.memory_space<hbm>>) target_semaphore(%run_scoped3A : memref<!tpu.dma_semaphore, #tpu.memory_space<semaphore_mem>>)
        %dma_wait3A = arith.constant 9480 : i32
        %dma_wait3A_62 = arith.constant 0 : i32
        %dma_wait3A_63 = tpu.memref_slice %arg6[%arg0, %dma_wait3A, %dma_wait3A_62] : memref<2x10000x16xf32, #tpu.memory_space<hbm>> -> memref<1x520x16xf32, #tpu.memory_space<hbm>>
        %dma_wait3A_64 = tpu.memref_squeeze %dma_wait3A_63 : memref<1x520x16xf32, #tpu.memory_space<hbm>> -> memref<520x16xf32, #tpu.memory_space<hbm>>
        %dma_wait3A_65 = arith.constant 9480 : i32
        %dma_wait3A_66 = arith.constant 0 : i32
        %dma_wait3A_67 = tpu.memref_slice %arg11[%dma_wait3A_65, %dma_wait3A_66] : memref<10000x16xf32, #tpu.memory_space<vmem_shared>> -> memref<520x16xf32, #tpu.memory_space<vmem_shared>>
        tpu.wait_dma2 semaphore(%run_scoped3A : memref<!tpu.dma_semaphore, #tpu.memory_space<semaphore_mem>>) src(%dma_wait3A_67 : memref<520x16xf32, #tpu.memory_space<vmem_shared>>) dst(%dma_wait3A_64 : memref<520x16xf32, #tpu.memory_space<hbm>>)
        tpu.yield
      }) : () -> ()
    } else {
    }
    return
  }
}

#map = affine_map<(d0, d1) -> (0, 0)>
#map1 = affine_map<(d0, d1) -> (0)>
module attributes {stable_mosaic.version = 14 : i64} {
  func.func @_gather_sum_body(%arg0: i32, %arg1: i32, %arg2: memref<10000x128xf32, #tpu.memory_space<hbm>>, %arg3: memref<10000x128xf32, #tpu.memory_space<hbm>>, %arg4: memref<320000xi32, #tpu.memory_space<hbm>>, %arg5: memref<320000xi32, #tpu.memory_space<hbm>>, %arg6: memref<320000x128xf32, #tpu.memory_space<hbm>>, %arg7: memref<128xi32, #tpu.memory_space<vmem>>, %arg8: memref<1x128xi32, #tpu.memory_space<vmem>>, %arg9: memref<128x128xf32, #tpu.memory_space<vmem>>, %arg10: memref<128x128xf32, #tpu.memory_space<vmem>>, %arg11: memref<!tpu.dma_semaphore, #tpu.memory_space<semaphore_mem>>, %arg12: memref<!tpu.dma_semaphore, #tpu.memory_space<semaphore_mem>>) attributes {dimension_semantics = [#tpu.dimension_semantics<core_parallel>, #tpu.dimension_semantics<subcore_parallel>], iteration_bounds = array<i64: 2, 16>, scalar_prefetch = 0 : i64, scratch_operands = 6 : i64, tpu.core_type = #tpu.core_type<sc_vector_subcore>, window_params = [{transform_indices = #map}, {transform_indices = #map}, {transform_indices = #map1}, {transform_indices = #map1}, {transform_indices = #map}]} {
    %mul3A = arith.constant 2 : i32
    %mul3A_0 = arith.muli %arg1, %mul3A : i32
    %add3A = arith.addi %mul3A_0, %arg0 : i32
    %sub3A = arith.constant 2500 : i32
    %sub3A_1 = arith.subi %sub3A, %add3A : i32
    %add3A_2 = arith.constant 32 : i32
    %add3A_3 = arith.addi %sub3A_1, %add3A_2 : i32
    %sub3A_4 = arith.constant 1 : i32
    %sub3A_5 = arith.subi %add3A_3, %sub3A_4 : i32
    %jit3A = arith.constant 32 : i32
    %div3A = arith.divsi %sub3A_5, %jit3A : i32
    %sign3A = arith.constant 0 : i32
    %sign3A_6 = arith.cmpi sgt, %sub3A_5, %sign3A : i32
    %sign3A_7 = arith.extui %sign3A_6 : i1 to i32
    %sign3A_8 = arith.constant 0 : i32
    %sign3A_9 = arith.cmpi slt, %sub3A_5, %sign3A_8 : i32
    %sign3A_10 = arith.extui %sign3A_9 : i1 to i32
    %sign3A_11 = arith.subi %sign3A_7, %sign3A_10 : i32
    %sign3A_12 = arith.constant 0 : i32
    %sign3A_13 = arith.cmpi sgt, %jit3A, %sign3A_12 : i32
    %sign3A_14 = arith.extui %sign3A_13 : i1 to i32
    %sign3A_15 = arith.constant 0 : i32
    %sign3A_16 = arith.cmpi slt, %jit3A, %sign3A_15 : i32
    %sign3A_17 = arith.extui %sign3A_16 : i1 to i32
    %sign3A_18 = arith.subi %sign3A_14, %sign3A_17 : i32
    %ne3A = arith.cmpi ne, %sign3A_11, %sign3A_18 : i32
    %rem3A = arith.remsi %sub3A_5, %jit3A : i32
    %ne3A_19 = arith.constant 0 : i32
    %ne3A_20 = arith.cmpi ne, %rem3A, %ne3A_19 : i32
    %and3A = arith.andi %ne3A, %ne3A_20 : i1
    %sub3A_21 = arith.constant 1 : i32
    %sub3A_22 = arith.subi %div3A, %sub3A_21 : i32
    %select_n3A = arith.select %and3A, %sub3A_22, %div3A : i32
    %while3A = arith.constant 0 : i32
    %while3A_23 = arith.constant 0 : i32
    %while3A_24 = arith.subi %select_n3A, %while3A_23 : i32
    %while3A_25 = arith.addi %while3A_23, %while3A_24 : i32
    %while3A_26 = arith.constant 1 : i32
    %while3A_27 = arith.divsi %while3A_24, %while3A_26 : i32
    %while3A_28 = arith.muli %while3A_27, %while3A_26 : i32
    %while3A_29 = arith.addi %while3A_23, %while3A_28 : i32
    %while3A_30 = arith.constant 1 : i32
    scf.for %while3A_32 = %while3A_23 to %while3A_29 step %while3A_30  : i32 {
      %mul3A_33 = arith.constant 32 : i32
      %mul3A_34 = arith.muli %while3A_32, %mul3A_33 : i32
      %add3A_35 = arith.addi %add3A, %mul3A_34 : i32
      %mul3A_36 = arith.constant 128 : i32
      %mul3A_37 = arith.muli %add3A_35, %mul3A_36 : i32
      "tpu.region"() ({
        %run_scoped3A_61 = tpu.sem_alloc : memref<!tpu.dma_semaphore, #tpu.memory_space<semaphore_mem>>
        %dma_start3A_62 = tpu.memref_slice %arg4[%mul3A_37] : memref<320000xi32, #tpu.memory_space<hbm>> -> memref<128xi32, #tpu.memory_space<hbm>>
        %dma_start3A_63 = tpu.memref_slice %arg4[%mul3A_37] : memref<320000xi32, #tpu.memory_space<hbm>> -> memref<128xi32, #tpu.memory_space<hbm>>
        tpu.enqueue_dma source(%dma_start3A_63 : memref<128xi32, #tpu.memory_space<hbm>>) target(%arg7 : memref<128xi32, #tpu.memory_space<vmem>>) target_semaphore(%run_scoped3A_61 : memref<!tpu.dma_semaphore, #tpu.memory_space<semaphore_mem>>)
        %dma_wait3A_64 = tpu.memref_slice %arg4[%mul3A_37] : memref<320000xi32, #tpu.memory_space<hbm>> -> memref<128xi32, #tpu.memory_space<hbm>>
        %dma_wait3A_65 = tpu.memref_slice %arg4[%mul3A_37] : memref<320000xi32, #tpu.memory_space<hbm>> -> memref<128xi32, #tpu.memory_space<hbm>>
        tpu.wait_dma2 semaphore(%run_scoped3A_61 : memref<!tpu.dma_semaphore, #tpu.memory_space<semaphore_mem>>) src(%dma_wait3A_65 : memref<128xi32, #tpu.memory_space<hbm>>) dst(%arg7 : memref<128xi32, #tpu.memory_space<vmem>>)
        tpu.yield
      }) : () -> ()
      %run_scoped3A = arith.constant 0 : i32
      "tpu.region"() ({
        %run_scoped3A_61 = tpu.sem_alloc : memref<!tpu.dma_semaphore, #tpu.memory_space<semaphore_mem>>
        %dma_start3A_62 = arith.constant 0 : i32
        %dma_start3A_63 = tpu.memref_slice %arg8[%run_scoped3A, %dma_start3A_62] : memref<1x128xi32, #tpu.memory_space<vmem>> -> memref<1x128xi32, #tpu.memory_space<vmem>>
        %dma_start3A_64 = tpu.memref_squeeze %dma_start3A_63 : memref<1x128xi32, #tpu.memory_space<vmem>> -> memref<128xi32, #tpu.memory_space<vmem>>
        %dma_start3A_65 = tpu.memref_slice %arg5[%mul3A_37] : memref<320000xi32, #tpu.memory_space<hbm>> -> memref<128xi32, #tpu.memory_space<hbm>>
        %dma_start3A_66 = arith.constant 0 : i32
        %dma_start3A_67 = tpu.memref_slice %arg8[%run_scoped3A, %dma_start3A_66] : memref<1x128xi32, #tpu.memory_space<vmem>> -> memref<1x128xi32, #tpu.memory_space<vmem>>
        %dma_start3A_68 = tpu.memref_squeeze %dma_start3A_67 : memref<1x128xi32, #tpu.memory_space<vmem>> -> memref<128xi32, #tpu.memory_space<vmem>>
        %dma_start3A_69 = tpu.memref_slice %arg5[%mul3A_37] : memref<320000xi32, #tpu.memory_space<hbm>> -> memref<128xi32, #tpu.memory_space<hbm>>
        tpu.enqueue_dma source(%dma_start3A_69 : memref<128xi32, #tpu.memory_space<hbm>>) target(%dma_start3A_68 : memref<128xi32, #tpu.memory_space<vmem>>) target_semaphore(%run_scoped3A_61 : memref<!tpu.dma_semaphore, #tpu.memory_space<semaphore_mem>>)
        %dma_wait3A_70 = arith.constant 0 : i32
        %dma_wait3A_71 = tpu.memref_slice %arg8[%run_scoped3A, %dma_wait3A_70] : memref<1x128xi32, #tpu.memory_space<vmem>> -> memref<1x128xi32, #tpu.memory_space<vmem>>
        %dma_wait3A_72 = tpu.memref_squeeze %dma_wait3A_71 : memref<1x128xi32, #tpu.memory_space<vmem>> -> memref<128xi32, #tpu.memory_space<vmem>>
        %dma_wait3A_73 = tpu.memref_slice %arg5[%mul3A_37] : memref<320000xi32, #tpu.memory_space<hbm>> -> memref<128xi32, #tpu.memory_space<hbm>>
        %dma_wait3A_74 = arith.constant 0 : i32
        %dma_wait3A_75 = tpu.memref_slice %arg8[%run_scoped3A, %dma_wait3A_74] : memref<1x128xi32, #tpu.memory_space<vmem>> -> memref<1x128xi32, #tpu.memory_space<vmem>>
        %dma_wait3A_76 = tpu.memref_squeeze %dma_wait3A_75 : memref<1x128xi32, #tpu.memory_space<vmem>> -> memref<128xi32, #tpu.memory_space<vmem>>
        %dma_wait3A_77 = tpu.memref_slice %arg5[%mul3A_37] : memref<320000xi32, #tpu.memory_space<hbm>> -> memref<128xi32, #tpu.memory_space<hbm>>
        tpu.wait_dma2 semaphore(%run_scoped3A_61 : memref<!tpu.dma_semaphore, #tpu.memory_space<semaphore_mem>>) src(%dma_wait3A_77 : memref<128xi32, #tpu.memory_space<hbm>>) dst(%dma_wait3A_76 : memref<128xi32, #tpu.memory_space<vmem>>)
        tpu.yield
      }) : () -> ()
      %dma_start3A = arith.constant 0 : i32
      %dma_start3A_38 = arith.constant 0 : i32
      %dma_start3A_39 = tpu.memref_slice %arg2[%dma_start3A, %dma_start3A_38] : memref<10000x128xf32, #tpu.memory_space<hbm>> -> memref<10000x128xf32, #tpu.memory_space<hbm>>
      tpu.enqueue_indirect_dma source(%dma_start3A_39 : memref<10000x128xf32, #tpu.memory_space<hbm>>) target(%arg9 : memref<128x128xf32, #tpu.memory_space<vmem>>) offsets(%arg7 : memref<128xi32, #tpu.memory_space<vmem>>) semaphore(%arg11 : memref<!tpu.dma_semaphore, #tpu.memory_space<semaphore_mem>>)
      %dma_start3A_40 = arith.constant 0 : i32
      %dma_start3A_41 = arith.constant 0 : i32
      %dma_start3A_42 = tpu.memref_slice %arg8[%dma_start3A_40, %dma_start3A_41] : memref<1x128xi32, #tpu.memory_space<vmem>> -> memref<1x128xi32, #tpu.memory_space<vmem>>
      %dma_start3A_43 = tpu.memref_squeeze %dma_start3A_42 : memref<1x128xi32, #tpu.memory_space<vmem>> -> memref<128xi32, #tpu.memory_space<vmem>>
      %dma_start3A_44 = arith.constant 0 : i32
      %dma_start3A_45 = arith.constant 0 : i32
      %dma_start3A_46 = tpu.memref_slice %arg3[%dma_start3A_44, %dma_start3A_45] : memref<10000x128xf32, #tpu.memory_space<hbm>> -> memref<10000x128xf32, #tpu.memory_space<hbm>>
      tpu.enqueue_indirect_dma source(%dma_start3A_46 : memref<10000x128xf32, #tpu.memory_space<hbm>>) target(%arg10 : memref<128x128xf32, #tpu.memory_space<vmem>>) offsets(%dma_start3A_43 : memref<128xi32, #tpu.memory_space<vmem>>) semaphore(%arg12 : memref<!tpu.dma_semaphore, #tpu.memory_space<semaphore_mem>>)
      %dma_wait3A = arith.constant 0 : i32
      %dma_wait3A_47 = arith.constant 0 : i32
      %dma_wait3A_48 = tpu.memref_slice %arg2[%dma_wait3A, %dma_wait3A_47] : memref<10000x128xf32, #tpu.memory_space<hbm>> -> memref<10000x128xf32, #tpu.memory_space<hbm>>
      tpu.wait_indirect_dma semaphore(%arg11 : memref<!tpu.dma_semaphore, #tpu.memory_space<semaphore_mem>>) src(%dma_wait3A_48 : memref<10000x128xf32, #tpu.memory_space<hbm>>) dst(%arg9 : memref<128x128xf32, #tpu.memory_space<vmem>>)
      %dma_wait3A_49 = arith.constant 0 : i32
      %dma_wait3A_50 = arith.constant 0 : i32
      %dma_wait3A_51 = tpu.memref_slice %arg8[%dma_wait3A_49, %dma_wait3A_50] : memref<1x128xi32, #tpu.memory_space<vmem>> -> memref<1x128xi32, #tpu.memory_space<vmem>>
      %dma_wait3A_52 = tpu.memref_squeeze %dma_wait3A_51 : memref<1x128xi32, #tpu.memory_space<vmem>> -> memref<128xi32, #tpu.memory_space<vmem>>
      %dma_wait3A_53 = arith.constant 0 : i32
      %dma_wait3A_54 = arith.constant 0 : i32
      %dma_wait3A_55 = tpu.memref_slice %arg3[%dma_wait3A_53, %dma_wait3A_54] : memref<10000x128xf32, #tpu.memory_space<hbm>> -> memref<10000x128xf32, #tpu.memory_space<hbm>>
      tpu.wait_indirect_dma semaphore(%arg12 : memref<!tpu.dma_semaphore, #tpu.memory_space<semaphore_mem>>) src(%dma_wait3A_55 : memref<10000x128xf32, #tpu.memory_space<hbm>>) dst(%arg10 : memref<128x128xf32, #tpu.memory_space<vmem>>)
      %scan3A = arith.constant 0 : i32
      %scan3A_56 = arith.constant 0 : i32
      %scan3A_57 = arith.constant 128 : i32
      %scan3A_58 = arith.addi %scan3A_56, %scan3A_57 : i32
      %scan3A_59 = arith.constant 1 : i32
      scf.for %scan3A_61 = %scan3A_56 to %scan3A_58 step %scan3A_59  : i32 {
        %get3A = arith.index_cast %scan3A_61 : i32 to index
        %get3A_62 = arith.constant 0 : index
        %get3A_63 = tpu.vector_load %arg9[%get3A, %get3A_62] {strides = array<i32>} : memref<128x128xf32, #tpu.memory_space<vmem>>, vector<1x16xf32>,
        %get3A_64 = vector.shape_cast %get3A_63 : vector<1x16xf32> to vector<16xf32>
        %get3A_65 = arith.index_cast %scan3A_61 : i32 to index
        %get3A_66 = arith.constant 0 : index
        %get3A_67 = tpu.vector_load %arg10[%get3A_65, %get3A_66] {strides = array<i32>} : memref<128x128xf32, #tpu.memory_space<vmem>>, vector<1x16xf32>,
        %get3A_68 = vector.shape_cast %get3A_67 : vector<1x16xf32> to vector<16xf32>
        %add3A_69 = arith.addf %get3A_64, %get3A_68 : vector<16xf32>
        %swap3A = arith.index_cast %scan3A_61 : i32 to index
        %swap3A_70 = arith.constant 0 : index
        %swap3A_71 = tpu.vector_load %arg9[%swap3A, %swap3A_70] {strides = array<i32>} : memref<128x128xf32, #tpu.memory_space<vmem>>, vector<1x16xf32>,
        %swap3A_72 = vector.shape_cast %swap3A_71 : vector<1x16xf32> to vector<16xf32>
        %swap3A_73 = vector.shape_cast %add3A_69 : vector<16xf32> to vector<1x16xf32>
        tpu.vector_store %arg9[%swap3A, %swap3A_70], %swap3A_73 {strides = array<i32>} : memref<128x128xf32, #tpu.memory_space<vmem>>, vector<1x16xf32>,
        %get3A_74 = arith.index_cast %scan3A_61 : i32 to index
        %get3A_75 = arith.constant 16 : index
        %get3A_76 = tpu.vector_load %arg9[%get3A_74, %get3A_75] {strides = array<i32>} : memref<128x128xf32, #tpu.memory_space<vmem>>, vector<1x16xf32>,
        %get3A_77 = vector.shape_cast %get3A_76 : vector<1x16xf32> to vector<16xf32>
        %get3A_78 = arith.index_cast %scan3A_61 : i32 to index
        %get3A_79 = arith.constant 16 : index
        %get3A_80 = tpu.vector_load %arg10[%get3A_78, %get3A_79] {strides = array<i32>} : memref<128x128xf32, #tpu.memory_space<vmem>>, vector<1x16xf32>,
        %get3A_81 = vector.shape_cast %get3A_80 : vector<1x16xf32> to vector<16xf32>
        %add3A_82 = arith.addf %get3A_77, %get3A_81 : vector<16xf32>
        %swap3A_83 = arith.index_cast %scan3A_61 : i32 to index
        %swap3A_84 = arith.constant 16 : index
        %swap3A_85 = tpu.vector_load %arg9[%swap3A_83, %swap3A_84] {strides = array<i32>} : memref<128x128xf32, #tpu.memory_space<vmem>>, vector<1x16xf32>,
        %swap3A_86 = vector.shape_cast %swap3A_85 : vector<1x16xf32> to vector<16xf32>
        %swap3A_87 = vector.shape_cast %add3A_82 : vector<16xf32> to vector<1x16xf32>
        tpu.vector_store %arg9[%swap3A_83, %swap3A_84], %swap3A_87 {strides = array<i32>} : memref<128x128xf32, #tpu.memory_space<vmem>>, vector<1x16xf32>,
        %get3A_88 = arith.index_cast %scan3A_61 : i32 to index
        %get3A_89 = arith.constant 32 : index
        %get3A_90 = tpu.vector_load %arg9[%get3A_88, %get3A_89] {strides = array<i32>} : memref<128x128xf32, #tpu.memory_space<vmem>>, vector<1x16xf32>,
        %get3A_91 = vector.shape_cast %get3A_90 : vector<1x16xf32> to vector<16xf32>
        %get3A_92 = arith.index_cast %scan3A_61 : i32 to index
        %get3A_93 = arith.constant 32 : index
        %get3A_94 = tpu.vector_load %arg10[%get3A_92, %get3A_93] {strides = array<i32>} : memref<128x128xf32, #tpu.memory_space<vmem>>, vector<1x16xf32>,
        %get3A_95 = vector.shape_cast %get3A_94 : vector<1x16xf32> to vector<16xf32>
        %add3A_96 = arith.addf %get3A_91, %get3A_95 : vector<16xf32>
        %swap3A_97 = arith.index_cast %scan3A_61 : i32 to index
        %swap3A_98 = arith.constant 32 : index
        %swap3A_99 = tpu.vector_load %arg9[%swap3A_97, %swap3A_98] {strides = array<i32>} : memref<128x128xf32, #tpu.memory_space<vmem>>, vector<1x16xf32>,
        %swap3A_100 = vector.shape_cast %swap3A_99 : vector<1x16xf32> to vector<16xf32>
        %swap3A_101 = vector.shape_cast %add3A_96 : vector<16xf32> to vector<1x16xf32>
        tpu.vector_store %arg9[%swap3A_97, %swap3A_98], %swap3A_101 {strides = array<i32>} : memref<128x128xf32, #tpu.memory_space<vmem>>, vector<1x16xf32>,
        %get3A_102 = arith.index_cast %scan3A_61 : i32 to index
        %get3A_103 = arith.constant 48 : index
        %get3A_104 = tpu.vector_load %arg9[%get3A_102, %get3A_103] {strides = array<i32>} : memref<128x128xf32, #tpu.memory_space<vmem>>, vector<1x16xf32>,
        %get3A_105 = vector.shape_cast %get3A_104 : vector<1x16xf32> to vector<16xf32>
        %get3A_106 = arith.index_cast %scan3A_61 : i32 to index
        %get3A_107 = arith.constant 48 : index
        %get3A_108 = tpu.vector_load %arg10[%get3A_106, %get3A_107] {strides = array<i32>} : memref<128x128xf32, #tpu.memory_space<vmem>>, vector<1x16xf32>,
        %get3A_109 = vector.shape_cast %get3A_108 : vector<1x16xf32> to vector<16xf32>
        %add3A_110 = arith.addf %get3A_105, %get3A_109 : vector<16xf32>
        %swap3A_111 = arith.index_cast %scan3A_61 : i32 to index
        %swap3A_112 = arith.constant 48 : index
        %swap3A_113 = tpu.vector_load %arg9[%swap3A_111, %swap3A_112] {strides = array<i32>} : memref<128x128xf32, #tpu.memory_space<vmem>>, vector<1x16xf32>,
        %swap3A_114 = vector.shape_cast %swap3A_113 : vector<1x16xf32> to vector<16xf32>
        %swap3A_115 = vector.shape_cast %add3A_110 : vector<16xf32> to vector<1x16xf32>
        tpu.vector_store %arg9[%swap3A_111, %swap3A_112], %swap3A_115 {strides = array<i32>} : memref<128x128xf32, #tpu.memory_space<vmem>>, vector<1x16xf32>,
        %get3A_116 = arith.index_cast %scan3A_61 : i32 to index
        %get3A_117 = arith.constant 64 : index
        %get3A_118 = tpu.vector_load %arg9[%get3A_116, %get3A_117] {strides = array<i32>} : memref<128x128xf32, #tpu.memory_space<vmem>>, vector<1x16xf32>,
        %get3A_119 = vector.shape_cast %get3A_118 : vector<1x16xf32> to vector<16xf32>
        %get3A_120 = arith.index_cast %scan3A_61 : i32 to index
        %get3A_121 = arith.constant 64 : index
        %get3A_122 = tpu.vector_load %arg10[%get3A_120, %get3A_121] {strides = array<i32>} : memref<128x128xf32, #tpu.memory_space<vmem>>, vector<1x16xf32>,
        %get3A_123 = vector.shape_cast %get3A_122 : vector<1x16xf32> to vector<16xf32>
        %add3A_124 = arith.addf %get3A_119, %get3A_123 : vector<16xf32>
        %swap3A_125 = arith.index_cast %scan3A_61 : i32 to index
        %swap3A_126 = arith.constant 64 : index
        %swap3A_127 = tpu.vector_load %arg9[%swap3A_125, %swap3A_126] {strides = array<i32>} : memref<128x128xf32, #tpu.memory_space<vmem>>, vector<1x16xf32>,
        %swap3A_128 = vector.shape_cast %swap3A_127 : vector<1x16xf32> to vector<16xf32>
        %swap3A_129 = vector.shape_cast %add3A_124 : vector<16xf32> to vector<1x16xf32>
        tpu.vector_store %arg9[%swap3A_125, %swap3A_126], %swap3A_129 {strides = array<i32>} : memref<128x128xf32, #tpu.memory_space<vmem>>, vector<1x16xf32>,
        %get3A_130 = arith.index_cast %scan3A_61 : i32 to index
        %get3A_131 = arith.constant 80 : index
        %get3A_132 = tpu.vector_load %arg9[%get3A_130, %get3A_131] {strides = array<i32>} : memref<128x128xf32, #tpu.memory_space<vmem>>, vector<1x16xf32>,
        %get3A_133 = vector.shape_cast %get3A_132 : vector<1x16xf32> to vector<16xf32>
        %get3A_134 = arith.index_cast %scan3A_61 : i32 to index
        %get3A_135 = arith.constant 80 : index
        %get3A_136 = tpu.vector_load %arg10[%get3A_134, %get3A_135] {strides = array<i32>} : memref<128x128xf32, #tpu.memory_space<vmem>>, vector<1x16xf32>,
        %get3A_137 = vector.shape_cast %get3A_136 : vector<1x16xf32> to vector<16xf32>
        %add3A_138 = arith.addf %get3A_133, %get3A_137 : vector<16xf32>
        %swap3A_139 = arith.index_cast %scan3A_61 : i32 to index
        %swap3A_140 = arith.constant 80 : index
        %swap3A_141 = tpu.vector_load %arg9[%swap3A_139, %swap3A_140] {strides = array<i32>} : memref<128x128xf32, #tpu.memory_space<vmem>>, vector<1x16xf32>,
        %swap3A_142 = vector.shape_cast %swap3A_141 : vector<1x16xf32> to vector<16xf32>
        %swap3A_143 = vector.shape_cast %add3A_138 : vector<16xf32> to vector<1x16xf32>
        tpu.vector_store %arg9[%swap3A_139, %swap3A_140], %swap3A_143 {strides = array<i32>} : memref<128x128xf32, #tpu.memory_space<vmem>>, vector<1x16xf32>,
        %get3A_144 = arith.index_cast %scan3A_61 : i32 to index
        %get3A_145 = arith.constant 96 : index
        %get3A_146 = tpu.vector_load %arg9[%get3A_144, %get3A_145] {strides = array<i32>} : memref<128x128xf32, #tpu.memory_space<vmem>>, vector<1x16xf32>,
        %get3A_147 = vector.shape_cast %get3A_146 : vector<1x16xf32> to vector<16xf32>
        %get3A_148 = arith.index_cast %scan3A_61 : i32 to index
        %get3A_149 = arith.constant 96 : index
        %get3A_150 = tpu.vector_load %arg10[%get3A_148, %get3A_149] {strides = array<i32>} : memref<128x128xf32, #tpu.memory_space<vmem>>, vector<1x16xf32>,
        %get3A_151 = vector.shape_cast %get3A_150 : vector<1x16xf32> to vector<16xf32>
        %add3A_152 = arith.addf %get3A_147, %get3A_151 : vector<16xf32>
        %swap3A_153 = arith.index_cast %scan3A_61 : i32 to index
        %swap3A_154 = arith.constant 96 : index
        %swap3A_155 = tpu.vector_load %arg9[%swap3A_153, %swap3A_154] {strides = array<i32>} : memref<128x128xf32, #tpu.memory_space<vmem>>, vector<1x16xf32>,
        %swap3A_156 = vector.shape_cast %swap3A_155 : vector<1x16xf32> to vector<16xf32>
        %swap3A_157 = vector.shape_cast %add3A_152 : vector<16xf32> to vector<1x16xf32>
        tpu.vector_store %arg9[%swap3A_153, %swap3A_154], %swap3A_157 {strides = array<i32>} : memref<128x128xf32, #tpu.memory_space<vmem>>, vector<1x16xf32>,
        %get3A_158 = arith.index_cast %scan3A_61 : i32 to index
        %get3A_159 = arith.constant 112 : index
        %get3A_160 = tpu.vector_load %arg9[%get3A_158, %get3A_159] {strides = array<i32>} : memref<128x128xf32, #tpu.memory_space<vmem>>, vector<1x16xf32>,
        %get3A_161 = vector.shape_cast %get3A_160 : vector<1x16xf32> to vector<16xf32>
        %get3A_162 = arith.index_cast %scan3A_61 : i32 to index
        %get3A_163 = arith.constant 112 : index
        %get3A_164 = tpu.vector_load %arg10[%get3A_162, %get3A_163] {strides = array<i32>} : memref<128x128xf32, #tpu.memory_space<vmem>>, vector<1x16xf32>,
        %get3A_165 = vector.shape_cast %get3A_164 : vector<1x16xf32> to vector<16xf32>
        %add3A_166 = arith.addf %get3A_161, %get3A_165 : vector<16xf32>
        %swap3A_167 = arith.index_cast %scan3A_61 : i32 to index
        %swap3A_168 = arith.constant 112 : index
        %swap3A_169 = tpu.vector_load %arg9[%swap3A_167, %swap3A_168] {strides = array<i32>} : memref<128x128xf32, #tpu.memory_space<vmem>>, vector<1x16xf32>,
        %swap3A_170 = vector.shape_cast %swap3A_169 : vector<1x16xf32> to vector<16xf32>
        %swap3A_171 = vector.shape_cast %add3A_166 : vector<16xf32> to vector<1x16xf32>
        tpu.vector_store %arg9[%swap3A_167, %swap3A_168], %swap3A_171 {strides = array<i32>} : memref<128x128xf32, #tpu.memory_space<vmem>>, vector<1x16xf32>,
      }
      %scan3A_60 = arith.constant 128 : i32
      "tpu.region"() ({
        %run_scoped3A_61 = tpu.sem_alloc : memref<!tpu.dma_semaphore, #tpu.memory_space<semaphore_mem>>
        %dma_start3A_62 = arith.constant 0 : i32
        %dma_start3A_63 = tpu.memref_slice %arg6[%mul3A_37, %dma_start3A_62] : memref<320000x128xf32, #tpu.memory_space<hbm>> -> memref<128x128xf32, #tpu.memory_space<hbm>>
        %dma_start3A_64 = arith.constant 0 : i32
        %dma_start3A_65 = tpu.memref_slice %arg6[%mul3A_37, %dma_start3A_64] : memref<320000x128xf32, #tpu.memory_space<hbm>> -> memref<128x128xf32, #tpu.memory_space<hbm>>
        tpu.enqueue_dma source(%arg9 : memref<128x128xf32, #tpu.memory_space<vmem>>) target(%dma_start3A_65 : memref<128x128xf32, #tpu.memory_space<hbm>>) target_semaphore(%run_scoped3A_61 : memref<!tpu.dma_semaphore, #tpu.memory_space<semaphore_mem>>)
        %dma_wait3A_66 = arith.constant 0 : i32
        %dma_wait3A_67 = tpu.memref_slice %arg6[%mul3A_37, %dma_wait3A_66] : memref<320000x128xf32, #tpu.memory_space<hbm>> -> memref<128x128xf32, #tpu.memory_space<hbm>>
        %dma_wait3A_68 = arith.constant 0 : i32
        %dma_wait3A_69 = tpu.memref_slice %arg6[%mul3A_37, %dma_wait3A_68] : memref<320000x128xf32, #tpu.memory_space<hbm>> -> memref<128x128xf32, #tpu.memory_space<hbm>>
        tpu.wait_dma2 semaphore(%run_scoped3A_61 : memref<!tpu.dma_semaphore, #tpu.memory_space<semaphore_mem>>) src(%arg9 : memref<128x128xf32, #tpu.memory_space<vmem>>) dst(%dma_wait3A_69 : memref<128x128xf32, #tpu.memory_space<hbm>>)
        tpu.yield
      }) : () -> ()
    }
    %while3A_31 = arith.constant 1 : i32
    scf.for %while3A_32 = %while3A_29 to %while3A_25 step %while3A_31  : i32 {
      %mul3A_33 = arith.constant 32 : i32
      %mul3A_34 = arith.muli %while3A_32, %mul3A_33 : i32
      %add3A_35 = arith.addi %add3A, %mul3A_34 : i32
      %mul3A_36 = arith.constant 128 : i32
      %mul3A_37 = arith.muli %add3A_35, %mul3A_36 : i32
      "tpu.region"() ({
        %run_scoped3A_61 = tpu.sem_alloc : memref<!tpu.dma_semaphore, #tpu.memory_space<semaphore_mem>>
        %dma_start3A_62 = tpu.memref_slice %arg4[%mul3A_37] : memref<320000xi32, #tpu.memory_space<hbm>> -> memref<128xi32, #tpu.memory_space<hbm>>
        %dma_start3A_63 = tpu.memref_slice %arg4[%mul3A_37] : memref<320000xi32, #tpu.memory_space<hbm>> -> memref<128xi32, #tpu.memory_space<hbm>>
        tpu.enqueue_dma source(%dma_start3A_63 : memref<128xi32, #tpu.memory_space<hbm>>) target(%arg7 : memref<128xi32, #tpu.memory_space<vmem>>) target_semaphore(%run_scoped3A_61 : memref<!tpu.dma_semaphore, #tpu.memory_space<semaphore_mem>>)
        %dma_wait3A_64 = tpu.memref_slice %arg4[%mul3A_37] : memref<320000xi32, #tpu.memory_space<hbm>> -> memref<128xi32, #tpu.memory_space<hbm>>
        %dma_wait3A_65 = tpu.memref_slice %arg4[%mul3A_37] : memref<320000xi32, #tpu.memory_space<hbm>> -> memref<128xi32, #tpu.memory_space<hbm>>
        tpu.wait_dma2 semaphore(%run_scoped3A_61 : memref<!tpu.dma_semaphore, #tpu.memory_space<semaphore_mem>>) src(%dma_wait3A_65 : memref<128xi32, #tpu.memory_space<hbm>>) dst(%arg7 : memref<128xi32, #tpu.memory_space<vmem>>)
        tpu.yield
      }) : () -> ()
      %run_scoped3A = arith.constant 0 : i32
      "tpu.region"() ({
        %run_scoped3A_61 = tpu.sem_alloc : memref<!tpu.dma_semaphore, #tpu.memory_space<semaphore_mem>>
        %dma_start3A_62 = arith.constant 0 : i32
        %dma_start3A_63 = tpu.memref_slice %arg8[%run_scoped3A, %dma_start3A_62] : memref<1x128xi32, #tpu.memory_space<vmem>> -> memref<1x128xi32, #tpu.memory_space<vmem>>
        %dma_start3A_64 = tpu.memref_squeeze %dma_start3A_63 : memref<1x128xi32, #tpu.memory_space<vmem>> -> memref<128xi32, #tpu.memory_space<vmem>>
        %dma_start3A_65 = tpu.memref_slice %arg5[%mul3A_37] : memref<320000xi32, #tpu.memory_space<hbm>> -> memref<128xi32, #tpu.memory_space<hbm>>
        %dma_start3A_66 = arith.constant 0 : i32
        %dma_start3A_67 = tpu.memref_slice %arg8[%run_scoped3A, %dma_start3A_66] : memref<1x128xi32, #tpu.memory_space<vmem>> -> memref<1x128xi32, #tpu.memory_space<vmem>>
        %dma_start3A_68 = tpu.memref_squeeze %dma_start3A_67 : memref<1x128xi32, #tpu.memory_space<vmem>> -> memref<128xi32, #tpu.memory_space<vmem>>
        %dma_start3A_69 = tpu.memref_slice %arg5[%mul3A_37] : memref<320000xi32, #tpu.memory_space<hbm>> -> memref<128xi32, #tpu.memory_space<hbm>>
        tpu.enqueue_dma source(%dma_start3A_69 : memref<128xi32, #tpu.memory_space<hbm>>) target(%dma_start3A_68 : memref<128xi32, #tpu.memory_space<vmem>>) target_semaphore(%run_scoped3A_61 : memref<!tpu.dma_semaphore, #tpu.memory_space<semaphore_mem>>)
        %dma_wait3A_70 = arith.constant 0 : i32
        %dma_wait3A_71 = tpu.memref_slice %arg8[%run_scoped3A, %dma_wait3A_70] : memref<1x128xi32, #tpu.memory_space<vmem>> -> memref<1x128xi32, #tpu.memory_space<vmem>>
        %dma_wait3A_72 = tpu.memref_squeeze %dma_wait3A_71 : memref<1x128xi32, #tpu.memory_space<vmem>> -> memref<128xi32, #tpu.memory_space<vmem>>
        %dma_wait3A_73 = tpu.memref_slice %arg5[%mul3A_37] : memref<320000xi32, #tpu.memory_space<hbm>> -> memref<128xi32, #tpu.memory_space<hbm>>
        %dma_wait3A_74 = arith.constant 0 : i32
        %dma_wait3A_75 = tpu.memref_slice %arg8[%run_scoped3A, %dma_wait3A_74] : memref<1x128xi32, #tpu.memory_space<vmem>> -> memref<1x128xi32, #tpu.memory_space<vmem>>
        %dma_wait3A_76 = tpu.memref_squeeze %dma_wait3A_75 : memref<1x128xi32, #tpu.memory_space<vmem>> -> memref<128xi32, #tpu.memory_space<vmem>>
        %dma_wait3A_77 = tpu.memref_slice %arg5[%mul3A_37] : memref<320000xi32, #tpu.memory_space<hbm>> -> memref<128xi32, #tpu.memory_space<hbm>>
        tpu.wait_dma2 semaphore(%run_scoped3A_61 : memref<!tpu.dma_semaphore, #tpu.memory_space<semaphore_mem>>) src(%dma_wait3A_77 : memref<128xi32, #tpu.memory_space<hbm>>) dst(%dma_wait3A_76 : memref<128xi32, #tpu.memory_space<vmem>>)
        tpu.yield
      }) : () -> ()
      %dma_start3A = arith.constant 0 : i32
      %dma_start3A_38 = arith.constant 0 : i32
      %dma_start3A_39 = tpu.memref_slice %arg2[%dma_start3A, %dma_start3A_38] : memref<10000x128xf32, #tpu.memory_space<hbm>> -> memref<10000x128xf32, #tpu.memory_space<hbm>>
      tpu.enqueue_indirect_dma source(%dma_start3A_39 : memref<10000x128xf32, #tpu.memory_space<hbm>>) target(%arg9 : memref<128x128xf32, #tpu.memory_space<vmem>>) offsets(%arg7 : memref<128xi32, #tpu.memory_space<vmem>>) semaphore(%arg11 : memref<!tpu.dma_semaphore, #tpu.memory_space<semaphore_mem>>)
      %dma_start3A_40 = arith.constant 0 : i32
      %dma_start3A_41 = arith.constant 0 : i32
      %dma_start3A_42 = tpu.memref_slice %arg8[%dma_start3A_40, %dma_start3A_41] : memref<1x128xi32, #tpu.memory_space<vmem>> -> memref<1x128xi32, #tpu.memory_space<vmem>>
      %dma_start3A_43 = tpu.memref_squeeze %dma_start3A_42 : memref<1x128xi32, #tpu.memory_space<vmem>> -> memref<128xi32, #tpu.memory_space<vmem>>
      %dma_start3A_44 = arith.constant 0 : i32
      %dma_start3A_45 = arith.constant 0 : i32
      %dma_start3A_46 = tpu.memref_slice %arg3[%dma_start3A_44, %dma_start3A_45] : memref<10000x128xf32, #tpu.memory_space<hbm>> -> memref<10000x128xf32, #tpu.memory_space<hbm>>
      tpu.enqueue_indirect_dma source(%dma_start3A_46 : memref<10000x128xf32, #tpu.memory_space<hbm>>) target(%arg10 : memref<128x128xf32, #tpu.memory_space<vmem>>) offsets(%dma_start3A_43 : memref<128xi32, #tpu.memory_space<vmem>>) semaphore(%arg12 : memref<!tpu.dma_semaphore, #tpu.memory_space<semaphore_mem>>)
      %dma_wait3A = arith.constant 0 : i32
      %dma_wait3A_47 = arith.constant 0 : i32
      %dma_wait3A_48 = tpu.memref_slice %arg2[%dma_wait3A, %dma_wait3A_47] : memref<10000x128xf32, #tpu.memory_space<hbm>> -> memref<10000x128xf32, #tpu.memory_space<hbm>>
      tpu.wait_indirect_dma semaphore(%arg11 : memref<!tpu.dma_semaphore, #tpu.memory_space<semaphore_mem>>) src(%dma_wait3A_48 : memref<10000x128xf32, #tpu.memory_space<hbm>>) dst(%arg9 : memref<128x128xf32, #tpu.memory_space<vmem>>)
      %dma_wait3A_49 = arith.constant 0 : i32
      %dma_wait3A_50 = arith.constant 0 : i32
      %dma_wait3A_51 = tpu.memref_slice %arg8[%dma_wait3A_49, %dma_wait3A_50] : memref<1x128xi32, #tpu.memory_space<vmem>> -> memref<1x128xi32, #tpu.memory_space<vmem>>
      %dma_wait3A_52 = tpu.memref_squeeze %dma_wait3A_51 : memref<1x128xi32, #tpu.memory_space<vmem>> -> memref<128xi32, #tpu.memory_space<vmem>>
      %dma_wait3A_53 = arith.constant 0 : i32
      %dma_wait3A_54 = arith.constant 0 : i32
      %dma_wait3A_55 = tpu.memref_slice %arg3[%dma_wait3A_53, %dma_wait3A_54] : memref<10000x128xf32, #tpu.memory_space<hbm>> -> memref<10000x128xf32, #tpu.memory_space<hbm>>
      tpu.wait_indirect_dma semaphore(%arg12 : memref<!tpu.dma_semaphore, #tpu.memory_space<semaphore_mem>>) src(%dma_wait3A_55 : memref<10000x128xf32, #tpu.memory_space<hbm>>) dst(%arg10 : memref<128x128xf32, #tpu.memory_space<vmem>>)
      %scan3A = arith.constant 0 : i32
      %scan3A_56 = arith.constant 0 : i32
      %scan3A_57 = arith.constant 128 : i32
      %scan3A_58 = arith.addi %scan3A_56, %scan3A_57 : i32
      %scan3A_59 = arith.constant 1 : i32
      scf.for %scan3A_61 = %scan3A_56 to %scan3A_58 step %scan3A_59  : i32 {
        %get3A = arith.index_cast %scan3A_61 : i32 to index
        %get3A_62 = arith.constant 0 : index
        %get3A_63 = tpu.vector_load %arg9[%get3A, %get3A_62] {strides = array<i32>} : memref<128x128xf32, #tpu.memory_space<vmem>>, vector<1x16xf32>,
        %get3A_64 = vector.shape_cast %get3A_63 : vector<1x16xf32> to vector<16xf32>
        %get3A_65 = arith.index_cast %scan3A_61 : i32 to index
        %get3A_66 = arith.constant 0 : index
        %get3A_67 = tpu.vector_load %arg10[%get3A_65, %get3A_66] {strides = array<i32>} : memref<128x128xf32, #tpu.memory_space<vmem>>, vector<1x16xf32>,
        %get3A_68 = vector.shape_cast %get3A_67 : vector<1x16xf32> to vector<16xf32>
        %add3A_69 = arith.addf %get3A_64, %get3A_68 : vector<16xf32>
        %swap3A = arith.index_cast %scan3A_61 : i32 to index
        %swap3A_70 = arith.constant 0 : index
        %swap3A_71 = tpu.vector_load %arg9[%swap3A, %swap3A_70] {strides = array<i32>} : memref<128x128xf32, #tpu.memory_space<vmem>>, vector<1x16xf32>,
        %swap3A_72 = vector.shape_cast %swap3A_71 : vector<1x16xf32> to vector<16xf32>
        %swap3A_73 = vector.shape_cast %add3A_69 : vector<16xf32> to vector<1x16xf32>
        tpu.vector_store %arg9[%swap3A, %swap3A_70], %swap3A_73 {strides = array<i32>} : memref<128x128xf32, #tpu.memory_space<vmem>>, vector<1x16xf32>,
        %get3A_74 = arith.index_cast %scan3A_61 : i32 to index
        %get3A_75 = arith.constant 16 : index
        %get3A_76 = tpu.vector_load %arg9[%get3A_74, %get3A_75] {strides = array<i32>} : memref<128x128xf32, #tpu.memory_space<vmem>>, vector<1x16xf32>,
        %get3A_77 = vector.shape_cast %get3A_76 : vector<1x16xf32> to vector<16xf32>
        %get3A_78 = arith.index_cast %scan3A_61 : i32 to index
        %get3A_79 = arith.constant 16 : index
        %get3A_80 = tpu.vector_load %arg10[%get3A_78, %get3A_79] {strides = array<i32>} : memref<128x128xf32, #tpu.memory_space<vmem>>, vector<1x16xf32>,
        %get3A_81 = vector.shape_cast %get3A_80 : vector<1x16xf32> to vector<16xf32>
        %add3A_82 = arith.addf %get3A_77, %get3A_81 : vector<16xf32>
        %swap3A_83 = arith.index_cast %scan3A_61 : i32 to index
        %swap3A_84 = arith.constant 16 : index
        %swap3A_85 = tpu.vector_load %arg9[%swap3A_83, %swap3A_84] {strides = array<i32>} : memref<128x128xf32, #tpu.memory_space<vmem>>, vector<1x16xf32>,
        %swap3A_86 = vector.shape_cast %swap3A_85 : vector<1x16xf32> to vector<16xf32>
        %swap3A_87 = vector.shape_cast %add3A_82 : vector<16xf32> to vector<1x16xf32>
        tpu.vector_store %arg9[%swap3A_83, %swap3A_84], %swap3A_87 {strides = array<i32>} : memref<128x128xf32, #tpu.memory_space<vmem>>, vector<1x16xf32>,
        %get3A_88 = arith.index_cast %scan3A_61 : i32 to index
        %get3A_89 = arith.constant 32 : index
        %get3A_90 = tpu.vector_load %arg9[%get3A_88, %get3A_89] {strides = array<i32>} : memref<128x128xf32, #tpu.memory_space<vmem>>, vector<1x16xf32>,
        %get3A_91 = vector.shape_cast %get3A_90 : vector<1x16xf32> to vector<16xf32>
        %get3A_92 = arith.index_cast %scan3A_61 : i32 to index
        %get3A_93 = arith.constant 32 : index
        %get3A_94 = tpu.vector_load %arg10[%get3A_92, %get3A_93] {strides = array<i32>} : memref<128x128xf32, #tpu.memory_space<vmem>>, vector<1x16xf32>,
        %get3A_95 = vector.shape_cast %get3A_94 : vector<1x16xf32> to vector<16xf32>
        %add3A_96 = arith.addf %get3A_91, %get3A_95 : vector<16xf32>
        %swap3A_97 = arith.index_cast %scan3A_61 : i32 to index
        %swap3A_98 = arith.constant 32 : index
        %swap3A_99 = tpu.vector_load %arg9[%swap3A_97, %swap3A_98] {strides = array<i32>} : memref<128x128xf32, #tpu.memory_space<vmem>>, vector<1x16xf32>,
        %swap3A_100 = vector.shape_cast %swap3A_99 : vector<1x16xf32> to vector<16xf32>
        %swap3A_101 = vector.shape_cast %add3A_96 : vector<16xf32> to vector<1x16xf32>
        tpu.vector_store %arg9[%swap3A_97, %swap3A_98], %swap3A_101 {strides = array<i32>} : memref<128x128xf32, #tpu.memory_space<vmem>>, vector<1x16xf32>,
        %get3A_102 = arith.index_cast %scan3A_61 : i32 to index
        %get3A_103 = arith.constant 48 : index
        %get3A_104 = tpu.vector_load %arg9[%get3A_102, %get3A_103] {strides = array<i32>} : memref<128x128xf32, #tpu.memory_space<vmem>>, vector<1x16xf32>,
        %get3A_105 = vector.shape_cast %get3A_104 : vector<1x16xf32> to vector<16xf32>
        %get3A_106 = arith.index_cast %scan3A_61 : i32 to index
        %get3A_107 = arith.constant 48 : index
        %get3A_108 = tpu.vector_load %arg10[%get3A_106, %get3A_107] {strides = array<i32>} : memref<128x128xf32, #tpu.memory_space<vmem>>, vector<1x16xf32>,
        %get3A_109 = vector.shape_cast %get3A_108 : vector<1x16xf32> to vector<16xf32>
        %add3A_110 = arith.addf %get3A_105, %get3A_109 : vector<16xf32>
        %swap3A_111 = arith.index_cast %scan3A_61 : i32 to index
        %swap3A_112 = arith.constant 48 : index
        %swap3A_113 = tpu.vector_load %arg9[%swap3A_111, %swap3A_112] {strides = array<i32>} : memref<128x128xf32, #tpu.memory_space<vmem>>, vector<1x16xf32>,
        %swap3A_114 = vector.shape_cast %swap3A_113 : vector<1x16xf32> to vector<16xf32>
        %swap3A_115 = vector.shape_cast %add3A_110 : vector<16xf32> to vector<1x16xf32>
        tpu.vector_store %arg9[%swap3A_111, %swap3A_112], %swap3A_115 {strides = array<i32>} : memref<128x128xf32, #tpu.memory_space<vmem>>, vector<1x16xf32>,
        %get3A_116 = arith.index_cast %scan3A_61 : i32 to index
        %get3A_117 = arith.constant 64 : index
        %get3A_118 = tpu.vector_load %arg9[%get3A_116, %get3A_117] {strides = array<i32>} : memref<128x128xf32, #tpu.memory_space<vmem>>, vector<1x16xf32>,
        %get3A_119 = vector.shape_cast %get3A_118 : vector<1x16xf32> to vector<16xf32>
        %get3A_120 = arith.index_cast %scan3A_61 : i32 to index
        %get3A_121 = arith.constant 64 : index
        %get3A_122 = tpu.vector_load %arg10[%get3A_120, %get3A_121] {strides = array<i32>} : memref<128x128xf32, #tpu.memory_space<vmem>>, vector<1x16xf32>,
        %get3A_123 = vector.shape_cast %get3A_122 : vector<1x16xf32> to vector<16xf32>
        %add3A_124 = arith.addf %get3A_119, %get3A_123 : vector<16xf32>
        %swap3A_125 = arith.index_cast %scan3A_61 : i32 to index
        %swap3A_126 = arith.constant 64 : index
        %swap3A_127 = tpu.vector_load %arg9[%swap3A_125, %swap3A_126] {strides = array<i32>} : memref<128x128xf32, #tpu.memory_space<vmem>>, vector<1x16xf32>,
        %swap3A_128 = vector.shape_cast %swap3A_127 : vector<1x16xf32> to vector<16xf32>
        %swap3A_129 = vector.shape_cast %add3A_124 : vector<16xf32> to vector<1x16xf32>
        tpu.vector_store %arg9[%swap3A_125, %swap3A_126], %swap3A_129 {strides = array<i32>} : memref<128x128xf32, #tpu.memory_space<vmem>>, vector<1x16xf32>,
        %get3A_130 = arith.index_cast %scan3A_61 : i32 to index
        %get3A_131 = arith.constant 80 : index
        %get3A_132 = tpu.vector_load %arg9[%get3A_130, %get3A_131] {strides = array<i32>} : memref<128x128xf32, #tpu.memory_space<vmem>>, vector<1x16xf32>,
        %get3A_133 = vector.shape_cast %get3A_132 : vector<1x16xf32> to vector<16xf32>
        %get3A_134 = arith.index_cast %scan3A_61 : i32 to index
        %get3A_135 = arith.constant 80 : index
        %get3A_136 = tpu.vector_load %arg10[%get3A_134, %get3A_135] {strides = array<i32>} : memref<128x128xf32, #tpu.memory_space<vmem>>, vector<1x16xf32>,
        %get3A_137 = vector.shape_cast %get3A_136 : vector<1x16xf32> to vector<16xf32>
        %add3A_138 = arith.addf %get3A_133, %get3A_137 : vector<16xf32>
        %swap3A_139 = arith.index_cast %scan3A_61 : i32 to index
        %swap3A_140 = arith.constant 80 : index
        %swap3A_141 = tpu.vector_load %arg9[%swap3A_139, %swap3A_140] {strides = array<i32>} : memref<128x128xf32, #tpu.memory_space<vmem>>, vector<1x16xf32>,
        %swap3A_142 = vector.shape_cast %swap3A_141 : vector<1x16xf32> to vector<16xf32>
        %swap3A_143 = vector.shape_cast %add3A_138 : vector<16xf32> to vector<1x16xf32>
        tpu.vector_store %arg9[%swap3A_139, %swap3A_140], %swap3A_143 {strides = array<i32>} : memref<128x128xf32, #tpu.memory_space<vmem>>, vector<1x16xf32>,
        %get3A_144 = arith.index_cast %scan3A_61 : i32 to index
        %get3A_145 = arith.constant 96 : index
        %get3A_146 = tpu.vector_load %arg9[%get3A_144, %get3A_145] {strides = array<i32>} : memref<128x128xf32, #tpu.memory_space<vmem>>, vector<1x16xf32>,
        %get3A_147 = vector.shape_cast %get3A_146 : vector<1x16xf32> to vector<16xf32>
        %get3A_148 = arith.index_cast %scan3A_61 : i32 to index
        %get3A_149 = arith.constant 96 : index
        %get3A_150 = tpu.vector_load %arg10[%get3A_148, %get3A_149] {strides = array<i32>} : memref<128x128xf32, #tpu.memory_space<vmem>>, vector<1x16xf32>,
        %get3A_151 = vector.shape_cast %get3A_150 : vector<1x16xf32> to vector<16xf32>
        %add3A_152 = arith.addf %get3A_147, %get3A_151 : vector<16xf32>
        %swap3A_153 = arith.index_cast %scan3A_61 : i32 to index
        %swap3A_154 = arith.constant 96 : index
        %swap3A_155 = tpu.vector_load %arg9[%swap3A_153, %swap3A_154] {strides = array<i32>} : memref<128x128xf32, #tpu.memory_space<vmem>>, vector<1x16xf32>,
        %swap3A_156 = vector.shape_cast %swap3A_155 : vector<1x16xf32> to vector<16xf32>
        %swap3A_157 = vector.shape_cast %add3A_152 : vector<16xf32> to vector<1x16xf32>
        tpu.vector_store %arg9[%swap3A_153, %swap3A_154], %swap3A_157 {strides = array<i32>} : memref<128x128xf32, #tpu.memory_space<vmem>>, vector<1x16xf32>,
        %get3A_158 = arith.index_cast %scan3A_61 : i32 to index
        %get3A_159 = arith.constant 112 : index
        %get3A_160 = tpu.vector_load %arg9[%get3A_158, %get3A_159] {strides = array<i32>} : memref<128x128xf32, #tpu.memory_space<vmem>>, vector<1x16xf32>,
        %get3A_161 = vector.shape_cast %get3A_160 : vector<1x16xf32> to vector<16xf32>
        %get3A_162 = arith.index_cast %scan3A_61 : i32 to index
        %get3A_163 = arith.constant 112 : index
        %get3A_164 = tpu.vector_load %arg10[%get3A_162, %get3A_163] {strides = array<i32>} : memref<128x128xf32, #tpu.memory_space<vmem>>, vector<1x16xf32>,
        %get3A_165 = vector.shape_cast %get3A_164 : vector<1x16xf32> to vector<16xf32>
        %add3A_166 = arith.addf %get3A_161, %get3A_165 : vector<16xf32>
        %swap3A_167 = arith.index_cast %scan3A_61 : i32 to index
        %swap3A_168 = arith.constant 112 : index
        %swap3A_169 = tpu.vector_load %arg9[%swap3A_167, %swap3A_168] {strides = array<i32>} : memref<128x128xf32, #tpu.memory_space<vmem>>, vector<1x16xf32>,
        %swap3A_170 = vector.shape_cast %swap3A_169 : vector<1x16xf32> to vector<16xf32>
        %swap3A_171 = vector.shape_cast %add3A_166 : vector<16xf32> to vector<1x16xf32>
        tpu.vector_store %arg9[%swap3A_167, %swap3A_168], %swap3A_171 {strides = array<i32>} : memref<128x128xf32, #tpu.memory_space<vmem>>, vector<1x16xf32>,
      }
      %scan3A_60 = arith.constant 128 : i32
      "tpu.region"() ({
        %run_scoped3A_61 = tpu.sem_alloc : memref<!tpu.dma_semaphore, #tpu.memory_space<semaphore_mem>>
        %dma_start3A_62 = arith.constant 0 : i32
        %dma_start3A_63 = tpu.memref_slice %arg6[%mul3A_37, %dma_start3A_62] : memref<320000x128xf32, #tpu.memory_space<hbm>> -> memref<128x128xf32, #tpu.memory_space<hbm>>
        %dma_start3A_64 = arith.constant 0 : i32
        %dma_start3A_65 = tpu.memref_slice %arg6[%mul3A_37, %dma_start3A_64] : memref<320000x128xf32, #tpu.memory_space<hbm>> -> memref<128x128xf32, #tpu.memory_space<hbm>>
        tpu.enqueue_dma source(%arg9 : memref<128x128xf32, #tpu.memory_space<vmem>>) target(%dma_start3A_65 : memref<128x128xf32, #tpu.memory_space<hbm>>) target_semaphore(%run_scoped3A_61 : memref<!tpu.dma_semaphore, #tpu.memory_space<semaphore_mem>>)
        %dma_wait3A_66 = arith.constant 0 : i32
        %dma_wait3A_67 = tpu.memref_slice %arg6[%mul3A_37, %dma_wait3A_66] : memref<320000x128xf32, #tpu.memory_space<hbm>> -> memref<128x128xf32, #tpu.memory_space<hbm>>
        %dma_wait3A_68 = arith.constant 0 : i32
        %dma_wait3A_69 = tpu.memref_slice %arg6[%mul3A_37, %dma_wait3A_68] : memref<320000x128xf32, #tpu.memory_space<hbm>> -> memref<128x128xf32, #tpu.memory_space<hbm>>
        tpu.wait_dma2 semaphore(%run_scoped3A_61 : memref<!tpu.dma_semaphore, #tpu.memory_space<semaphore_mem>>) src(%arg9 : memref<128x128xf32, #tpu.memory_space<vmem>>) dst(%dma_wait3A_69 : memref<128x128xf32, #tpu.memory_space<hbm>>)
        tpu.yield
      }) : () -> ()
    }
    return
  }
}

#map = affine_map<(d0, d1) -> (0, 0)>
#map1 = affine_map<(d0, d1) -> (0)>
module attributes {stable_mosaic.version = 14 : i64} {
  func.func @_edge_smooth_body(%arg0: i32, %arg1: i32, %arg2: memref<10000x16xf32, #tpu.memory_space<hbm>>, %arg3: memref<320000x16xf32, #tpu.memory_space<hbm>>, %arg4: memref<320000xi32, #tpu.memory_space<hbm>>, %arg5: memref<320000x16xf32, #tpu.memory_space<hbm>>, %arg6: memref<1x128xi32, #tpu.memory_space<vmem>>, %arg7: memref<128x16xf32, #tpu.memory_space<vmem>>, %arg8: memref<128x16xf32, #tpu.memory_space<vmem>>, %arg9: memref<10000x16xf32, #tpu.memory_space<vmem_shared>>, %arg10: memref<!tpu.dma_semaphore, #tpu.memory_space<semaphore_mem>>) attributes {dimension_semantics = [#tpu.dimension_semantics<core_parallel>, #tpu.dimension_semantics<subcore_parallel>], iteration_bounds = array<i64: 2, 16>, scalar_prefetch = 0 : i64, scratch_operands = 5 : i64, tpu.core_type = #tpu.core_type<sc_vector_subcore>, window_params = [{transform_indices = #map}, {transform_indices = #map}, {transform_indices = #map1}, {transform_indices = #map}]} {
    %mul3A = arith.constant 2 : i32
    %mul3A_0 = arith.muli %arg1, %mul3A : i32
    %add3A = arith.addi %mul3A_0, %arg0 : i32
    %sub3A = arith.constant 2500 : i32
    %sub3A_1 = arith.subi %sub3A, %add3A : i32
    %add3A_2 = arith.constant 32 : i32
    %add3A_3 = arith.addi %sub3A_1, %add3A_2 : i32
    %sub3A_4 = arith.constant 1 : i32
    %sub3A_5 = arith.subi %add3A_3, %sub3A_4 : i32
    %jit3A = arith.constant 32 : i32
    %div3A = arith.divsi %sub3A_5, %jit3A : i32
    %sign3A = arith.constant 0 : i32
    %sign3A_6 = arith.cmpi sgt, %sub3A_5, %sign3A : i32
    %sign3A_7 = arith.extui %sign3A_6 : i1 to i32
    %sign3A_8 = arith.constant 0 : i32
    %sign3A_9 = arith.cmpi slt, %sub3A_5, %sign3A_8 : i32
    %sign3A_10 = arith.extui %sign3A_9 : i1 to i32
    %sign3A_11 = arith.subi %sign3A_7, %sign3A_10 : i32
    %sign3A_12 = arith.constant 0 : i32
    %sign3A_13 = arith.cmpi sgt, %jit3A, %sign3A_12 : i32
    %sign3A_14 = arith.extui %sign3A_13 : i1 to i32
    %sign3A_15 = arith.constant 0 : i32
    %sign3A_16 = arith.cmpi slt, %jit3A, %sign3A_15 : i32
    %sign3A_17 = arith.extui %sign3A_16 : i1 to i32
    %sign3A_18 = arith.subi %sign3A_14, %sign3A_17 : i32
    %ne3A = arith.cmpi ne, %sign3A_11, %sign3A_18 : i32
    %rem3A = arith.remsi %sub3A_5, %jit3A : i32
    %ne3A_19 = arith.constant 0 : i32
    %ne3A_20 = arith.cmpi ne, %rem3A, %ne3A_19 : i32
    %and3A = arith.andi %ne3A, %ne3A_20 : i1
    %sub3A_21 = arith.constant 1 : i32
    %sub3A_22 = arith.subi %div3A, %sub3A_21 : i32
    %select_n3A = arith.select %and3A, %sub3A_22, %div3A : i32
    %mul3A_23 = arith.constant 632 : i32
    %mul3A_24 = arith.muli %arg1, %mul3A_23 : i32
    %lt3A = arith.constant 15 : i32
    %lt3A_25 = arith.cmpi slt, %arg1, %lt3A : i32
    %convert_element_type3A = arith.extui %lt3A_25 : i1 to i32
    %cond3A = arith.constant 0 : i32
    %cond3A_26 = arith.cmpi ne, %convert_element_type3A, %cond3A : i32
    scf.if %cond3A_26 {
      "tpu.region"() ({
        %run_scoped3A = tpu.sem_alloc : memref<!tpu.dma_semaphore, #tpu.memory_space<semaphore_mem>>
        %dma_start3A = arith.constant 0 : i32
        %dma_start3A_40 = tpu.memref_slice %arg9[%mul3A_24, %dma_start3A] : memref<10000x16xf32, #tpu.memory_space<vmem_shared>> -> memref<632x16xf32, #tpu.memory_space<vmem_shared>>
        %dma_start3A_41 = arith.constant 0 : i32
        %dma_start3A_42 = tpu.memref_slice %arg2[%mul3A_24, %dma_start3A_41] : memref<10000x16xf32, #tpu.memory_space<hbm>> -> memref<632x16xf32, #tpu.memory_space<hbm>>
        tpu.enqueue_dma source(%dma_start3A_42 : memref<632x16xf32, #tpu.memory_space<hbm>>) target(%dma_start3A_40 : memref<632x16xf32, #tpu.memory_space<vmem_shared>>) target_semaphore(%run_scoped3A : memref<!tpu.dma_semaphore, #tpu.memory_space<semaphore_mem>>)
        %dma_wait3A = arith.constant 0 : i32
        %dma_wait3A_43 = tpu.memref_slice %arg9[%mul3A_24, %dma_wait3A] : memref<10000x16xf32, #tpu.memory_space<vmem_shared>> -> memref<632x16xf32, #tpu.memory_space<vmem_shared>>
        %dma_wait3A_44 = arith.constant 0 : i32
        %dma_wait3A_45 = tpu.memref_slice %arg2[%mul3A_24, %dma_wait3A_44] : memref<10000x16xf32, #tpu.memory_space<hbm>> -> memref<632x16xf32, #tpu.memory_space<hbm>>
        tpu.wait_dma2 semaphore(%run_scoped3A : memref<!tpu.dma_semaphore, #tpu.memory_space<semaphore_mem>>) src(%dma_wait3A_45 : memref<632x16xf32, #tpu.memory_space<hbm>>) dst(%dma_wait3A_43 : memref<632x16xf32, #tpu.memory_space<vmem_shared>>)
        tpu.yield
      }) : () -> ()
    } else {
    }
    %eq3A = arith.constant 15 : i32
    %eq3A_27 = arith.cmpi eq, %arg1, %eq3A : i32
    %convert_element_type3A_28 = arith.extui %eq3A_27 : i1 to i32
    %cond3A_29 = arith.constant 0 : i32
    %cond3A_30 = arith.cmpi ne, %convert_element_type3A_28, %cond3A_29 : i32
    scf.if %cond3A_30 {
      "tpu.region"() ({
        %run_scoped3A = tpu.sem_alloc : memref<!tpu.dma_semaphore, #tpu.memory_space<semaphore_mem>>
        %dma_start3A = arith.constant 9480 : i32
        %dma_start3A_40 = arith.constant 0 : i32
        %dma_start3A_41 = tpu.memref_slice %arg9[%dma_start3A, %dma_start3A_40] : memref<10000x16xf32, #tpu.memory_space<vmem_shared>> -> memref<520x16xf32, #tpu.memory_space<vmem_shared>>
        %dma_start3A_42 = arith.constant 9480 : i32
        %dma_start3A_43 = arith.constant 0 : i32
        %dma_start3A_44 = tpu.memref_slice %arg2[%dma_start3A_42, %dma_start3A_43] : memref<10000x16xf32, #tpu.memory_space<hbm>> -> memref<520x16xf32, #tpu.memory_space<hbm>>
        tpu.enqueue_dma source(%dma_start3A_44 : memref<520x16xf32, #tpu.memory_space<hbm>>) target(%dma_start3A_41 : memref<520x16xf32, #tpu.memory_space<vmem_shared>>) target_semaphore(%run_scoped3A : memref<!tpu.dma_semaphore, #tpu.memory_space<semaphore_mem>>)
        %dma_wait3A = arith.constant 9480 : i32
        %dma_wait3A_45 = arith.constant 0 : i32
        %dma_wait3A_46 = tpu.memref_slice %arg9[%dma_wait3A, %dma_wait3A_45] : memref<10000x16xf32, #tpu.memory_space<vmem_shared>> -> memref<520x16xf32, #tpu.memory_space<vmem_shared>>
        %dma_wait3A_47 = arith.constant 9480 : i32
        %dma_wait3A_48 = arith.constant 0 : i32
        %dma_wait3A_49 = tpu.memref_slice %arg2[%dma_wait3A_47, %dma_wait3A_48] : memref<10000x16xf32, #tpu.memory_space<hbm>> -> memref<520x16xf32, #tpu.memory_space<hbm>>
        tpu.wait_dma2 semaphore(%run_scoped3A : memref<!tpu.dma_semaphore, #tpu.memory_space<semaphore_mem>>) src(%dma_wait3A_49 : memref<520x16xf32, #tpu.memory_space<hbm>>) dst(%dma_wait3A_46 : memref<520x16xf32, #tpu.memory_space<vmem_shared>>)
        tpu.yield
      }) : () -> ()
    } else {
    }
    %barrier3A = arith.constant 0 : index
    tpu.barrier barrier_id(%barrier3A)
    %while3A = arith.constant 0 : i32
    %while3A_31 = arith.constant 0 : i32
    %while3A_32 = arith.subi %select_n3A, %while3A_31 : i32
    %while3A_33 = arith.addi %while3A_31, %while3A_32 : i32
    %while3A_34 = arith.constant 1 : i32
    %while3A_35 = arith.divsi %while3A_32, %while3A_34 : i32
    %while3A_36 = arith.muli %while3A_35, %while3A_34 : i32
    %while3A_37 = arith.addi %while3A_31, %while3A_36 : i32
    %while3A_38 = arith.constant 1 : i32
    scf.for %while3A_40 = %while3A_31 to %while3A_37 step %while3A_38  : i32 {
      %mul3A_41 = arith.constant 32 : i32
      %mul3A_42 = arith.muli %while3A_40, %mul3A_41 : i32
      %add3A_43 = arith.addi %add3A, %mul3A_42 : i32
      %mul3A_44 = arith.constant 128 : i32
      %mul3A_45 = arith.muli %add3A_43, %mul3A_44 : i32
      %run_scoped3A = arith.constant 0 : i32
      "tpu.region"() ({
        %run_scoped3A_63 = tpu.sem_alloc : memref<!tpu.dma_semaphore, #tpu.memory_space<semaphore_mem>>
        %dma_start3A_64 = arith.constant 0 : i32
        %dma_start3A_65 = tpu.memref_slice %arg6[%run_scoped3A, %dma_start3A_64] : memref<1x128xi32, #tpu.memory_space<vmem>> -> memref<1x128xi32, #tpu.memory_space<vmem>>
        %dma_start3A_66 = tpu.memref_squeeze %dma_start3A_65 : memref<1x128xi32, #tpu.memory_space<vmem>> -> memref<128xi32, #tpu.memory_space<vmem>>
        %dma_start3A_67 = tpu.memref_slice %arg4[%mul3A_45] : memref<320000xi32, #tpu.memory_space<hbm>> -> memref<128xi32, #tpu.memory_space<hbm>>
        %dma_start3A_68 = arith.constant 0 : i32
        %dma_start3A_69 = tpu.memref_slice %arg6[%run_scoped3A, %dma_start3A_68] : memref<1x128xi32, #tpu.memory_space<vmem>> -> memref<1x128xi32, #tpu.memory_space<vmem>>
        %dma_start3A_70 = tpu.memref_squeeze %dma_start3A_69 : memref<1x128xi32, #tpu.memory_space<vmem>> -> memref<128xi32, #tpu.memory_space<vmem>>
        %dma_start3A_71 = tpu.memref_slice %arg4[%mul3A_45] : memref<320000xi32, #tpu.memory_space<hbm>> -> memref<128xi32, #tpu.memory_space<hbm>>
        tpu.enqueue_dma source(%dma_start3A_71 : memref<128xi32, #tpu.memory_space<hbm>>) target(%dma_start3A_70 : memref<128xi32, #tpu.memory_space<vmem>>) target_semaphore(%run_scoped3A_63 : memref<!tpu.dma_semaphore, #tpu.memory_space<semaphore_mem>>)
        %dma_wait3A_72 = arith.constant 0 : i32
        %dma_wait3A_73 = tpu.memref_slice %arg6[%run_scoped3A, %dma_wait3A_72] : memref<1x128xi32, #tpu.memory_space<vmem>> -> memref<1x128xi32, #tpu.memory_space<vmem>>
        %dma_wait3A_74 = tpu.memref_squeeze %dma_wait3A_73 : memref<1x128xi32, #tpu.memory_space<vmem>> -> memref<128xi32, #tpu.memory_space<vmem>>
        %dma_wait3A_75 = tpu.memref_slice %arg4[%mul3A_45] : memref<320000xi32, #tpu.memory_space<hbm>> -> memref<128xi32, #tpu.memory_space<hbm>>
        %dma_wait3A_76 = arith.constant 0 : i32
        %dma_wait3A_77 = tpu.memref_slice %arg6[%run_scoped3A, %dma_wait3A_76] : memref<1x128xi32, #tpu.memory_space<vmem>> -> memref<1x128xi32, #tpu.memory_space<vmem>>
        %dma_wait3A_78 = tpu.memref_squeeze %dma_wait3A_77 : memref<1x128xi32, #tpu.memory_space<vmem>> -> memref<128xi32, #tpu.memory_space<vmem>>
        %dma_wait3A_79 = tpu.memref_slice %arg4[%mul3A_45] : memref<320000xi32, #tpu.memory_space<hbm>> -> memref<128xi32, #tpu.memory_space<hbm>>
        tpu.wait_dma2 semaphore(%run_scoped3A_63 : memref<!tpu.dma_semaphore, #tpu.memory_space<semaphore_mem>>) src(%dma_wait3A_79 : memref<128xi32, #tpu.memory_space<hbm>>) dst(%dma_wait3A_78 : memref<128xi32, #tpu.memory_space<vmem>>)
        tpu.yield
      }) : () -> ()
      %dma_start3A = arith.constant 0 : i32
      %dma_start3A_46 = arith.constant 0 : i32
      %dma_start3A_47 = tpu.memref_slice %arg6[%dma_start3A, %dma_start3A_46] : memref<1x128xi32, #tpu.memory_space<vmem>> -> memref<1x128xi32, #tpu.memory_space<vmem>>
      %dma_start3A_48 = tpu.memref_squeeze %dma_start3A_47 : memref<1x128xi32, #tpu.memory_space<vmem>> -> memref<128xi32, #tpu.memory_space<vmem>>
      %dma_start3A_49 = arith.constant 0 : i32
      %dma_start3A_50 = arith.constant 0 : i32
      %dma_start3A_51 = tpu.memref_slice %arg9[%dma_start3A_49, %dma_start3A_50] : memref<10000x16xf32, #tpu.memory_space<vmem_shared>> -> memref<10000x16xf32, #tpu.memory_space<vmem_shared>>
      tpu.enqueue_indirect_dma source(%dma_start3A_51 : memref<10000x16xf32, #tpu.memory_space<vmem_shared>>) target(%arg7 : memref<128x16xf32, #tpu.memory_space<vmem>>) offsets(%dma_start3A_48 : memref<128xi32, #tpu.memory_space<vmem>>) semaphore(%arg10 : memref<!tpu.dma_semaphore, #tpu.memory_space<semaphore_mem>>)
      "tpu.region"() ({
        %run_scoped3A_63 = tpu.sem_alloc : memref<!tpu.dma_semaphore, #tpu.memory_space<semaphore_mem>>
        %dma_start3A_64 = arith.constant 0 : i32
        %dma_start3A_65 = tpu.memref_slice %arg3[%mul3A_45, %dma_start3A_64] : memref<320000x16xf32, #tpu.memory_space<hbm>> -> memref<128x16xf32, #tpu.memory_space<hbm>>
        %dma_start3A_66 = arith.constant 0 : i32
        %dma_start3A_67 = tpu.memref_slice %arg3[%mul3A_45, %dma_start3A_66] : memref<320000x16xf32, #tpu.memory_space<hbm>> -> memref<128x16xf32, #tpu.memory_space<hbm>>
        tpu.enqueue_dma source(%dma_start3A_67 : memref<128x16xf32, #tpu.memory_space<hbm>>) target(%arg8 : memref<128x16xf32, #tpu.memory_space<vmem>>) target_semaphore(%run_scoped3A_63 : memref<!tpu.dma_semaphore, #tpu.memory_space<semaphore_mem>>)
        %dma_wait3A_68 = arith.constant 0 : i32
        %dma_wait3A_69 = tpu.memref_slice %arg3[%mul3A_45, %dma_wait3A_68] : memref<320000x16xf32, #tpu.memory_space<hbm>> -> memref<128x16xf32, #tpu.memory_space<hbm>>
        %dma_wait3A_70 = arith.constant 0 : i32
        %dma_wait3A_71 = tpu.memref_slice %arg3[%mul3A_45, %dma_wait3A_70] : memref<320000x16xf32, #tpu.memory_space<hbm>> -> memref<128x16xf32, #tpu.memory_space<hbm>>
        tpu.wait_dma2 semaphore(%run_scoped3A_63 : memref<!tpu.dma_semaphore, #tpu.memory_space<semaphore_mem>>) src(%dma_wait3A_71 : memref<128x16xf32, #tpu.memory_space<hbm>>) dst(%arg8 : memref<128x16xf32, #tpu.memory_space<vmem>>)
        tpu.yield
      }) : () -> ()
      %dma_wait3A = arith.constant 0 : i32
      %dma_wait3A_52 = arith.constant 0 : i32
      %dma_wait3A_53 = tpu.memref_slice %arg6[%dma_wait3A, %dma_wait3A_52] : memref<1x128xi32, #tpu.memory_space<vmem>> -> memref<1x128xi32, #tpu.memory_space<vmem>>
      %dma_wait3A_54 = tpu.memref_squeeze %dma_wait3A_53 : memref<1x128xi32, #tpu.memory_space<vmem>> -> memref<128xi32, #tpu.memory_space<vmem>>
      %dma_wait3A_55 = arith.constant 0 : i32
      %dma_wait3A_56 = arith.constant 0 : i32
      %dma_wait3A_57 = tpu.memref_slice %arg9[%dma_wait3A_55, %dma_wait3A_56] : memref<10000x16xf32, #tpu.memory_space<vmem_shared>> -> memref<10000x16xf32, #tpu.memory_space<vmem_shared>>
      tpu.wait_indirect_dma semaphore(%arg10 : memref<!tpu.dma_semaphore, #tpu.memory_space<semaphore_mem>>) src(%dma_wait3A_57 : memref<10000x16xf32, #tpu.memory_space<vmem_shared>>) dst(%arg7 : memref<128x16xf32, #tpu.memory_space<vmem>>)
      %scan3A = arith.constant 0 : i32
      %scan3A_58 = arith.constant 0 : i32
      %scan3A_59 = arith.constant 128 : i32
      %scan3A_60 = arith.addi %scan3A_58, %scan3A_59 : i32
      %scan3A_61 = arith.constant 1 : i32
      scf.for %scan3A_63 = %scan3A_58 to %scan3A_60 step %scan3A_61  : i32 {
        %get3A = arith.index_cast %scan3A_63 : i32 to index
        %get3A_64 = arith.constant 0 : index
        %get3A_65 = tpu.vector_load %arg8[%get3A, %get3A_64] {strides = array<i32>} : memref<128x16xf32, #tpu.memory_space<vmem>>, vector<1x16xf32>,
        %get3A_66 = vector.shape_cast %get3A_65 : vector<1x16xf32> to vector<16xf32>
        %get3A_67 = arith.index_cast %scan3A_63 : i32 to index
        %get3A_68 = arith.constant 0 : index
        %get3A_69 = tpu.vector_load %arg7[%get3A_67, %get3A_68] {strides = array<i32>} : memref<128x16xf32, #tpu.memory_space<vmem>>, vector<1x16xf32>,
        %get3A_70 = vector.shape_cast %get3A_69 : vector<1x16xf32> to vector<16xf32>
        %add3A_71 = arith.addf %get3A_66, %get3A_70 : vector<16xf32>
        %mul3A_72 = arith.constant 5.000000e-01 : f32
        %mul3A_73 = vector.broadcast %mul3A_72 : f32 to vector<16xf32>
        %mul3A_74 = arith.mulf %mul3A_73, %add3A_71 : vector<16xf32>
        %swap3A = arith.index_cast %scan3A_63 : i32 to index
        %swap3A_75 = arith.constant 0 : index
        %swap3A_76 = tpu.vector_load %arg8[%swap3A, %swap3A_75] {strides = array<i32>} : memref<128x16xf32, #tpu.memory_space<vmem>>, vector<1x16xf32>,
        %swap3A_77 = vector.shape_cast %swap3A_76 : vector<1x16xf32> to vector<16xf32>
        %swap3A_78 = vector.shape_cast %mul3A_74 : vector<16xf32> to vector<1x16xf32>
        tpu.vector_store %arg8[%swap3A, %swap3A_75], %swap3A_78 {strides = array<i32>} : memref<128x16xf32, #tpu.memory_space<vmem>>, vector<1x16xf32>,
      }
      %scan3A_62 = arith.constant 128 : i32
      "tpu.region"() ({
        %run_scoped3A_63 = tpu.sem_alloc : memref<!tpu.dma_semaphore, #tpu.memory_space<semaphore_mem>>
        %dma_start3A_64 = arith.constant 0 : i32
        %dma_start3A_65 = tpu.memref_slice %arg5[%mul3A_45, %dma_start3A_64] : memref<320000x16xf32, #tpu.memory_space<hbm>> -> memref<128x16xf32, #tpu.memory_space<hbm>>
        %dma_start3A_66 = arith.constant 0 : i32
        %dma_start3A_67 = tpu.memref_slice %arg5[%mul3A_45, %dma_start3A_66] : memref<320000x16xf32, #tpu.memory_space<hbm>> -> memref<128x16xf32, #tpu.memory_space<hbm>>
        tpu.enqueue_dma source(%arg8 : memref<128x16xf32, #tpu.memory_space<vmem>>) target(%dma_start3A_67 : memref<128x16xf32, #tpu.memory_space<hbm>>) target_semaphore(%run_scoped3A_63 : memref<!tpu.dma_semaphore, #tpu.memory_space<semaphore_mem>>)
        %dma_wait3A_68 = arith.constant 0 : i32
        %dma_wait3A_69 = tpu.memref_slice %arg5[%mul3A_45, %dma_wait3A_68] : memref<320000x16xf32, #tpu.memory_space<hbm>> -> memref<128x16xf32, #tpu.memory_space<hbm>>
        %dma_wait3A_70 = arith.constant 0 : i32
        %dma_wait3A_71 = tpu.memref_slice %arg5[%mul3A_45, %dma_wait3A_70] : memref<320000x16xf32, #tpu.memory_space<hbm>> -> memref<128x16xf32, #tpu.memory_space<hbm>>
        tpu.wait_dma2 semaphore(%run_scoped3A_63 : memref<!tpu.dma_semaphore, #tpu.memory_space<semaphore_mem>>) src(%arg8 : memref<128x16xf32, #tpu.memory_space<vmem>>) dst(%dma_wait3A_71 : memref<128x16xf32, #tpu.memory_space<hbm>>)
        tpu.yield
      }) : () -> ()
    }
    %while3A_39 = arith.constant 1 : i32
    scf.for %while3A_40 = %while3A_37 to %while3A_33 step %while3A_39  : i32 {
      %mul3A_41 = arith.constant 32 : i32
      %mul3A_42 = arith.muli %while3A_40, %mul3A_41 : i32
      %add3A_43 = arith.addi %add3A, %mul3A_42 : i32
      %mul3A_44 = arith.constant 128 : i32
      %mul3A_45 = arith.muli %add3A_43, %mul3A_44 : i32
      %run_scoped3A = arith.constant 0 : i32
      "tpu.region"() ({
        %run_scoped3A_63 = tpu.sem_alloc : memref<!tpu.dma_semaphore, #tpu.memory_space<semaphore_mem>>
        %dma_start3A_64 = arith.constant 0 : i32
        %dma_start3A_65 = tpu.memref_slice %arg6[%run_scoped3A, %dma_start3A_64] : memref<1x128xi32, #tpu.memory_space<vmem>> -> memref<1x128xi32, #tpu.memory_space<vmem>>
        %dma_start3A_66 = tpu.memref_squeeze %dma_start3A_65 : memref<1x128xi32, #tpu.memory_space<vmem>> -> memref<128xi32, #tpu.memory_space<vmem>>
        %dma_start3A_67 = tpu.memref_slice %arg4[%mul3A_45] : memref<320000xi32, #tpu.memory_space<hbm>> -> memref<128xi32, #tpu.memory_space<hbm>>
        %dma_start3A_68 = arith.constant 0 : i32
        %dma_start3A_69 = tpu.memref_slice %arg6[%run_scoped3A, %dma_start3A_68] : memref<1x128xi32, #tpu.memory_space<vmem>> -> memref<1x128xi32, #tpu.memory_space<vmem>>
        %dma_start3A_70 = tpu.memref_squeeze %dma_start3A_69 : memref<1x128xi32, #tpu.memory_space<vmem>> -> memref<128xi32, #tpu.memory_space<vmem>>
        %dma_start3A_71 = tpu.memref_slice %arg4[%mul3A_45] : memref<320000xi32, #tpu.memory_space<hbm>> -> memref<128xi32, #tpu.memory_space<hbm>>
        tpu.enqueue_dma source(%dma_start3A_71 : memref<128xi32, #tpu.memory_space<hbm>>) target(%dma_start3A_70 : memref<128xi32, #tpu.memory_space<vmem>>) target_semaphore(%run_scoped3A_63 : memref<!tpu.dma_semaphore, #tpu.memory_space<semaphore_mem>>)
        %dma_wait3A_72 = arith.constant 0 : i32
        %dma_wait3A_73 = tpu.memref_slice %arg6[%run_scoped3A, %dma_wait3A_72] : memref<1x128xi32, #tpu.memory_space<vmem>> -> memref<1x128xi32, #tpu.memory_space<vmem>>
        %dma_wait3A_74 = tpu.memref_squeeze %dma_wait3A_73 : memref<1x128xi32, #tpu.memory_space<vmem>> -> memref<128xi32, #tpu.memory_space<vmem>>
        %dma_wait3A_75 = tpu.memref_slice %arg4[%mul3A_45] : memref<320000xi32, #tpu.memory_space<hbm>> -> memref<128xi32, #tpu.memory_space<hbm>>
        %dma_wait3A_76 = arith.constant 0 : i32
        %dma_wait3A_77 = tpu.memref_slice %arg6[%run_scoped3A, %dma_wait3A_76] : memref<1x128xi32, #tpu.memory_space<vmem>> -> memref<1x128xi32, #tpu.memory_space<vmem>>
        %dma_wait3A_78 = tpu.memref_squeeze %dma_wait3A_77 : memref<1x128xi32, #tpu.memory_space<vmem>> -> memref<128xi32, #tpu.memory_space<vmem>>
        %dma_wait3A_79 = tpu.memref_slice %arg4[%mul3A_45] : memref<320000xi32, #tpu.memory_space<hbm>> -> memref<128xi32, #tpu.memory_space<hbm>>
        tpu.wait_dma2 semaphore(%run_scoped3A_63 : memref<!tpu.dma_semaphore, #tpu.memory_space<semaphore_mem>>) src(%dma_wait3A_79 : memref<128xi32, #tpu.memory_space<hbm>>) dst(%dma_wait3A_78 : memref<128xi32, #tpu.memory_space<vmem>>)
        tpu.yield
      }) : () -> ()
      %dma_start3A = arith.constant 0 : i32
      %dma_start3A_46 = arith.constant 0 : i32
      %dma_start3A_47 = tpu.memref_slice %arg6[%dma_start3A, %dma_start3A_46] : memref<1x128xi32, #tpu.memory_space<vmem>> -> memref<1x128xi32, #tpu.memory_space<vmem>>
      %dma_start3A_48 = tpu.memref_squeeze %dma_start3A_47 : memref<1x128xi32, #tpu.memory_space<vmem>> -> memref<128xi32, #tpu.memory_space<vmem>>
      %dma_start3A_49 = arith.constant 0 : i32
      %dma_start3A_50 = arith.constant 0 : i32
      %dma_start3A_51 = tpu.memref_slice %arg9[%dma_start3A_49, %dma_start3A_50] : memref<10000x16xf32, #tpu.memory_space<vmem_shared>> -> memref<10000x16xf32, #tpu.memory_space<vmem_shared>>
      tpu.enqueue_indirect_dma source(%dma_start3A_51 : memref<10000x16xf32, #tpu.memory_space<vmem_shared>>) target(%arg7 : memref<128x16xf32, #tpu.memory_space<vmem>>) offsets(%dma_start3A_48 : memref<128xi32, #tpu.memory_space<vmem>>) semaphore(%arg10 : memref<!tpu.dma_semaphore, #tpu.memory_space<semaphore_mem>>)
      "tpu.region"() ({
        %run_scoped3A_63 = tpu.sem_alloc : memref<!tpu.dma_semaphore, #tpu.memory_space<semaphore_mem>>
        %dma_start3A_64 = arith.constant 0 : i32
        %dma_start3A_65 = tpu.memref_slice %arg3[%mul3A_45, %dma_start3A_64] : memref<320000x16xf32, #tpu.memory_space<hbm>> -> memref<128x16xf32, #tpu.memory_space<hbm>>
        %dma_start3A_66 = arith.constant 0 : i32
        %dma_start3A_67 = tpu.memref_slice %arg3[%mul3A_45, %dma_start3A_66] : memref<320000x16xf32, #tpu.memory_space<hbm>> -> memref<128x16xf32, #tpu.memory_space<hbm>>
        tpu.enqueue_dma source(%dma_start3A_67 : memref<128x16xf32, #tpu.memory_space<hbm>>) target(%arg8 : memref<128x16xf32, #tpu.memory_space<vmem>>) target_semaphore(%run_scoped3A_63 : memref<!tpu.dma_semaphore, #tpu.memory_space<semaphore_mem>>)
        %dma_wait3A_68 = arith.constant 0 : i32
        %dma_wait3A_69 = tpu.memref_slice %arg3[%mul3A_45, %dma_wait3A_68] : memref<320000x16xf32, #tpu.memory_space<hbm>> -> memref<128x16xf32, #tpu.memory_space<hbm>>
        %dma_wait3A_70 = arith.constant 0 : i32
        %dma_wait3A_71 = tpu.memref_slice %arg3[%mul3A_45, %dma_wait3A_70] : memref<320000x16xf32, #tpu.memory_space<hbm>> -> memref<128x16xf32, #tpu.memory_space<hbm>>
        tpu.wait_dma2 semaphore(%run_scoped3A_63 : memref<!tpu.dma_semaphore, #tpu.memory_space<semaphore_mem>>) src(%dma_wait3A_71 : memref<128x16xf32, #tpu.memory_space<hbm>>) dst(%arg8 : memref<128x16xf32, #tpu.memory_space<vmem>>)
        tpu.yield
      }) : () -> ()
      %dma_wait3A = arith.constant 0 : i32
      %dma_wait3A_52 = arith.constant 0 : i32
      %dma_wait3A_53 = tpu.memref_slice %arg6[%dma_wait3A, %dma_wait3A_52] : memref<1x128xi32, #tpu.memory_space<vmem>> -> memref<1x128xi32, #tpu.memory_space<vmem>>
      %dma_wait3A_54 = tpu.memref_squeeze %dma_wait3A_53 : memref<1x128xi32, #tpu.memory_space<vmem>> -> memref<128xi32, #tpu.memory_space<vmem>>
      %dma_wait3A_55 = arith.constant 0 : i32
      %dma_wait3A_56 = arith.constant 0 : i32
      %dma_wait3A_57 = tpu.memref_slice %arg9[%dma_wait3A_55, %dma_wait3A_56] : memref<10000x16xf32, #tpu.memory_space<vmem_shared>> -> memref<10000x16xf32, #tpu.memory_space<vmem_shared>>
      tpu.wait_indirect_dma semaphore(%arg10 : memref<!tpu.dma_semaphore, #tpu.memory_space<semaphore_mem>>) src(%dma_wait3A_57 : memref<10000x16xf32, #tpu.memory_space<vmem_shared>>) dst(%arg7 : memref<128x16xf32, #tpu.memory_space<vmem>>)
      %scan3A = arith.constant 0 : i32
      %scan3A_58 = arith.constant 0 : i32
      %scan3A_59 = arith.constant 128 : i32
      %scan3A_60 = arith.addi %scan3A_58, %scan3A_59 : i32
      %scan3A_61 = arith.constant 1 : i32
      scf.for %scan3A_63 = %scan3A_58 to %scan3A_60 step %scan3A_61  : i32 {
        %get3A = arith.index_cast %scan3A_63 : i32 to index
        %get3A_64 = arith.constant 0 : index
        %get3A_65 = tpu.vector_load %arg8[%get3A, %get3A_64] {strides = array<i32>} : memref<128x16xf32, #tpu.memory_space<vmem>>, vector<1x16xf32>,
        %get3A_66 = vector.shape_cast %get3A_65 : vector<1x16xf32> to vector<16xf32>
        %get3A_67 = arith.index_cast %scan3A_63 : i32 to index
        %get3A_68 = arith.constant 0 : index
        %get3A_69 = tpu.vector_load %arg7[%get3A_67, %get3A_68] {strides = array<i32>} : memref<128x16xf32, #tpu.memory_space<vmem>>, vector<1x16xf32>,
        %get3A_70 = vector.shape_cast %get3A_69 : vector<1x16xf32> to vector<16xf32>
        %add3A_71 = arith.addf %get3A_66, %get3A_70 : vector<16xf32>
        %mul3A_72 = arith.constant 5.000000e-01 : f32
        %mul3A_73 = vector.broadcast %mul3A_72 : f32 to vector<16xf32>
        %mul3A_74 = arith.mulf %mul3A_73, %add3A_71 : vector<16xf32>
        %swap3A = arith.index_cast %scan3A_63 : i32 to index
        %swap3A_75 = arith.constant 0 : index
        %swap3A_76 = tpu.vector_load %arg8[%swap3A, %swap3A_75] {strides = array<i32>} : memref<128x16xf32, #tpu.memory_space<vmem>>, vector<1x16xf32>,
        %swap3A_77 = vector.shape_cast %swap3A_76 : vector<1x16xf32> to vector<16xf32>
        %swap3A_78 = vector.shape_cast %mul3A_74 : vector<16xf32> to vector<1x16xf32>
        tpu.vector_store %arg8[%swap3A, %swap3A_75], %swap3A_78 {strides = array<i32>} : memref<128x16xf32, #tpu.memory_space<vmem>>, vector<1x16xf32>,
      }
      %scan3A_62 = arith.constant 128 : i32
      "tpu.region"() ({
        %run_scoped3A_63 = tpu.sem_alloc : memref<!tpu.dma_semaphore, #tpu.memory_space<semaphore_mem>>
        %dma_start3A_64 = arith.constant 0 : i32
        %dma_start3A_65 = tpu.memref_slice %arg5[%mul3A_45, %dma_start3A_64] : memref<320000x16xf32, #tpu.memory_space<hbm>> -> memref<128x16xf32, #tpu.memory_space<hbm>>
        %dma_start3A_66 = arith.constant 0 : i32
        %dma_start3A_67 = tpu.memref_slice %arg5[%mul3A_45, %dma_start3A_66] : memref<320000x16xf32, #tpu.memory_space<hbm>> -> memref<128x16xf32, #tpu.memory_space<hbm>>
        tpu.enqueue_dma source(%arg8 : memref<128x16xf32, #tpu.memory_space<vmem>>) target(%dma_start3A_67 : memref<128x16xf32, #tpu.memory_space<hbm>>) target_semaphore(%run_scoped3A_63 : memref<!tpu.dma_semaphore, #tpu.memory_space<semaphore_mem>>)
        %dma_wait3A_68 = arith.constant 0 : i32
        %dma_wait3A_69 = tpu.memref_slice %arg5[%mul3A_45, %dma_wait3A_68] : memref<320000x16xf32, #tpu.memory_space<hbm>> -> memref<128x16xf32, #tpu.memory_space<hbm>>
        %dma_wait3A_70 = arith.constant 0 : i32
        %dma_wait3A_71 = tpu.memref_slice %arg5[%mul3A_45, %dma_wait3A_70] : memref<320000x16xf32, #tpu.memory_space<hbm>> -> memref<128x16xf32, #tpu.memory_space<hbm>>
        tpu.wait_dma2 semaphore(%run_scoped3A_63 : memref<!tpu.dma_semaphore, #tpu.memory_space<semaphore_mem>>) src(%arg8 : memref<128x16xf32, #tpu.memory_space<vmem>>) dst(%dma_wait3A_71 : memref<128x16xf32, #tpu.memory_space<hbm>>)
        tpu.yield
      }) : () -> ()
    }
    return
  }
}

module attributes {stable_mosaic.version = 14 : i64} {
  func.func @_proj_body(%arg0: i32, %arg1: memref<2000x128xf32, #tpu.memory_space<vmem>>, %arg2: memref<128x128xf32, #tpu.memory_space<vmem>>, %arg3: memref<128x128xf32, #tpu.memory_space<vmem>>, %arg4: memref<1x128xf32, #tpu.memory_space<vmem>>, %arg5: memref<2000x128xf32, #tpu.memory_space<vmem>>, %arg6: memref<2000x128xf32, #tpu.memory_space<vmem>>) attributes {dimension_semantics = [#tpu.dimension_semantics<arbitrary>], iteration_bounds = array<i64: 5>, scalar_prefetch = 0 : i64, scratch_operands = 0 : i64, tpu.core_type = #tpu.core_type<tc>, window_params = [{transform_indices = @transform_0, window_bounds = array<i64: 2000, 128>}, {pipeline_mode = #tpu.pipeline_mode<synchronous>, transform_indices = @transform_1, window_bounds = array<i64: 128, 128>}, {pipeline_mode = #tpu.pipeline_mode<synchronous>, transform_indices = @transform_2, window_bounds = array<i64: 128, 128>}, {pipeline_mode = #tpu.pipeline_mode<synchronous>, transform_indices = @transform_3, window_bounds = array<i64: 1, 128>}, {transform_indices = @transform_4, window_bounds = array<i64: 2000, 128>}, {transform_indices = @transform_5, window_bounds = array<i64: 2000, 128>}]} {
    %get3A = arith.constant 0 : index
    %get3A_0 = arith.constant 0 : index
    %get3A_1 = vector.load %arg1[%get3A, %get3A_0] : memref<2000x128xf32, #tpu.memory_space<vmem>>, vector<2000x128xf32>
    %get3A_2 = arith.constant 0 : index
    %get3A_3 = arith.constant 0 : index
    %get3A_4 = vector.load %arg2[%get3A_2, %get3A_3] : memref<128x128xf32, #tpu.memory_space<vmem>>, vector<128x128xf32>
    %dot_general3A = arith.constant dense<0.000000e+00> : vector<2000x128xf32>
    %dot_general3A_5 = tpu.matmul %get3A_1, %get3A_4, %dot_general3A {dimension_numbers = #tpu.dot_dimension_numbers<[1], [0], [0], [1], [0, 0, 1, 1], [], []>, transpose_lhs_hint = false} : vector<2000x128xf32>, vector<128x128xf32>, vector<2000x128xf32> -> vector<2000x128xf32>
    %swap3A = arith.constant 0 : index
    %swap3A_6 = arith.constant 0 : index
    %swap3A_7 = vector.load %arg5[%swap3A, %swap3A_6] : memref<2000x128xf32, #tpu.memory_space<vmem>>, vector<2000x128xf32>
    tpu.vector_store %arg5[%swap3A, %swap3A_6], %dot_general3A_5 {strides = array<i32>} : memref<2000x128xf32, #tpu.memory_space<vmem>>, vector<2000x128xf32>,
    %get3A_8 = arith.constant 0 : index
    %get3A_9 = arith.constant 0 : index
    %get3A_10 = vector.load %arg3[%get3A_8, %get3A_9] : memref<128x128xf32, #tpu.memory_space<vmem>>, vector<128x128xf32>
    %dot_general3A_11 = arith.constant dense<0.000000e+00> : vector<2000x128xf32>
    %dot_general3A_12 = tpu.matmul %get3A_1, %get3A_10, %dot_general3A_11 {dimension_numbers = #tpu.dot_dimension_numbers<[1], [0], [0], [1], [0, 0, 1, 1], [], []>, transpose_lhs_hint = false} : vector<2000x128xf32>, vector<128x128xf32>, vector<2000x128xf32> -> vector<2000x128xf32>
    %get3A_13 = arith.constant 0 : index
    %get3A_14 = arith.constant 0 : index
    %get3A_15 = vector.load %arg4[%get3A_13, %get3A_14] : memref<1x128xf32, #tpu.memory_space<vmem>>, vector<1x128xf32>
    %add3A = vector.broadcast %get3A_15 : vector<1x128xf32> to vector<2000x128xf32>
    %add3A_16 = arith.addf %dot_general3A_12, %add3A : vector<2000x128xf32>
    %swap3A_17 = arith.constant 0 : index
    %swap3A_18 = arith.constant 0 : index
    %swap3A_19 = vector.load %arg6[%swap3A_17, %swap3A_18] : memref<2000x128xf32, #tpu.memory_space<vmem>>, vector<2000x128xf32>
    tpu.vector_store %arg6[%swap3A_17, %swap3A_18], %add3A_16 {strides = array<i32>} : memref<2000x128xf32, #tpu.memory_space<vmem>>, vector<2000x128xf32>,
    return
  }
  func.func @transform_0(%arg0: i32) -> (i32, i32) {
    %c0_i32 = arith.constant 0 : i32
    %c0_i32_0 = arith.constant 0 : i32
    return %arg0, %c0_i32 : i32, i32
  }
  func.func @transform_1(%arg0: i32) -> (i32, i32) {
    %c0_i32 = arith.constant 0 : i32
    %c0_i32_0 = arith.constant 0 : i32
    %c0_i32_1 = arith.constant 0 : i32
    return %c0_i32, %c0_i32_0 : i32, i32
  }
  func.func @transform_2(%arg0: i32) -> (i32, i32) {
    %c0_i32 = arith.constant 0 : i32
    %c0_i32_0 = arith.constant 0 : i32
    %c0_i32_1 = arith.constant 0 : i32
    return %c0_i32, %c0_i32_0 : i32, i32
  }
  func.func @transform_3(%arg0: i32) -> (i32, i32) {
    %c0_i32 = arith.constant 0 : i32
    %c0_i32_0 = arith.constant 0 : i32
    %c0_i32_1 = arith.constant 0 : i32
    return %c0_i32, %c0_i32_0 : i32, i32
  }
  func.func @transform_4(%arg0: i32) -> (i32, i32) {
    %c0_i32 = arith.constant 0 : i32
    %c0_i32_0 = arith.constant 0 : i32
    return %arg0, %c0_i32 : i32, i32
  }
  func.func @transform_5(%arg0: i32) -> (i32, i32) {
    %c0_i32 = arith.constant 0 : i32
    %c0_i32_0 = arith.constant 0 : i32
    return %arg0, %c0_i32 : i32, i32
  }
}

module attributes {stable_mosaic.version = 14 : i64} {
  func.func @_edge_mlp_body(%arg0: i32, %arg1: memref<3200x128xf32, #tpu.memory_space<vmem>>, %arg2: memref<3200x16xf32, #tpu.memory_space<vmem>>, %arg3: memref<16x128xf32, #tpu.memory_space<vmem>>, %arg4: memref<128x16xf32, #tpu.memory_space<vmem>>, %arg5: memref<1x16xf32, #tpu.memory_space<vmem>>, %arg6: memref<3200x16xf32, #tpu.memory_space<vmem>>) attributes {dimension_semantics = [#tpu.dimension_semantics<arbitrary>], iteration_bounds = array<i64: 100>, scalar_prefetch = 0 : i64, scratch_operands = 0 : i64, tpu.core_type = #tpu.core_type<tc>, window_params = [{transform_indices = @transform_0, window_bounds = array<i64: 3200, 128>}, {transform_indices = @transform_1, window_bounds = array<i64: 3200, 16>}, {pipeline_mode = #tpu.pipeline_mode<synchronous>, transform_indices = @transform_2, window_bounds = array<i64: 16, 128>}, {pipeline_mode = #tpu.pipeline_mode<synchronous>, transform_indices = @transform_3, window_bounds = array<i64: 128, 16>}, {pipeline_mode = #tpu.pipeline_mode<synchronous>, transform_indices = @transform_4, window_bounds = array<i64: 1, 16>}, {transform_indices = @transform_5, window_bounds = array<i64: 3200, 16>}]} {
    %get3A = arith.constant 0 : index
    %get3A_0 = arith.constant 0 : index
    %get3A_1 = vector.load %arg1[%get3A, %get3A_0] : memref<3200x128xf32, #tpu.memory_space<vmem>>, vector<3200x128xf32>
    %get3A_2 = arith.constant 0 : index
    %get3A_3 = arith.constant 0 : index
    %get3A_4 = vector.load %arg2[%get3A_2, %get3A_3] : memref<3200x16xf32, #tpu.memory_space<vmem>>, vector<3200x16xf32>
    %get3A_5 = arith.constant 0 : index
    %get3A_6 = arith.constant 0 : index
    %get3A_7 = vector.load %arg3[%get3A_5, %get3A_6] : memref<16x128xf32, #tpu.memory_space<vmem>>, vector<16x128xf32>
    %dot_general3A = arith.constant dense<0.000000e+00> : vector<3200x128xf32>
    %dot_general3A_8 = tpu.matmul %get3A_4, %get3A_7, %dot_general3A {dimension_numbers = #tpu.dot_dimension_numbers<[1], [0], [0], [1], [0, 0, 1, 1], [], []>, transpose_lhs_hint = false} : vector<3200x16xf32>, vector<16x128xf32>, vector<3200x128xf32> -> vector<3200x128xf32>
    %add3A = arith.addf %get3A_1, %dot_general3A_8 : vector<3200x128xf32>
    %max3A = arith.constant 0.000000e+00 : f32
    %max3A_9 = vector.broadcast %max3A : f32 to vector<3200x128xf32>
    %max3A_10 = arith.maximumf %add3A, %max3A_9 : vector<3200x128xf32>
    %get3A_11 = arith.constant 0 : index
    %get3A_12 = arith.constant 0 : index
    %get3A_13 = vector.load %arg4[%get3A_11, %get3A_12] : memref<128x16xf32, #tpu.memory_space<vmem>>, vector<128x16xf32>
    %dot_general3A_14 = arith.constant dense<0.000000e+00> : vector<3200x16xf32>
    %dot_general3A_15 = tpu.matmul %max3A_10, %get3A_13, %dot_general3A_14 {dimension_numbers = #tpu.dot_dimension_numbers<[1], [0], [0], [1], [0, 0, 1, 1], [], []>, transpose_lhs_hint = false} : vector<3200x128xf32>, vector<128x16xf32>, vector<3200x16xf32> -> vector<3200x16xf32>
    %get3A_16 = arith.constant 0 : index
    %get3A_17 = arith.constant 0 : index
    %get3A_18 = vector.load %arg5[%get3A_16, %get3A_17] : memref<1x16xf32, #tpu.memory_space<vmem>>, vector<1x16xf32>
    %add3A_19 = vector.broadcast %get3A_18 : vector<1x16xf32> to vector<3200x16xf32>
    %add3A_20 = arith.addf %dot_general3A_15, %add3A_19 : vector<3200x16xf32>
    %swap3A = arith.constant 0 : index
    %swap3A_21 = arith.constant 0 : index
    %swap3A_22 = vector.load %arg6[%swap3A, %swap3A_21] : memref<3200x16xf32, #tpu.memory_space<vmem>>, vector<3200x16xf32>
    tpu.vector_store %arg6[%swap3A, %swap3A_21], %add3A_20 {strides = array<i32>} : memref<3200x16xf32, #tpu.memory_space<vmem>>, vector<3200x16xf32>,
    return
  }
  func.func @transform_0(%arg0: i32) -> (i32, i32) {
    %c0_i32 = arith.constant 0 : i32
    %c0_i32_0 = arith.constant 0 : i32
    return %arg0, %c0_i32 : i32, i32
  }
  func.func @transform_1(%arg0: i32) -> (i32, i32) {
    %c0_i32 = arith.constant 0 : i32
    %c0_i32_0 = arith.constant 0 : i32
    return %arg0, %c0_i32 : i32, i32
  }
  func.func @transform_2(%arg0: i32) -> (i32, i32) {
    %c0_i32 = arith.constant 0 : i32
    %c0_i32_0 = arith.constant 0 : i32
    %c0_i32_1 = arith.constant 0 : i32
    return %c0_i32, %c0_i32_0 : i32, i32
  }
  func.func @transform_3(%arg0: i32) -> (i32, i32) {
    %c0_i32 = arith.constant 0 : i32
    %c0_i32_0 = arith.constant 0 : i32
    %c0_i32_1 = arith.constant 0 : i32
    return %c0_i32, %c0_i32_0 : i32, i32
  }
  func.func @transform_4(%arg0: i32) -> (i32, i32) {
    %c0_i32 = arith.constant 0 : i32
    %c0_i32_0 = arith.constant 0 : i32
    %c0_i32_1 = arith.constant 0 : i32
    return %c0_i32, %c0_i32_0 : i32, i32
  }
  func.func @transform_5(%arg0: i32) -> (i32, i32) {
    %c0_i32 = arith.constant 0 : i32
    %c0_i32_0 = arith.constant 0 : i32
    return %arg0, %c0_i32 : i32, i32
  }
}

module attributes {stable_mosaic.version = 14 : i64} {
  func.func @_node_mlp_body(%arg0: i32, %arg1: memref<2000x128xf32, #tpu.memory_space<vmem>>, %arg2: memref<2000x16xf32, #tpu.memory_space<vmem>>, %arg3: memref<2000x16xf32, #tpu.memory_space<vmem>>, %arg4: memref<2000x16xf32, #tpu.memory_space<vmem>>, %arg5: memref<2000x16xf32, #tpu.memory_space<vmem>>, %arg6: memref<128x128xf32, #tpu.memory_space<vmem>>, %arg7: memref<16x128xf32, #tpu.memory_space<vmem>>, %arg8: memref<1x128xf32, #tpu.memory_space<vmem>>, %arg9: memref<128x128xf32, #tpu.memory_space<vmem>>, %arg10: memref<1x128xf32, #tpu.memory_space<vmem>>, %arg11: memref<2000x128xf32, #tpu.memory_space<vmem>>, %arg12: memref<2000x16xf32, #tpu.memory_space<vmem>>) attributes {dimension_semantics = [#tpu.dimension_semantics<arbitrary>], iteration_bounds = array<i64: 5>, scalar_prefetch = 0 : i64, scratch_operands = 0 : i64, tpu.core_type = #tpu.core_type<tc>, window_params = [{transform_indices = @transform_0, window_bounds = array<i64: 2000, 128>}, {transform_indices = @transform_1, window_bounds = array<i64: 2000, 16>}, {transform_indices = @transform_2, window_bounds = array<i64: 2000, 16>}, {transform_indices = @transform_3, window_bounds = array<i64: 2000, 16>}, {transform_indices = @transform_4, window_bounds = array<i64: 2000, 16>}, {pipeline_mode = #tpu.pipeline_mode<synchronous>, transform_indices = @transform_5, window_bounds = array<i64: 128, 128>}, {pipeline_mode = #tpu.pipeline_mode<synchronous>, transform_indices = @transform_6, window_bounds = array<i64: 16, 128>}, {pipeline_mode = #tpu.pipeline_mode<synchronous>, transform_indices = @transform_7, window_bounds = array<i64: 1, 128>}, {pipeline_mode = #tpu.pipeline_mode<synchronous>, transform_indices = @transform_8, window_bounds = array<i64: 128, 128>}, {pipeline_mode = #tpu.pipeline_mode<synchronous>, transform_indices = @transform_9, window_bounds = array<i64: 1, 128>}, {transform_indices = @transform_10, window_bounds = array<i64: 2000, 128>}, {transform_indices = @transform_11, window_bounds = array<i64: 2000, 16>}]} {
    %get3A = arith.constant 0 : index
    %get3A_0 = arith.constant 0 : index
    %get3A_1 = vector.load %arg2[%get3A, %get3A_0] : memref<2000x16xf32, #tpu.memory_space<vmem>>, vector<2000x16xf32>
    %get3A_2 = arith.constant 0 : index
    %get3A_3 = arith.constant 0 : index
    %get3A_4 = vector.load %arg3[%get3A_2, %get3A_3] : memref<2000x16xf32, #tpu.memory_space<vmem>>, vector<2000x16xf32>
    %add3A = arith.addf %get3A_1, %get3A_4 : vector<2000x16xf32>
    %get3A_5 = arith.constant 0 : index
    %get3A_6 = arith.constant 0 : index
    %get3A_7 = vector.load %arg4[%get3A_5, %get3A_6] : memref<2000x16xf32, #tpu.memory_space<vmem>>, vector<2000x1xf32>
    %get3A_8 = arith.constant 0 : index
    %get3A_9 = arith.constant 0 : index
    %get3A_10 = vector.load %arg5[%get3A_8, %get3A_9] : memref<2000x16xf32, #tpu.memory_space<vmem>>, vector<2000x1xf32>
    %add3A_11 = arith.addf %get3A_7, %get3A_10 : vector<2000x1xf32>
    %max3A = arith.constant 1.000000e+00 : f32
    %max3A_12 = vector.broadcast %max3A : f32 to vector<2000x1xf32>
    %max3A_13 = arith.maximumf %add3A_11, %max3A_12 : vector<2000x1xf32>
    %get3A_14 = arith.constant 0 : index
    %get3A_15 = arith.constant 0 : index
    %get3A_16 = vector.load %arg1[%get3A_14, %get3A_15] : memref<2000x128xf32, #tpu.memory_space<vmem>>, vector<2000x128xf32>
    %get3A_17 = arith.constant 0 : index
    %get3A_18 = arith.constant 0 : index
    %get3A_19 = vector.load %arg6[%get3A_17, %get3A_18] : memref<128x128xf32, #tpu.memory_space<vmem>>, vector<128x128xf32>
    %dot_general3A = arith.constant dense<0.000000e+00> : vector<2000x128xf32>
    %dot_general3A_20 = tpu.matmul %get3A_16, %get3A_19, %dot_general3A {dimension_numbers = #tpu.dot_dimension_numbers<[1], [0], [0], [1], [0, 0, 1, 1], [], []>, transpose_lhs_hint = false} : vector<2000x128xf32>, vector<128x128xf32>, vector<2000x128xf32> -> vector<2000x128xf32>
    %get3A_21 = arith.constant 0 : index
    %get3A_22 = arith.constant 0 : index
    %get3A_23 = vector.load %arg7[%get3A_21, %get3A_22] : memref<16x128xf32, #tpu.memory_space<vmem>>, vector<16x128xf32>
    %dot_general3A_24 = arith.constant dense<0.000000e+00> : vector<2000x128xf32>
    %dot_general3A_25 = tpu.matmul %add3A, %get3A_23, %dot_general3A_24 {dimension_numbers = #tpu.dot_dimension_numbers<[1], [0], [0], [1], [0, 0, 1, 1], [], []>, transpose_lhs_hint = false} : vector<2000x16xf32>, vector<16x128xf32>, vector<2000x128xf32> -> vector<2000x128xf32>
    %add3A_26 = arith.addf %dot_general3A_20, %dot_general3A_25 : vector<2000x128xf32>
    %get3A_27 = arith.constant 0 : index
    %get3A_28 = arith.constant 0 : index
    %get3A_29 = vector.load %arg8[%get3A_27, %get3A_28] : memref<1x128xf32, #tpu.memory_space<vmem>>, vector<1x128xf32>
    %add3A_30 = vector.broadcast %get3A_29 : vector<1x128xf32> to vector<2000x128xf32>
    %add3A_31 = arith.addf %add3A_26, %add3A_30 : vector<2000x128xf32>
    %max3A_32 = arith.constant 0.000000e+00 : f32
    %max3A_33 = vector.broadcast %max3A_32 : f32 to vector<2000x128xf32>
    %max3A_34 = arith.maximumf %add3A_31, %max3A_33 : vector<2000x128xf32>
    %get3A_35 = arith.constant 0 : index
    %get3A_36 = arith.constant 0 : index
    %get3A_37 = vector.load %arg9[%get3A_35, %get3A_36] : memref<128x128xf32, #tpu.memory_space<vmem>>, vector<128x128xf32>
    %dot_general3A_38 = arith.constant dense<0.000000e+00> : vector<2000x128xf32>
    %dot_general3A_39 = tpu.matmul %max3A_34, %get3A_37, %dot_general3A_38 {dimension_numbers = #tpu.dot_dimension_numbers<[1], [0], [0], [1], [0, 0, 1, 1], [], []>, transpose_lhs_hint = false} : vector<2000x128xf32>, vector<128x128xf32>, vector<2000x128xf32> -> vector<2000x128xf32>
    %get3A_40 = arith.constant 0 : index
    %get3A_41 = arith.constant 0 : index
    %get3A_42 = vector.load %arg10[%get3A_40, %get3A_41] : memref<1x128xf32, #tpu.memory_space<vmem>>, vector<1x128xf32>
    %add3A_43 = vector.broadcast %get3A_42 : vector<1x128xf32> to vector<2000x128xf32>
    %add3A_44 = arith.addf %dot_general3A_39, %add3A_43 : vector<2000x128xf32>
    %swap3A = arith.constant 0 : index
    %swap3A_45 = arith.constant 0 : index
    %swap3A_46 = vector.load %arg11[%swap3A, %swap3A_45] : memref<2000x128xf32, #tpu.memory_space<vmem>>, vector<2000x128xf32>
    tpu.vector_store %arg11[%swap3A, %swap3A_45], %add3A_44 {strides = array<i32>} : memref<2000x128xf32, #tpu.memory_space<vmem>>, vector<2000x128xf32>,
    %div3A = vector.broadcast %max3A_13 : vector<2000x1xf32> to vector<2000x16xf32>
    %div3A_47 = arith.divf %add3A, %div3A : vector<2000x16xf32>
    %swap3A_48 = arith.constant 0 : index
    %swap3A_49 = arith.constant 0 : index
    %swap3A_50 = vector.load %arg12[%swap3A_48, %swap3A_49] : memref<2000x16xf32, #tpu.memory_space<vmem>>, vector<2000x16xf32>
    tpu.vector_store %arg12[%swap3A_48, %swap3A_49], %div3A_47 {strides = array<i32>} : memref<2000x16xf32, #tpu.memory_space<vmem>>, vector<2000x16xf32>,
    return
  }
  func.func @transform_0(%arg0: i32) -> (i32, i32) {
    %c0_i32 = arith.constant 0 : i32
    %c0_i32_0 = arith.constant 0 : i32
    return %arg0, %c0_i32 : i32, i32
  }
  func.func @transform_1(%arg0: i32) -> (i32, i32) {
    %c0_i32 = arith.constant 0 : i32
    %c0_i32_0 = arith.constant 0 : i32
    return %arg0, %c0_i32 : i32, i32
  }
  func.func @transform_2(%arg0: i32) -> (i32, i32) {
    %c0_i32 = arith.constant 0 : i32
    %c0_i32_0 = arith.constant 0 : i32
    return %arg0, %c0_i32 : i32, i32
  }
  func.func @transform_3(%arg0: i32) -> (i32, i32) {
    %c0_i32 = arith.constant 0 : i32
    %c0_i32_0 = arith.constant 0 : i32
    return %arg0, %c0_i32 : i32, i32
  }
  func.func @transform_4(%arg0: i32) -> (i32, i32) {
    %c0_i32 = arith.constant 0 : i32
    %c0_i32_0 = arith.constant 0 : i32
    return %arg0, %c0_i32 : i32, i32
  }
  func.func @transform_5(%arg0: i32) -> (i32, i32) {
    %c0_i32 = arith.constant 0 : i32
    %c0_i32_0 = arith.constant 0 : i32
    %c0_i32_1 = arith.constant 0 : i32
    return %c0_i32, %c0_i32_0 : i32, i32
  }
  func.func @transform_6(%arg0: i32) -> (i32, i32) {
    %c0_i32 = arith.constant 0 : i32
    %c0_i32_0 = arith.constant 0 : i32
    %c0_i32_1 = arith.constant 0 : i32
    return %c0_i32, %c0_i32_0 : i32, i32
  }
  func.func @transform_7(%arg0: i32) -> (i32, i32) {
    %c0_i32 = arith.constant 0 : i32
    %c0_i32_0 = arith.constant 0 : i32
    %c0_i32_1 = arith.constant 0 : i32
    return %c0_i32, %c0_i32_0 : i32, i32
  }
  func.func @transform_8(%arg0: i32) -> (i32, i32) {
    %c0_i32 = arith.constant 0 : i32
    %c0_i32_0 = arith.constant 0 : i32
    %c0_i32_1 = arith.constant 0 : i32
    return %c0_i32, %c0_i32_0 : i32, i32
  }
  func.func @transform_9(%arg0: i32) -> (i32, i32) {
    %c0_i32 = arith.constant 0 : i32
    %c0_i32_0 = arith.constant 0 : i32
    %c0_i32_1 = arith.constant 0 : i32
    return %c0_i32, %c0_i32_0 : i32, i32
  }
  func.func @transform_10(%arg0: i32) -> (i32, i32) {
    %c0_i32 = arith.constant 0 : i32
    %c0_i32_0 = arith.constant 0 : i32
    return %arg0, %c0_i32 : i32, i32
  }
  func.func @transform_11(%arg0: i32) -> (i32, i32) {
    %c0_i32 = arith.constant 0 : i32
    %c0_i32_0 = arith.constant 0 : i32
    return %arg0, %c0_i32 : i32, i32
  }
}

module attributes {stable_mosaic.version = 14 : i64} {
  func.func @_final_body(%arg0: i32, %arg1: memref<2000x128xf32, #tpu.memory_space<vmem>>, %arg2: memref<2000x128xf32, #tpu.memory_space<vmem>>, %arg3: memref<2000x128xf32, #tpu.memory_space<vmem>>, %arg4: memref<2000x16xf32, #tpu.memory_space<vmem>>, %arg5: memref<2000x16xf32, #tpu.memory_space<vmem>>, %arg6: memref<2000x128xf32, #tpu.memory_space<vmem>>) attributes {dimension_semantics = [#tpu.dimension_semantics<arbitrary>], iteration_bounds = array<i64: 5>, scalar_prefetch = 0 : i64, scratch_operands = 0 : i64, tpu.core_type = #tpu.core_type<tc>, window_params = [{transform_indices = @transform_0, window_bounds = array<i64: 2000, 128>}, {transform_indices = @transform_1, window_bounds = array<i64: 2000, 128>}, {transform_indices = @transform_2, window_bounds = array<i64: 2000, 128>}, {transform_indices = @transform_3, window_bounds = array<i64: 2000, 16>}, {transform_indices = @transform_4, window_bounds = array<i64: 2000, 16>}, {transform_indices = @transform_5, window_bounds = array<i64: 2000, 128>}]} {
    %get3A = arith.constant 0 : index
    %get3A_0 = arith.constant 0 : index
    %get3A_1 = vector.load %arg4[%get3A, %get3A_0] : memref<2000x16xf32, #tpu.memory_space<vmem>>, vector<2000x1xf32>
    %get3A_2 = arith.constant 0 : index
    %get3A_3 = arith.constant 0 : index
    %get3A_4 = vector.load %arg5[%get3A_2, %get3A_3] : memref<2000x16xf32, #tpu.memory_space<vmem>>, vector<2000x1xf32>
    %add3A = arith.addf %get3A_1, %get3A_4 : vector<2000x1xf32>
    %max3A = arith.constant 1.000000e+00 : f32
    %max3A_5 = vector.broadcast %max3A : f32 to vector<2000x1xf32>
    %max3A_6 = arith.maximumf %add3A, %max3A_5 : vector<2000x1xf32>
    %get3A_7 = arith.constant 0 : index
    %get3A_8 = arith.constant 0 : index
    %get3A_9 = vector.load %arg1[%get3A_7, %get3A_8] : memref<2000x128xf32, #tpu.memory_space<vmem>>, vector<2000x128xf32>
    %get3A_10 = arith.constant 0 : index
    %get3A_11 = arith.constant 0 : index
    %get3A_12 = vector.load %arg2[%get3A_10, %get3A_11] : memref<2000x128xf32, #tpu.memory_space<vmem>>, vector<2000x128xf32>
    %get3A_13 = arith.constant 0 : index
    %get3A_14 = arith.constant 0 : index
    %get3A_15 = vector.load %arg3[%get3A_13, %get3A_14] : memref<2000x128xf32, #tpu.memory_space<vmem>>, vector<2000x128xf32>
    %add3A_16 = arith.addf %get3A_12, %get3A_15 : vector<2000x128xf32>
    %div3A = vector.broadcast %max3A_6 : vector<2000x1xf32> to vector<2000x128xf32>
    %div3A_17 = arith.divf %add3A_16, %div3A : vector<2000x128xf32>
    %add3A_18 = arith.addf %get3A_9, %div3A_17 : vector<2000x128xf32>
    %mul3A = arith.constant 5.000000e-01 : f32
    %mul3A_19 = vector.broadcast %mul3A : f32 to vector<2000x128xf32>
    %mul3A_20 = arith.mulf %mul3A_19, %add3A_18 : vector<2000x128xf32>
    %swap3A = arith.constant 0 : index
    %swap3A_21 = arith.constant 0 : index
    %swap3A_22 = vector.load %arg6[%swap3A, %swap3A_21] : memref<2000x128xf32, #tpu.memory_space<vmem>>, vector<2000x128xf32>
    tpu.vector_store %arg6[%swap3A, %swap3A_21], %mul3A_20 {strides = array<i32>} : memref<2000x128xf32, #tpu.memory_space<vmem>>, vector<2000x128xf32>,
    return
  }
  func.func @transform_0(%arg0: i32) -> (i32, i32) {
    %c0_i32 = arith.constant 0 : i32
    %c0_i32_0 = arith.constant 0 : i32
    return %arg0, %c0_i32 : i32, i32
  }
  func.func @transform_1(%arg0: i32) -> (i32, i32) {
    %c0_i32 = arith.constant 0 : i32
    %c0_i32_0 = arith.constant 0 : i32
    return %arg0, %c0_i32 : i32, i32
  }
  func.func @transform_2(%arg0: i32) -> (i32, i32) {
    %c0_i32 = arith.constant 0 : i32
    %c0_i32_0 = arith.constant 0 : i32
    return %arg0, %c0_i32 : i32, i32
  }
  func.func @transform_3(%arg0: i32) -> (i32, i32) {
    %c0_i32 = arith.constant 0 : i32
    %c0_i32_0 = arith.constant 0 : i32
    return %arg0, %c0_i32 : i32, i32
  }
  func.func @transform_4(%arg0: i32) -> (i32, i32) {
    %c0_i32 = arith.constant 0 : i32
    %c0_i32_0 = arith.constant 0 : i32
    return %arg0, %c0_i32 : i32, i32
  }
  func.func @transform_5(%arg0: i32) -> (i32, i32) {
    %c0_i32 = arith.constant 0 : i32
    %c0_i32_0 = arith.constant 0 : i32
    return %arg0, %c0_i32 : i32, i32
  }
}

</mosaic_0001>

<sc_bundles>
// kernel: kernel.10.cloned.1.call-start
scs
__scs_entry_jumppad:
0x0: {  	(pc) =	sbr.rel $0x88, $3  }
0x1: {  	(tag) =	ssettag $0x0;
	lr =	simm.s32 $0x1  }
0x2: {  	[smem:$0x3F96] =	sst lr;
	_ =	strace $0xD0000000  }
0x3: {  	_ = 	snop  }
0x4: {  	_ = 	snop  }
0x5: {  	_ = 	snop  }
0x6: {  	_ = 	snop  }
0x7: {  	_ = 	snop  }
__scs_overlays_trampoline_lowered:
0x8: {  	[smem:$0x3FA5] =	sst s0  }
0x9: {  	[smem:$0x3FA6] =	sst s1  }
0xa: {  	[smem:$0x3FA7] =	sst s2  }
0xb: {  	[smem:$0x3FA8] =	sst s3  }
0xc: {  	[smem:$0x3FA9] =	sst s4  }
0xd: {  	[smem:$0x3FAA] =	sst s5  }
0xe: {  	[smem:$0x3FAB] =	sst s6  }
0xf: {  	[smem:$0x3FAC] =	sst s7  }
0x10: {  	[smem:$0x3FAD] =	sst s8  }
0x11: {  	[smem:$0x3FAE] =	sst s9;
	s0 =	simm.s32 @!p0 $0x0  }
0x12: {  	s1 =	sld [smem:$0x3F94];
	s0 =	simm.s32 @p0 $0x1  }
0x13: {  	[smem:$0x3FAF] =	sst s0;
	s0 =	simm.s32 @!p1 $0x0  }
0x14: {  	s2 =	sld [smem:$0x3F93];
	s0 =	simm.s32 @p1 $0x1  }
0x15: {  	[smem:$0x3FB0] =	sst s0;
	s0 =	simm.s32 @!p2 $0x0  }
0x16: {  	s3 =	sld [smem:$0x3FDB];
	s0 =	simm.s32 @p2 $0x1  }
0x17: {  	s4 =	simm.s32 $0x1BF5;
	[smem:$0x3FB2] =	sst s0  }
0x18: {  	s0 =	sld [smem:$0x3F95];
	_ =	swait.ge [sflag:s4], $0x0  }
0x19: {  	s7 =	sld [smem:$0x3F96]  }
0x1a: {  	s8 =	sadd.s32 $0xFFFFE003, lr  }
0x1b: {  	s9 =	sadd.s32 $0xFFFFFEF7, lr;
	s5 =	simm.s32 $0xFFFFFFFF;
	p2 =	slt.u32 s8, $0xFFFFF086  }
0x1c: {  	p1 =	slt.u32 s9, $0xF7A;
	s5 =	simm.s32 @!p2 $0x0  }
0x1d: {  	s5 =	simm.s32 @p1 $0x1;
	p0 =	seq.s32 s7, s2  }
0x1e: {  	s7 =	smul.u32 @!p0 $0xF7A, s2;
	p2 =	seq.s32 @!p0 s5, $0x0  }
0x1f: {  	s9 =	smul.u32 $0xF7A, s1;
	s8 =	simm.s32 @!p0 $0x1BF5;
	p2 =	por !p2, p0  }
0x20: {  	[sflag:s8] =	ssyncset.s32 @!p0 $0xFFFFF086;
	s6 =	sadd.s32 @!p0 s3, s7;
	s7 =	simm.s32 @!p0 $0x108  }
0x21: {  	s3 =	sadd.s32 s3, s9;
	s6 =	sadd.s32 @!p0 $0x88, s6;
	s7 =	simm.s32 @p2 $0x1082  }
0x22: {  	[simem:s7], [sflag:s8] =	dma.local @!p0 [hbm:s6], $0xF7A  }
0x23: {  	s9 =	sor.u32 $0xD0000000, s2;
	s6 =	simm.s32 $0x108;
	_ =	swait.ge @!p0 [sflag:s8], $0x0  }
0x24: {  	s3 =	sadd.s32 $0x88, s3;
	s6 =	simm.s32 @!p1 $0x1082;
	[sflag:s4] =	ssyncset.s32 $0xFFFFF086  }
0x25: {  	[simem:s6], [sflag:s4] =	dma.local [hbm:s3], $0xF7A  }
0x26: {  	[smem:$0x3F96] =	sst s1;
	(tag) =	ssettag s2;
	_ =	strace s9  }
0x27: {  	s1 =	sld [smem:$0x3FA6]  }
0x28: {  	s2 =	sld [smem:$0x3FA7]  }
0x29: {  	s4 =	sld [smem:$0x3FA9]  }
0x2a: {  	p0 =	seq.s32 s5, $0x0;
	s5 =	sld [smem:$0x3FAA]  }
0x2b: {  	s6 =	sld [smem:$0x3FAB]  }
0x2c: {  	s7 =	sld [smem:$0x3FAC]  }
0x2d: {  	s3 =	simm.s32 $0x108;
	s8 =	sld [smem:$0x3FAD]  }
0x2e: {  	s3 =	simm.s32 @!p0 $0x1082;
	s9 =	sld [smem:$0x3FAE]  }
0x2f: {  	lr =	sadd.s32 s0, s3;
	s0 =	sld [smem:$0x3FA5]  }
0x30: {  	s3 =	sld [smem:$0x3FA8]  }
0x31: {  	[smem:$0x3FB1] =	sst s10  }
0x32: {  	s10 =	sld [smem:$0x3FAF];
	_ =	sdelay $0x3  }
0x33: {  	p0 =	seq.s32 s10, $0x1;
	s10 =	sld [smem:$0x3FB1];
	_ =	sdelay $0x3  }
0x34: {  	[smem:$0x3FB1] =	sst s10  }
0x35: {  	s10 =	sld [smem:$0x3FB0];
	_ =	sdelay $0x3  }
0x36: {  	p1 =	seq.s32 s10, $0x1;
	s10 =	sld [smem:$0x3FB1];
	_ =	sdelay $0x3  }
0x37: {  	[smem:$0x3FB1] =	sst s10  }
0x38: {  	s10 =	sld [smem:$0x3FB2]  }
0x39: {  	_ = 	snop;
	(pc) =	sbr.ind lr, $3  }
0x3a: {  	_ = 	snop  }
0x3b: {  	_ = 	snop  }
0x3c: {  	p2 =	seq.s32 s10, $0x1;
	s10 =	sld [smem:$0x3FB1]  }
0x3d: {  	_ =	shalt  }
0x3e: {  	_ =	shalt  }
0x3f: {  	_ =	shalt  }
0x40: {  	_ =	shalt  }
0x41: {  	_ =	shalt  }
0x42: {  	_ =	shalt  }
0x43: {  	_ =	shalt  }
0x44: {  	_ =	shalt  }
0x45: {  	_ =	shalt  }
0x46: {  	_ =	shalt  }
0x47: {  	_ =	shalt  }
0x48: {  	_ =	shalt  }
0x49: {  	_ =	shalt  }
0x4a: {  	_ =	shalt  }
0x4b: {  	_ =	shalt  }
0x4c: {  	_ =	shalt  }
0x4d: {  	_ =	shalt  }
0x4e: {  	_ =	shalt  }
0x4f: {  	_ =	shalt  }
0x50: {  	_ =	shalt  }
0x51: {  	_ =	shalt  }
0x52: {  	_ =	shalt  }
0x53: {  	_ =	shalt  }
0x54: {  	_ =	shalt  }
0x55: {  	_ =	shalt  }
0x56: {  	_ =	shalt  }
0x57: {  	_ =	shalt  }
0x58: {  	_ =	shalt  }
0x59: {  	_ =	shalt  }
0x5a: {  	_ =	shalt  }
0x5b: {  	_ =	shalt  }
0x5c: {  	_ =	shalt  }
0x5d: {  	_ =	shalt  }
0x5e: {  	_ =	shalt  }
0x5f: {  	_ =	shalt  }
0x60: {  	_ =	shalt  }
0x61: {  	_ =	shalt  }
0x62: {  	_ =	shalt  }
0x63: {  	_ =	shalt  }
0x64: {  	_ =	shalt  }
0x65: {  	_ =	shalt  }
0x66: {  	_ =	shalt  }
0x67: {  	_ =	shalt  }
0x68: {  	_ =	shalt  }
0x69: {  	_ =	shalt  }
0x6a: {  	_ =	shalt  }
0x6b: {  	_ =	shalt  }
0x6c: {  	_ =	shalt  }
0x6d: {  	_ =	shalt  }
0x6e: {  	_ =	shalt  }
0x6f: {  	_ =	shalt  }
0x70: {  	_ =	shalt  }
0x71: {  	_ =	shalt  }
0x72: {  	_ =	shalt  }
0x73: {  	_ =	shalt  }
0x74: {  	_ =	shalt  }
0x75: {  	_ =	shalt  }
0x76: {  	_ =	shalt  }
0x77: {  	_ =	shalt  }
0x78: {  	_ =	shalt  }
0x79: {  	_ =	shalt  }
0x7a: {  	_ =	shalt  }
0x7b: {  	_ =	shalt  }
0x7c: {  	_ =	shalt  }
0x7d: {  	_ =	shalt  }
0x7e: {  	_ =	shalt  }
0x7f: {  	_ =	shalt  }
0x80: {  	_ =	shalt  }
0x81: {  	_ =	shalt  }
0x82: {  	_ =	shalt  }
0x83: {  	_ =	shalt  }
0x84: {  	_ =	shalt  }
0x85: {  	_ =	shalt  }
0x86: {  	_ =	shalt  }
0x87: {  	_ =	shalt  }
.Lfunc_end0:
.L_simem_size_0:
called_computation_lowered:
.L_overlay_start_0:
0x88: {  	s2 =	sld [smem:$0x3FD9]  }
0x89: {  	s3 =	sld [smem:$0x3FFE];
	_ =	sdelay $0x1  }
0x8a: {  	s1 =	srdreg.scid  }
0x8b: {  	s0 =	sand.u32 $0x1, s1  }
0x8c: {  	s14 =	sshll.u32 s0, $0xA;
	s2 =	sadd.s32 s3, s2  }
0x8d: {  	s2 =	sadd.s32 s2, s14  }
0x8e: {  	[smem:$0x3FBD] =	sst s2  }
0x8f: {  	_ = 	snop  }
0x90: {  	s2 =	sld [smem:$0x3FD0];
	_ =	sdelay $0x2  }
0x91: {  	s15 =	simm.s32 $0xB;
	s4 =	simm.s32 $0x10  }
0x92: {  	[smem:s4], [sflag:s15] =	dma.local [hbm:s2], $0x1  }
0x93: {  	_ =	swait.eq [sflag:s15], $0x1  }
0x94: {  	[sflag:s15] =	ssyncset.done $0x0  }
0x95: {  	s16 =	sld [smem:$0x10];
	[sflag:s15] =	ssyncadd.s32 $0xFFFFFFFF  }
0x96: {  	s17 =	sld [smem:$0x11];
	(tm) =	ssettm $0x1  }
0x97: {  	s18 =	sld [smem:$0x3FFB];
	_ =	sdelay $0x3  }
0x98: {  	_ =	strace s18  }
0x99: {  	s4 =	sld [smem:$0x3FFC];
	_ =	sdelay $0x3  }
0x9a: {  	_ =	strace s4  }
0x9b: {  	s4 =	sld [smem:$0x3FFD];
	_ =	sdelay $0x3  }
0x9c: {  	_ =	strace s4  }
0x9d: {  	_ =	strace $0x8FFFFFFF  }
0x9e: {  	s19 =	sld [smem:$0x3FDB];
	_ =	sdelay $0x1  }
0x9f: {  	s5 =	simm.s32 $_scs_section_size  }
0xa0: {  	s6 =	simm.s32 $_size__tile_overlayer_lowered;
	s7 =	simm.s32 $_tile_overlayer_lowered  }
0xa1: {  	s22 =	simm.s32 $0x1BFF;
	s21 =	sshll.u32 s7, $0x1;
	s4 =	sadd.s32 s5, s19  }
0xa2: {  	s8 =	simm.s32 $0x0;
	s20 =	sshll.u32 s6, $0x1;
	s6 =	sadd.s32 s21, s4  }
0xa3: {  	[timem:s8], [sflag:s22] =	dma.local [hbm:s6], s20  }
0xa4: {  	_ =	swait.ge [sflag:s22], s20  }
0xa5: {  	s5 =	ssub.s32 $0x0, s20;
	[sflag:s22] =	ssyncset.done $0x0  }
0xa6: {  	[sflag:s22] =	ssyncadd.s32 s5;
	_ =	sdelay $0x1  }
0xa7: {  	s23 =	simm.s32 $0x1B8B  }
0xa8: {  	_ =	swait.ge [sflag:s23], $0x1  }
0xa9: {  	[sflag:s23] =	ssyncset.done $0x0  }
0xaa: {  	s25 =	simm.s32 $0x1B8E;
	s24 =	sld [smem:$0x3FFE];
	[sflag:s23] =	ssyncadd.s32 $0xFFFFFFFF  }
0xab: {  	s26 =	simm.s32 $execute0_lowered;
	[smem:$0x3FD2] =	sst s25  }
0xac: {  	s6 =	sshll.u32 s26, $0x1;
	_ =	strace $0x80000046;
	[dreg:$0x1] =	wrdreg $0xFFFFFFFF  }
0xad: {  	s28 =	simm.s32 $_size_execute0_lowered;
	s4 =	sadd.s32 s4, s6;
	[dreg:$0x0] =	wrdreg $0x0  }
0xae: {  	s6 =	sshll.u32 s28, $0x1;
	[dreg:$0x2] =	wrdreg s4  }
0xaf: {  	[dreg:$0x3] =	wrdreg s6  }
0xb0: {  	[dreg:$0x4] =	wrdreg $0xC0  }
0xb1: {  	_ =	task [dreg:s8], $0x5FFFF  }
0xb2: {  	[dreg:$0x1] =	wrdreg $0xFFFFFFFF  }
0xb3: {  	[dreg:$0x0] =	wrdreg $0x60  }
0xb4: {  	[dreg:$0x2] =	wrdreg s16  }
0xb5: {  	[dreg:$0x3] =	wrdreg s17  }
0xb6: {  	[dreg:$0x4] =	wrdreg s24  }
0xb7: {  	[dreg:$0x5] =	wrdreg $0x9  }
0xb8: {  	_ =	task.clear_ibuf [dreg:s8], $0x6FFFF;
	_ =	strace $0x90000046  }
0xb9: {  	s29 =	simm.s32 $0x9;
	_ =	strace $0x80000048  }
0xba: {  	_ =	swait.ge [sflag:s29], $0x1  }
0xbb: {  	[sflag:s29] =	ssyncadd.s32 $0xFFFFFFFF  }
0xbc: {  	_ =	strace $0x90000048  }
0xbd: {  	_ =	sfence  }
0xbe: {  	s30 =	sld [smem:$0x0];
	_ =	sdelay $0x2  }
0xbf: {  	s31 =	sshll.u32 s1, $0xD;
	s1 =	sshrl.u32 s1, $0x2  }
0xc0: {  	s3 =	sand.u32 $0x4000, s31;
	s1 =	sadd.s32 s1, s30  }
0xc1: {  	s0 =	sor.u32 s3, s0;
	s1 =	sshll.u32 s1, $0x11  }
0xc2: {  	s0 =	sor.u32 s1, s0  }
0xc3: {  	s0 =	sadd.s32 $0x8F2B, s0  }
0xc4: {  	[sflag:s0] =	ssyncadd.remote.s32 $0x1  }
0xc5: {  	_ =	sfence.sel $0xFFFF  }
0xc6: {  	[dreg:$0x0] =	wrdreg $0xFFFFFFFF;
	(pc) =	sbr.abs _section_cstart, $3  }
0xc7: {  	[dreg:$0x1] =	wrdreg $0xFFFFFFFF  }
0xc8: {  	_ =	task.clear_ibuf [dreg:s8], $0x2FFFF;
	_ =	strace $0x9FFFFFFF  }
0xc9: {  	(tm) =	ssettm $0x7FFFFFFF  }
tec
execute0_lowered:
.L_overlay_start_1:
0x0: {  	(tag) =	ssettag $0x1  }
0x1: {  	s1 =	rddreg [dreg:$0x0]  }
0x2: {  	s2 =	rddreg [dreg:$0x1]  }
0x3: {  	s7 =	rddreg [dreg:$0x2]  }
0x4: {  	s0 =	rddreg [dreg:$0x3];
	s3 =	simm.s32 $0x0  }
0x5: {  	s6 =	srdreg.scid;
	s4 =	stileid.u32;
	s12 =	simm.s32 $0x80  }
0x6: {  	s13 =	simm.s32 $0x100;
	s14 =	simm.s32 $0x4100;
	s15 =	simm.s32 $0x1  }
0x7: {  	s16 =	simm.s32 $0x2;
	s17 =	simm.s32 $0x0;
	[smem:$0x7FF] =	sst s3  }
0x8: {  	s5 =	sadd.s32 $0x3600, s7;
	s8 =	sand.u32 $0x1, s6;
	s6 =	sadd.s32 $0xD400, s7  }
0x9: {  	s10 =	sshll.u32 s4, $0x1;
	s7 =	sadd.s32 $0x17200, s7;
	s9 =	ssub.s32 $0x2, s8  }
0xa: {  	_ =	strace $0x80000047;
	s10 =	sor.u32 s8, s10;
	s11 =	sshrl.u32 s9, $0x1  }
0xb: {  	s8 =	sshll.u32 s10, $0x7;
	s31 =	ssub.s32 $0x9E3, s10;
	s11 =	ssub.s32 s9, s11  }
0xc: {  	s9 =	sshrl.u32 s31, $0x5;
	s10 =	smax.u32 s11, $0x1;
	s11 =	simm.s32 $0x3  }
.LBB2_1:
0xd: {  	s18 =	simm.s32 $0x0  }
.LBB2_2:
0xe: {  	s19 =	sshll.u32 s18, $0xC  }
0xf: {  	s19 =	sor.u32 s8, s19  }
0x10: {  	s20 =	sshrl.u32 s19, $0x3  }
0x11: {  	s22 =	simm.s32 $0x0;
	s21 =	sadd.s32 s5, s20  }
0x12: {  	[tilespmem:s22], [sflag:$0x3] =	stream.linear.gather [hbm4b:s21+s22], $0x80, $0x38;
	[tilespmem:$0x8100] =	vst v63  }
0x13: {  	_ =	swait.ge [sflag:s11], $0x80  }
0x14: {  	[sflag:s11] =	ssyncset.done $0x0  }
0x15: {  	s20 =	sadd.s32 s6, s20;
	[sflag:s11] =	ssyncadd.s32 $0xFFFFFF80  }
0x16: {  	[tilespmem:s12], [sflag:$0x3] =	stream.linear.gather [hbm4b:s20+s22], $0x80, $0x38;
	[tilespmem:$0x8100] =	vst v63  }
0x17: {  	_ =	swait.ge [sflag:s11], $0x80  }
0x18: {  	[sflag:s11] =	ssyncset.done $0x0  }
0x19: {  	[sflag:s11] =	ssyncadd.s32 $0xFFFFFF80  }
0x1a: {  	[tilespmem:s13], [sflag:$0x1] =	stream.indirect.gather [hbm4b:s1+s12], $0x80, s22, s12, $0xb8;
	[tilespmem:$0x8100] =	vst v63  }
0x1b: {  	_ = 	snop  }
0x1c: {  	[tilespmem:s14], [sflag:$0x2] =	stream.indirect.gather [hbm4b:s2+s12], $0x80, s12, s12, $0xb8;
	[tilespmem:$0x8100] =	vst v63  }
0x1d: {  	_ =	swait.ge [sflag:s15], $0x4000  }
0x1e: {  	[sflag:s15] =	ssyncset.done $0x0  }
0x1f: {  	[sflag:s15] =	ssyncadd.s32 $0xFFFFC000  }
0x20: {  	_ =	swait.ge [sflag:s16], $0x4000  }
0x21: {  	[sflag:s16] =	ssyncset.done $0x0  }
0x22: {  	s20 =	simm.s32 $0x0;
	[sflag:s16] =	ssyncadd.s32 $0xFFFFC000  }
0x23: {  	v7 =	vld [tilespmem:s20+$0x4100]  }
0x24: {  	v11 =	vld [tilespmem:s20+$0x4110]  }
0x25: {  	v5 =	vld [tilespmem:s20+$0x4120]  }
0x26: {  	v4 =	vld [tilespmem:s20+$0x4130]  }
0x27: {  	v3 =	vld [tilespmem:s20+$0x4140]  }
0x28: {  	v2 =	vld [tilespmem:s20+$0x4150]  }
0x29: {  	v1 =	vld [tilespmem:s20+$0x4160]  }
0x2a: {  	v0 =	vld [tilespmem:s20+$0x4170]  }
0x2b: {  	v12 =	vld [tilespmem:s20+$0x100]  }
0x2c: {  	v13 =	vld [tilespmem:s20+$0x110]  }
0x2d: {  	v10 =	vld [tilespmem:s20+$0x120]  }
0x2e: {  	v9 =	vld [tilespmem:s20+$0x130]  }
0x2f: {  	v8 =	vld [tilespmem:s20+$0x140]  }
0x30: {  	v6 =	vld [tilespmem:s20+$0x150];
	v12 =	vadd.f32 v7, v12  }
0x31: {  	s21 =	simm.s32 $0x200;
	v11 =	vadd.f32 v11, v13;
	v7 =	vld [tilespmem:s20+$0x160]  }
.LBB2_3:
0x32: {  	s22 =	sshra.s32 s21, $0x2;
	p0 =	sne.s32 s21, $0xFE00;
	[tilespmem:s20+$0x100] =	vst v12;
	v5 =	vadd.f32 v5, v10;
	v10 =	vld [tilespmem:s20+$0x170]  }
0x33: {  	v12 =	vld [tilespmem:s22+$0x4100];
	[tilespmem:s20+$0x110] =	vst v11;
	v4 =	vadd.f32 v4, v9  }
0x34: {  	v11 =	vld [tilespmem:s22+$0x4110];
	[tilespmem:s20+$0x120] =	vst v5;
	v3 =	vadd.f32 v3, v8  }
0x35: {  	v5 =	vld [tilespmem:s22+$0x4120];
	[tilespmem:s20+$0x130] =	vst v4;
	v2 =	vadd.f32 v2, v6  }
0x36: {  	v4 =	vld [tilespmem:s22+$0x4130];
	[tilespmem:s20+$0x140] =	vst v3;
	v1 =	vadd.f32 v1, v7  }
0x37: {  	v3 =	vld [tilespmem:s22+$0x4140];
	[tilespmem:s20+$0x150] =	vst v2;
	v0 =	vadd.f32 v0, v10  }
0x38: {  	v2 =	vld [tilespmem:s22+$0x4150];
	[tilespmem:s20+$0x160] =	vst v1  }
0x39: {  	v1 =	vld [tilespmem:s22+$0x4160];
	[tilespmem:s20+$0x170] =	vst v0;
	s20 =	smov.u32 s22  }
0x3a: {  	v0 =	vld [tilespmem:s20+$0x4170]  }
0x3b: {  	v6 =	vld [tilespmem:s20+$0x100]  }
0x3c: {  	v7 =	vld [tilespmem:s20+$0x110]  }
.Ltmp0:
0x3d: {  	v10 =	vld [tilespmem:s20+$0x120];
	(pc) =	sbr.rel @p0 .LBB2_3-.Ltmp0, $4  }
0x3e: {  	v9 =	vld [tilespmem:s20+$0x130]  }
0x3f: {  	v8 =	vld [tilespmem:s20+$0x140]  }
0x40: {  	v12 =	vadd.f32 v12, v6;
	v6 =	vld [tilespmem:s20+$0x150]  }
0x41: {  	s21 =	sadd.s32 $0x200, s21;
	v11 =	vadd.f32 v11, v7;
	v7 =	vld [tilespmem:s20+$0x160]  }
0x42: {  	[tilespmem:s20+$0x100] =	vst v12;
	v5 =	vadd.f32 v5, v10;
	v63 =	vld [tilespmem:s20+$0x170]  }
0x43: {  	[tilespmem:s20+$0x110] =	vst v11;
	v4 =	vadd.f32 v4, v9  }
0x44: {  	[tilespmem:s20+$0x120] =	vst v5;
	v3 =	vadd.f32 v3, v8  }
0x45: {  	[tilespmem:s20+$0x130] =	vst v4;
	v2 =	vadd.f32 v2, v6  }
0x46: {  	[tilespmem:s20+$0x140] =	vst v3;
	v1 =	vadd.f32 v1, v7  }
0x47: {  	s18 =	sadd.s32 $0x1, s18;
	[tilespmem:s20+$0x150] =	vst v2;
	v0 =	vadd.f32 v0, v63  }
0x48: {  	s19 =	sshll.u32 s19, $0x4;
	p0 =	sne.s32 s18, s9;
	[tilespmem:s20+$0x160] =	vst v1  }
.Ltmp1:
0x49: {  	s19 =	sadd.s32 s7, s19;
	[tilespmem:s20+$0x170] =	vst v0;
	(pc) =	sbr.rel @p0 .LBB2_2-.Ltmp1, $4  }
0x4a: {  	[hbm4b:s19+s3] =	stream.linear.scatter [tilespmem:s13], [sflag:$0x3], $0x4000, $0x38;
	[tilespmem:$0x8100] =	vst v63  }
0x4b: {  	_ =	swait.ge [sflag:s11], $0x4000  }
0x4c: {  	[sflag:s11] =	ssyncset.done $0x0  }
0x4d: {  	[sflag:s11] =	ssyncadd.s32 $0xFFFFC000  }
0x4e: {  	s17 =	sadd.s32 $0x1, s17  }
0x4f: {  	p0 =	sne.s32 s17, s10  }
.Ltmp2:
0x50: {  	_ = 	snop;
	(pc) =	sbr.rel @p0 .LBB2_1-.Ltmp2, $1  }
0x51: {  	_ =	sdelay $0x3  }
0x52: {  	_ =	sfence.sel $0x180000  }
0x53: {  	[bflag:$0x0] =	sbarrier.arrive $0xFFFF  }
0x54: {  	p0 =	sne.s32 s4, $0x0;
	_ =	strace $0x90000047  }
0x55: {  	s0 =	sadd.s32 @!p0 $0x100000, s0;
	[bflag:$0x2] =	sbarrier.arrive $0xFFFF  }
0x56: {  	[sflag:s0] =	ssyncadd.tile.s32 @!p0 $0x1;
	_ =	shalt  }
.Lfunc_end2:
_tile_overlayer_lowered:
.L_overlay_start_2:
0x57: {  	(tag) =	ssettag $0x2  }
0x58: {  	s0 =	rddreg [dreg:$0x0];
	s2 =	stileid.u32  }
0x59: {  	s1 =	rddreg [dreg:$0x1];
	p0 =	sne.s32 s2, $0x0  }
0x5a: {  	s3 =	rddreg [dreg:$0x2];
	[bflag:$0x3] =	sbarrier.arrive $0xFFFF;
	s2 =	simm.s32 @!p0 $0x1C03  }
0x5b: {  	[timem:s3], [sflag:s2] =	dma.local @!p0 [hbm:s0], s1  }
0x5c: {  	s0 =	simm.s32 @!p0 $0x3  }
0x5d: {  	_ =	swait.ge @!p0 [sflag:s0], s1  }
0x5e: {  	s1 =	ssub.s32 @!p0 $0x0, s1;
	[sflag:s0] =	ssyncset.done @!p0 $0x0  }
0x5f: {  	[sflag:s0] =	ssyncadd.s32 @!p0 s1  }
0x60: {  	[bflag:$0x3] =	sbarrier.arrive $0xFFFF  }
0x61: {  	_ =	shalt  }

// kernel: kernel.13.cloned.1.call-start
scs
__scs_entry_jumppad:
0x0: {  	(pc) =	sbr.rel $0x88, $3  }
0x1: {  	(tag) =	ssettag $0x0;
	lr =	simm.s32 $0x1  }
0x2: {  	[smem:$0x3F96] =	sst lr;
	_ =	strace $0xD0000000  }
0x3: {  	_ = 	snop  }
0x4: {  	_ = 	snop  }
0x5: {  	_ = 	snop  }
0x6: {  	_ = 	snop  }
0x7: {  	_ = 	snop  }
__scs_overlays_trampoline_lowered:
0x8: {  	[smem:$0x3FA5] =	sst s0  }
0x9: {  	[smem:$0x3FA6] =	sst s1  }
0xa: {  	[smem:$0x3FA7] =	sst s2  }
0xb: {  	[smem:$0x3FA8] =	sst s3  }
0xc: {  	[smem:$0x3FA9] =	sst s4  }
0xd: {  	[smem:$0x3FAA] =	sst s5  }
0xe: {  	[smem:$0x3FAB] =	sst s6  }
0xf: {  	[smem:$0x3FAC] =	sst s7  }
0x10: {  	[smem:$0x3FAD] =	sst s8  }
0x11: {  	[smem:$0x3FAE] =	sst s9;
	s0 =	simm.s32 @!p0 $0x0  }
0x12: {  	s1 =	sld [smem:$0x3F94];
	s0 =	simm.s32 @p0 $0x1  }
0x13: {  	[smem:$0x3FAF] =	sst s0;
	s0 =	simm.s32 @!p1 $0x0  }
0x14: {  	s2 =	sld [smem:$0x3F93];
	s0 =	simm.s32 @p1 $0x1  }
0x15: {  	[smem:$0x3FB0] =	sst s0;
	s0 =	simm.s32 @!p2 $0x0  }
0x16: {  	s3 =	sld [smem:$0x3FDB];
	s0 =	simm.s32 @p2 $0x1  }
0x17: {  	s4 =	simm.s32 $0x1BF5;
	[smem:$0x3FB2] =	sst s0  }
0x18: {  	s0 =	sld [smem:$0x3F95];
	_ =	swait.ge [sflag:s4], $0x0  }
0x19: {  	s7 =	sld [smem:$0x3F96]  }
0x1a: {  	s8 =	sadd.s32 $0xFFFFE003, lr  }
0x1b: {  	s9 =	sadd.s32 $0xFFFFFEF7, lr;
	s5 =	simm.s32 $0xFFFFFFFF;
	p2 =	slt.u32 s8, $0xFFFFF086  }
0x1c: {  	p1 =	slt.u32 s9, $0xF7A;
	s5 =	simm.s32 @!p2 $0x0  }
0x1d: {  	s5 =	simm.s32 @p1 $0x1;
	p0 =	seq.s32 s7, s2  }
0x1e: {  	s7 =	smul.u32 @!p0 $0xF7A, s2;
	p2 =	seq.s32 @!p0 s5, $0x0  }
0x1f: {  	s9 =	smul.u32 $0xF7A, s1;
	s8 =	simm.s32 @!p0 $0x1BF5;
	p2 =	por !p2, p0  }
0x20: {  	[sflag:s8] =	ssyncset.s32 @!p0 $0xFFFFF086;
	s6 =	sadd.s32 @!p0 s3, s7;
	s7 =	simm.s32 @!p0 $0x108  }
0x21: {  	s3 =	sadd.s32 s3, s9;
	s6 =	sadd.s32 @!p0 $0x88, s6;
	s7 =	simm.s32 @p2 $0x1082  }
0x22: {  	[simem:s7], [sflag:s8] =	dma.local @!p0 [hbm:s6], $0xF7A  }
0x23: {  	s9 =	sor.u32 $0xD0000000, s2;
	s6 =	simm.s32 $0x108;
	_ =	swait.ge @!p0 [sflag:s8], $0x0  }
0x24: {  	s3 =	sadd.s32 $0x88, s3;
	s6 =	simm.s32 @!p1 $0x1082;
	[sflag:s4] =	ssyncset.s32 $0xFFFFF086  }
0x25: {  	[simem:s6], [sflag:s4] =	dma.local [hbm:s3], $0xF7A  }
0x26: {  	[smem:$0x3F96] =	sst s1;
	(tag) =	ssettag s2;
	_ =	strace s9  }
0x27: {  	s1 =	sld [smem:$0x3FA6]  }
0x28: {  	s2 =	sld [smem:$0x3FA7]  }
0x29: {  	s4 =	sld [smem:$0x3FA9]  }
0x2a: {  	p0 =	seq.s32 s5, $0x0;
	s5 =	sld [smem:$0x3FAA]  }
0x2b: {  	s6 =	sld [smem:$0x3FAB]  }
0x2c: {  	s7 =	sld [smem:$0x3FAC]  }
0x2d: {  	s3 =	simm.s32 $0x108;
	s8 =	sld [smem:$0x3FAD]  }
0x2e: {  	s3 =	simm.s32 @!p0 $0x1082;
	s9 =	sld [smem:$0x3FAE]  }
0x2f: {  	lr =	sadd.s32 s0, s3;
	s0 =	sld [smem:$0x3FA5]  }
0x30: {  	s3 =	sld [smem:$0x3FA8]  }
0x31: {  	[smem:$0x3FB1] =	sst s10  }
0x32: {  	s10 =	sld [smem:$0x3FAF];
	_ =	sdelay $0x3  }
0x33: {  	p0 =	seq.s32 s10, $0x1;
	s10 =	sld [smem:$0x3FB1];
	_ =	sdelay $0x3  }
0x34: {  	[smem:$0x3FB1] =	sst s10  }
0x35: {  	s10 =	sld [smem:$0x3FB0];
	_ =	sdelay $0x3  }
0x36: {  	p1 =	seq.s32 s10, $0x1;
	s10 =	sld [smem:$0x3FB1];
	_ =	sdelay $0x3  }
0x37: {  	[smem:$0x3FB1] =	sst s10  }
0x38: {  	s10 =	sld [smem:$0x3FB2]  }
0x39: {  	_ = 	snop;
	(pc) =	sbr.ind lr, $3  }
0x3a: {  	_ = 	snop  }
0x3b: {  	_ = 	snop  }
0x3c: {  	p2 =	seq.s32 s10, $0x1;
	s10 =	sld [smem:$0x3FB1]  }
0x3d: {  	_ =	shalt  }
0x3e: {  	_ =	shalt  }
0x3f: {  	_ =	shalt  }
0x40: {  	_ =	shalt  }
0x41: {  	_ =	shalt  }
0x42: {  	_ =	shalt  }
0x43: {  	_ =	shalt  }
0x44: {  	_ =	shalt  }
0x45: {  	_ =	shalt  }
0x46: {  	_ =	shalt  }
0x47: {  	_ =	shalt  }
0x48: {  	_ =	shalt  }
0x49: {  	_ =	shalt  }
0x4a: {  	_ =	shalt  }
0x4b: {  	_ =	shalt  }
0x4c: {  	_ =	shalt  }
0x4d: {  	_ =	shalt  }
0x4e: {  	_ =	shalt  }
0x4f: {  	_ =	shalt  }
0x50: {  	_ =	shalt  }
0x51: {  	_ =	shalt  }
0x52: {  	_ =	shalt  }
0x53: {  	_ =	shalt  }
0x54: {  	_ =	shalt  }
0x55: {  	_ =	shalt  }
0x56: {  	_ =	shalt  }
0x57: {  	_ =	shalt  }
0x58: {  	_ =	shalt  }
0x59: {  	_ =	shalt  }
0x5a: {  	_ =	shalt  }
0x5b: {  	_ =	shalt  }
0x5c: {  	_ =	shalt  }
0x5d: {  	_ =	shalt  }
0x5e: {  	_ =	shalt  }
0x5f: {  	_ =	shalt  }
0x60: {  	_ =	shalt  }
0x61: {  	_ =	shalt  }
0x62: {  	_ =	shalt  }
0x63: {  	_ =	shalt  }
0x64: {  	_ =	shalt  }
0x65: {  	_ =	shalt  }
0x66: {  	_ =	shalt  }
0x67: {  	_ =	shalt  }
0x68: {  	_ =	shalt  }
0x69: {  	_ =	shalt  }
0x6a: {  	_ =	shalt  }
0x6b: {  	_ =	shalt  }
0x6c: {  	_ =	shalt  }
0x6d: {  	_ =	shalt  }
0x6e: {  	_ =	shalt  }
0x6f: {  	_ =	shalt  }
0x70: {  	_ =	shalt  }
0x71: {  	_ =	shalt  }
0x72: {  	_ =	shalt  }
0x73: {  	_ =	shalt  }
0x74: {  	_ =	shalt  }
0x75: {  	_ =	shalt  }
0x76: {  	_ =	shalt  }
0x77: {  	_ =	shalt  }
0x78: {  	_ =	shalt  }
0x79: {  	_ =	shalt  }
0x7a: {  	_ =	shalt  }
0x7b: {  	_ =	shalt  }
0x7c: {  	_ =	shalt  }
0x7d: {  	_ =	shalt  }
0x7e: {  	_ =	shalt  }
0x7f: {  	_ =	shalt  }
0x80: {  	_ =	shalt  }
0x81: {  	_ =	shalt  }
0x82: {  	_ =	shalt  }
0x83: {  	_ =	shalt  }
0x84: {  	_ =	shalt  }
0x85: {  	_ =	shalt  }
0x86: {  	_ =	shalt  }
0x87: {  	_ =	shalt  }
.Lfunc_end0:
.L_simem_size_0:
called_computation.1_lowered:
.L_overlay_start_0:
0x88: {  	s2 =	sld [smem:$0x3FD9]  }
0x89: {  	s3 =	sld [smem:$0x3FFE];
	_ =	sdelay $0x1  }
0x8a: {  	s1 =	srdreg.scid  }
0x8b: {  	s0 =	sand.u32 $0x1, s1  }
0x8c: {  	s14 =	sshll.u32 s0, $0xA;
	s2 =	sadd.s32 s3, s2  }
0x8d: {  	s2 =	sadd.s32 s2, s14  }
0x8e: {  	[smem:$0x3FBD] =	sst s2  }
0x8f: {  	_ = 	snop  }
0x90: {  	s2 =	sld [smem:$0x3FD0];
	_ =	sdelay $0x2  }
0x91: {  	s15 =	simm.s32 $0xB;
	s4 =	simm.s32 $0x10  }
0x92: {  	[smem:s4], [sflag:s15] =	dma.local [hbm:s2], $0x1  }
0x93: {  	_ =	swait.eq [sflag:s15], $0x1  }
0x94: {  	[sflag:s15] =	ssyncset.done $0x0  }
0x95: {  	s16 =	sld [smem:$0x10];
	[sflag:s15] =	ssyncadd.s32 $0xFFFFFFFF  }
0x96: {  	s17 =	sld [smem:$0x11];
	(tm) =	ssettm $0x1  }
0x97: {  	s18 =	sld [smem:$0x3FFB];
	_ =	sdelay $0x3  }
0x98: {  	_ =	strace s18  }
0x99: {  	s4 =	sld [smem:$0x3FFC];
	_ =	sdelay $0x3  }
0x9a: {  	_ =	strace s4  }
0x9b: {  	s4 =	sld [smem:$0x3FFD];
	_ =	sdelay $0x3  }
0x9c: {  	_ =	strace s4  }
0x9d: {  	_ =	strace $0x8FFFFFFF  }
0x9e: {  	s19 =	sld [smem:$0x3FDB];
	_ =	sdelay $0x1  }
0x9f: {  	s5 =	simm.s32 $_scs_section_size  }
0xa0: {  	s6 =	simm.s32 $_size__tile_overlayer_lowered;
	s7 =	simm.s32 $_tile_overlayer_lowered  }
0xa1: {  	s22 =	simm.s32 $0x1BFF;
	s21 =	sshll.u32 s7, $0x1;
	s4 =	sadd.s32 s5, s19  }
0xa2: {  	s8 =	simm.s32 $0x0;
	s20 =	sshll.u32 s6, $0x1;
	s6 =	sadd.s32 s21, s4  }
0xa3: {  	[timem:s8], [sflag:s22] =	dma.local [hbm:s6], s20  }
0xa4: {  	_ =	swait.ge [sflag:s22], s20  }
0xa5: {  	s5 =	ssub.s32 $0x0, s20;
	[sflag:s22] =	ssyncset.done $0x0  }
0xa6: {  	[sflag:s22] =	ssyncadd.s32 s5;
	_ =	sdelay $0x1  }
0xa7: {  	s23 =	simm.s32 $0x1B8B  }
0xa8: {  	_ =	swait.ge [sflag:s23], $0x1  }
0xa9: {  	[sflag:s23] =	ssyncset.done $0x0  }
0xaa: {  	s25 =	simm.s32 $0x1B8E;
	s24 =	sld [smem:$0x3FFE];
	[sflag:s23] =	ssyncadd.s32 $0xFFFFFFFF  }
0xab: {  	s26 =	simm.s32 $execute0_lowered;
	[smem:$0x3FD2] =	sst s25  }
0xac: {  	s6 =	sshll.u32 s26, $0x1;
	_ =	strace $0x80000049;
	[dreg:$0x1] =	wrdreg $0xFFFFFFFF  }
0xad: {  	s28 =	simm.s32 $_size_execute0_lowered;
	s4 =	sadd.s32 s4, s6;
	[dreg:$0x0] =	wrdreg $0x0  }
0xae: {  	s6 =	sshll.u32 s28, $0x1;
	[dreg:$0x2] =	wrdreg s4  }
0xaf: {  	[dreg:$0x3] =	wrdreg s6  }
0xb0: {  	[dreg:$0x4] =	wrdreg $0xC0  }
0xb1: {  	_ =	task [dreg:s8], $0x5FFFF  }
0xb2: {  	[dreg:$0x1] =	wrdreg $0xFFFFFFFF  }
0xb3: {  	[dreg:$0x0] =	wrdreg $0x60  }
0xb4: {  	[dreg:$0x2] =	wrdreg s24  }
0xb5: {  	[dreg:$0x3] =	wrdreg s16  }
0xb6: {  	[dreg:$0x4] =	wrdreg s17  }
0xb7: {  	[dreg:$0x5] =	wrdreg $0x80800  }
0xb8: {  	[dreg:$0x6] =	wrdreg $0xA7900  }
0xb9: {  	[dreg:$0x7] =	wrdreg $0x9  }
0xba: {  	_ =	task.clear_ibuf [dreg:s8], $0x8FFFF;
	_ =	strace $0x90000049  }
0xbb: {  	s29 =	simm.s32 $0x9;
	_ =	strace $0x8000004B  }
0xbc: {  	_ =	swait.ge [sflag:s29], $0x1  }
0xbd: {  	[sflag:s29] =	ssyncadd.s32 $0xFFFFFFFF  }
0xbe: {  	_ =	strace $0x9000004B  }
0xbf: {  	_ =	sfence  }
0xc0: {  	s30 =	sld [smem:$0x0];
	_ =	sdelay $0x2  }
0xc1: {  	s31 =	sshll.u32 s1, $0xD;
	s1 =	sshrl.u32 s1, $0x2  }
0xc2: {  	s3 =	sand.u32 $0x4000, s31;
	s1 =	sadd.s32 s1, s30  }
0xc3: {  	s0 =	sor.u32 s3, s0;
	s1 =	sshll.u32 s1, $0x11  }
0xc4: {  	s0 =	sor.u32 s1, s0  }
0xc5: {  	s0 =	sadd.s32 $0x8F2B, s0  }
0xc6: {  	[sflag:s0] =	ssyncadd.remote.s32 $0x1  }
0xc7: {  	_ =	sfence.sel $0xFFFF  }
0xc8: {  	[dreg:$0x0] =	wrdreg $0xFFFFFFFF;
	(pc) =	sbr.abs _section_cstart, $3  }
0xc9: {  	[dreg:$0x1] =	wrdreg $0xFFFFFFFF  }
0xca: {  	_ =	task.clear_ibuf [dreg:s8], $0x2FFFF;
	_ =	strace $0x9FFFFFFF  }
0xcb: {  	(tm) =	ssettm $0x7FFFFFFF  }
tec
execute0_lowered:
.L_overlay_start_1:
0x0: {  	(tag) =	ssettag $0x1  }
0x1: {  	s0 =	rddreg [dreg:$0x0]  }
0x2: {  	s1 =	rddreg [dreg:$0x1]  }
0x3: {  	s6 =	rddreg [dreg:$0x2]  }
0x4: {  	s2 =	rddreg [dreg:$0x3]  }
0x5: {  	s3 =	rddreg [dreg:$0x4]  }
0x6: {  	s4 =	simm.s32 $0x0;
	s18 =	stileid.u32;
	s7 =	srdreg.scid  }
0x7: {  	s20 =	simm.s32 $0x2;
	[smem:$0x7FF] =	sst s4;
	s11 =	smul.u32 $0x13C00, s18  }
0x8: {  	s5 =	sshll.u32 s18, $0xC;
	s9 =	sand.u32 $0x1, s7;
	s12 =	smul.u32 $0x2780, s18  }
0x9: {  	s17 =	sshll.u32 s18, $0x1;
	s23 =	sadd.s32 $0x128400, s2;
	s25 =	sadd.s32 $0x128400, s3  }
0xa: {  	s31 =	sshll.u32 s18, $0x8;
	p0 =	seq.s32 s18, $0xF;
	_ =	strace $0x8000004A  }
0xb: {  	s8 =	sadd.s32 s5, s0;
	s5 =	sadd.s32 $0xD400, s0;
	s7 =	ssub.s32 $0x2, s9  }
0xc: {  	s0 =	sadd.s32 $0x17200, s0;
	s13 =	smul.u32 $0x138800, s9;
	[dreg:$0x8] =	wrdreg s23  }
0xd: {  	[dreg:$0x9] =	wrdreg s25;
	s29 =	sor.u32 s17, s9;
	s30 =	sshll.u32 s9, $0xB  }
0xe: {  	s9 =	sshll.u32 s9, $0x7;
	s23 =	simm.s32 $0x4080;
	s10 =	sshrl.u32 s7, $0x1  }
0xf: {  	s21 =	sadd.s32 s11, s2;
	s22 =	sadd.s32 s11, s3;
	s19 =	sor.u32 s9, s31  }
0x10: {  	s16 =	ssub.s32 s7, s10;
	[dreg:$0x6] =	wrdreg s21;
	s7 =	sadd.s32 s1, s12  }
0x11: {  	[dreg:$0x7] =	wrdreg s22;
	s10 =	sadd.s32 $0x25080, s1;
	s24 =	sadd.s32 s11, s13  }
0x12: {  	s26 =	sshrl.u32 s13, $0x3;
	s21 =	simm.s32 $0x80;
	s22 =	simm.s32 $0x1  }
0x13: {  	s1 =	sshrl.u32 s24, $0x3;
	s28 =	sadd.s32 $0x25080, s26;
	s16 =	smax.u32 s16, $0x1  }
0x14: {  	s24 =	simm.s32 $0x0;
	s12 =	sadd.s32 s6, s1;
	s13 =	sadd.s32 s0, s1  }
0x15: {  	s15 =	sadd.s32 s0, s28;
	s0 =	ssub.s32 $0x9E3, s29;
	s1 =	sadd.s32 s30, s8  }
0x16: {  	v0 =	vimm.f32 $1.000000000e+00;
	s14 =	sadd.s32 s6, s28;
	s17 =	sshrl.u32 s0, $0x5;
	s6 =	sadd.s32 $0x9DB200, s1  }
.LBB2_1:
0x17: {  	s0 =	simm.s32 $0x200;
	s1 =	simm.s32 $0x0  }
.LBB2_2:
0x18: {  	p1 =	sne.s32 s0, $0xFE00;
	[tilespmem:s1+$0x4080] =	vst v0;
	s1 =	smov.u32 s0;
	s0 =	sadd.s32 $0x200, s0  }
.Ltmp0:
0x19: {  	(pc) =	sbr.rel @p1 .LBB2_2-.Ltmp0, $2  }
0x1a: {  	_ =	sdelay $0x2  }
0x1b: {  	s1 =	sshra.s32 s1, $0x2  }
0x1c: {  	s0 =	rddreg [dreg:$0x8]  }
0x1d: {  	[tilespmem:s1+$0x4080] =	vst v0;
	s26 =	simm.s32 @p0 $0x1FC2;
	s25 =	simm.s32 @p0 $0x2;
	s29 =	sshrl.u32 @p0 s0, $0x3  }
0x1e: {  	[spmem:s29], [sflag:s26] =	dma.local @p0 [hbm:s10], $0x2080  }
0x1f: {  	_ =	swait.ge @p0 [sflag:s25], $0x2080  }
0x20: {  	[sflag:s25] =	ssyncset.done @p0 $0x0;
	s0 =	rddreg [dreg:$0x9]  }
0x21: {  	[sflag:s25] =	ssyncadd.s32 @p0 $0xFFFFDF80;
	s31 =	sshrl.u32 @p0 s0, $0x3;
	s0 =	stileid.u32  }
0x22: {  	[spmem:s31], [sflag:s26] =	dma.local @p0 [hbm:s10], $0x2080  }
0x23: {  	s0 =	sshll.u32 @!p0 s0, $0x6;
	_ =	swait.ge @p0 [sflag:s25], $0x2080  }
0x24: {  	s30 =	sor.u32 @!p0 $0x1C02, s0;
	[sflag:s25] =	ssyncset.done @p0 $0x0;
	s0 =	rddreg [dreg:$0x6]  }
0x25: {  	s28 =	simm.s32 @!p0 $0x2;
	[sflag:s25] =	ssyncadd.s32 @p0 $0xFFFFDF80;
	s0 =	sshrl.u32 @!p0 s0, $0x3  }
0x26: {  	[spmem:s0], [sflag:s30] =	dma.local @!p0 [hbm:s7], $0x2780  }
0x27: {  	_ =	swait.ge @!p0 [sflag:s28], $0x2780  }
0x28: {  	[sflag:s28] =	ssyncset.done @!p0 $0x0;
	s1 =	rddreg [dreg:$0x7]  }
0x29: {  	p2 =	sne.s32 s17, $0x1;
	[sflag:s28] =	ssyncadd.s32 @!p0 $0xFFFFD880;
	s1 =	sshrl.u32 @!p0 s1, $0x3  }
0x2a: {  	[spmem:s1], [sflag:s30] =	dma.local @!p0 [hbm:s7], $0x2780  }
.Ltmp1:
0x2b: {  	_ =	swait.ge @!p0 [sflag:s28], $0x2780;
	(pc) =	sbr.rel @!p2 .LBB2_4-.Ltmp1, $4  }
0x2c: {  	[sflag:s28] =	ssyncset.done @!p0 $0x0  }
0x2d: {  	[sflag:s28] =	ssyncadd.s32 @!p0 $0xFFFFD880  }
0x2e: {  	[bflag:$0x0] =	sbarrier.arrive $0xFFFF  }
0x2f: {  	s8 =	sadd.s32 $0xFFFFFFFF, s17;
	s11 =	sshrl.u32 s19, $0x3;
	p1 =	por $0x0, $0x0  }
0x30: {  	s9 =	sadd.s32 s5, s11  }
0x31: {  	[tilespmem:s4], [sflag:$0x2] =	stream.linear.gather [hbm4b:s9+s4], $0x80, $0x38;
	[tilespmem:$0xCEA0] =	vst v63  }
0x32: {  	_ =	swait.ge [sflag:s20], $0x80  }
0x33: {  	[sflag:s20] =	ssyncset.done $0x0  }
0x34: {  	[sflag:s20] =	ssyncadd.s32 $0xFFFFFF80  }
0x35: {  	[tilespmem:s21], [sflag:$0x1] =	stream.linear.gather [hbm4b:s6+s4], $0x4000, $0x38;
	[tilespmem:$0xCEA0] =	vst v63  }
0x36: {  	_ =	swait.ge [sflag:s22], $0x4000  }
0x37: {  	[sflag:s22] =	ssyncset.done $0x0  }
0x38: {  	[sflag:s22] =	ssyncadd.s32 $0xFFFFC000  }
0x39: {  	[spmem:s2] =	stream.indirect.scatter.add.f32 [tilespmem:s21], [sflag:$0x2], $0x10, s4, s21, $0xb8;
	[tilespmem:$0xCEA0] =	vst v63  }
0x3a: {  	p2 =	sne.s32 s8, $0x1;
	_ =	swait.ge [sflag:s20], $0x800  }
.Ltmp2:
0x3b: {  	[sflag:s20] =	ssyncset.done $0x0;
	(pc) =	sbr.rel @!p2 .LBB2_6-.Ltmp2, $4  }
0x3c: {  	s8 =	sadd.s32 $0xFFFFFFFF, s8;
	[sflag:s20] =	ssyncadd.s32 $0xFFFFF800  }
0x3d: {  	[spmem:s3] =	stream.indirect.scatter.add.f32 [tilespmem:s23], [sflag:$0x2], $0x10, s4, s21, $0xb8;
	[tilespmem:$0xCEA0] =	vst v63  }
0x3e: {  	p1 =	por $0x1, $0x1;
	s9 =	sadd.s32 $0x1000, s19;
	_ =	swait.ge [sflag:s20], $0x800  }
0x3f: {  	s18 =	smov.u32 s6;
	s11 =	sshrl.u32 s9, $0x3;
	[sflag:s20] =	ssyncset.done $0x0  }
.LBB2_7:
0x40: {  	s11 =	sadd.s32 s5, s11;
	[sflag:s20] =	ssyncadd.s32 $0xFFFFF800;
	s18 =	sadd.s32 $0x10000, s18  }
0x41: {  	[tilespmem:s4], [sflag:$0x2] =	stream.linear.gather [hbm4b:s11+s4], $0x80, $0x38;
	[tilespmem:$0xCEA0] =	vst v63  }
0x42: {  	p2 =	sne.s32 s8, $0x1;
	s8 =	sadd.s32 $0xFFFFFFFF, s8;
	_ =	swait.ge [sflag:s20], $0x80  }
0x43: {  	[sflag:s20] =	ssyncset.done $0x0  }
0x44: {  	[sflag:s20] =	ssyncadd.s32 $0xFFFFFF80  }
0x45: {  	[tilespmem:s21], [sflag:$0x1] =	stream.linear.gather [hbm4b:s18+s4], $0x4000, $0x38;
	[tilespmem:$0xCEA0] =	vst v63  }
0x46: {  	_ =	swait.ge [sflag:s22], $0x4000  }
0x47: {  	[sflag:s22] =	ssyncset.done $0x0  }
0x48: {  	[sflag:s22] =	ssyncadd.s32 $0xFFFFC000  }
0x49: {  	[spmem:s2] =	stream.indirect.scatter.add.f32 [tilespmem:s21], [sflag:$0x2], $0x10, s4, s21, $0xb8;
	[tilespmem:$0xCEA0] =	vst v63  }
0x4a: {  	_ =	swait.ge [sflag:s20], $0x800  }
.Ltmp3:
0x4b: {  	[sflag:s20] =	ssyncset.done $0x0;
	(pc) =	sbr.rel @p2 .LBB2_7-.Ltmp3, $4  }
0x4c: {  	[sflag:s20] =	ssyncadd.s32 $0xFFFFF800  }
0x4d: {  	[spmem:s3] =	stream.indirect.scatter.add.f32 [tilespmem:s23], [sflag:$0x2], $0x10, s4, s21, $0xb8;
	[tilespmem:$0xCEA0] =	vst v63  }
0x4e: {  	s9 =	sadd.s32 $0x1000, s9;
	_ =	swait.ge [sflag:s20], $0x800  }
0x4f: {  	s11 =	sshrl.u32 s9, $0x3;
	[sflag:s20] =	ssyncset.done $0x0  }
.LBB2_8:
0x50: {  	s8 =	sadd.s32 s5, s11;
	[sflag:s20] =	ssyncadd.s32 @p1 $0xFFFFF800  }
0x51: {  	[tilespmem:s4], [sflag:$0x2] =	stream.linear.gather [hbm4b:s8+s4], $0x80, $0x38;
	[tilespmem:$0xCEA0] =	vst v63  }
0x52: {  	_ =	swait.ge [sflag:s20], $0x80  }
0x53: {  	s9 =	smov.u32 s6;
	s8 =	sadd.s32 @p1 $0x10000, s18;
	[sflag:s20] =	ssyncset.done $0x0  }
0x54: {  	s9 =	smov.u32 @p1 s8;
	[sflag:s20] =	ssyncadd.s32 $0xFFFFFF80  }
0x55: {  	[tilespmem:s21], [sflag:$0x1] =	stream.linear.gather [hbm4b:s9+s4], $0x4000, $0x38;
	[tilespmem:$0xCEA0] =	vst v63  }
0x56: {  	_ =	swait.ge [sflag:s22], $0x4000  }
0x57: {  	[sflag:s22] =	ssyncset.done $0x0  }
0x58: {  	[sflag:s22] =	ssyncadd.s32 $0xFFFFC000  }
0x59: {  	[spmem:s2] =	stream.indirect.scatter.add.f32 [tilespmem:s21], [sflag:$0x2], $0x10, s4, s21, $0xb8;
	[tilespmem:$0xCEA0] =	vst v63  }
0x5a: {  	_ =	swait.ge [sflag:s20], $0x800  }
0x5b: {  	[sflag:s20] =	ssyncset.done $0x0  }
0x5c: {  	[sflag:s20] =	ssyncadd.s32 $0xFFFFF800  }
0x5d: {  	[spmem:s3] =	stream.indirect.scatter.add.f32 [tilespmem:s23], [sflag:$0x2], $0x10, s4, s21, $0xb8;
	[tilespmem:$0xCEA0] =	vst v63  }
0x5e: {  	_ =	swait.ge [sflag:s20], $0x800  }
0x5f: {  	[sflag:s20] =	ssyncset.done $0x0  }
0x60: {  	[sflag:s20] =	ssyncadd.s32 $0xFFFFF800  }
0x61: {  	[bflag:$0x0] =	sbarrier.arrive $0xFFFF  }
0x62: {  	[hbm:s14], [sflag:s26] =	dma.local @p0 [spmem:s29], $0x2080  }
0x63: {  	_ =	swait.ge @p0 [sflag:s25], $0x2080  }
0x64: {  	[sflag:s25] =	ssyncset.done @p0 $0x0  }
0x65: {  	[sflag:s25] =	ssyncadd.s32 @p0 $0xFFFFDF80  }
0x66: {  	[hbm:s15], [sflag:s26] =	dma.local @p0 [spmem:s31], $0x2080  }
0x67: {  	_ =	swait.ge @p0 [sflag:s25], $0x2080  }
0x68: {  	[sflag:s25] =	ssyncset.done @p0 $0x0  }
0x69: {  	[sflag:s25] =	ssyncadd.s32 @p0 $0xFFFFDF80  }
0x6a: {  	[hbm:s12], [sflag:s30] =	dma.local @!p0 [spmem:s0], $0x2780  }
0x6b: {  	_ =	swait.ge @!p0 [sflag:s28], $0x2780  }
0x6c: {  	s24 =	sadd.s32 $0x1, s24;
	[sflag:s28] =	ssyncset.done @!p0 $0x0  }
0x6d: {  	p1 =	sne.s32 s24, s16;
	[sflag:s28] =	ssyncadd.s32 @!p0 $0xFFFFD880  }
0x6e: {  	[hbm:s13], [sflag:s30] =	dma.local @!p0 [spmem:s1], $0x2780  }
.Ltmp4:
0x6f: {  	_ = 	snop;
	(pc) =	sbr.rel @p1 .LBB2_1-.Ltmp4, $4  }
.Ltmp5:
0x70: {  	_ = 	snop;
	(pc) =	sbr.rel @!p1 .LBB2_9-.Ltmp5, $4  }
0x71: {  	_ =	swait.ge @!p0 [sflag:s28], $0x2780  }
0x72: {  	[sflag:s28] =	ssyncset.done @!p0 $0x0  }
0x73: {  	[sflag:s28] =	ssyncadd.s32 @!p0 $0xFFFFD880  }
0x74: {  	_ = 	snop  }
.LBB2_4:
.Ltmp6:
0x75: {  	(pc) =	sbr.rel .LBB2_8-.Ltmp6, $2  }
0x76: {  	_ =	sdelay $0x2  }
0x77: {  	s18 =	smov.u32 s6  }
.LBB2_6:
.Ltmp7:
0x78: {  	(pc) =	sbr.rel .LBB2_8-.Ltmp7, $2  }
0x79: {  	_ =	sdelay $0x2  }
0x7a: {  	s18 =	smov.u32 s6  }
.LBB2_9:
0x7b: {  	_ =	sfence.sel $0x180000  }
0x7c: {  	[bflag:$0x0] =	sbarrier.arrive $0xFFFF  }
0x7d: {  	_ =	strace $0x9000004A  }
0x7e: {  	s0 =	stileid.u32;
	[bflag:$0x2] =	sbarrier.arrive $0xFFFF  }
0x7f: {  	p0 =	sne.s32 s0, $0x0;
	s0 =	rddreg [dreg:$0x5]  }
0x80: {  	s0 =	sadd.s32 @!p0 $0x100000, s0  }
0x81: {  	[sflag:s0] =	ssyncadd.tile.s32 @!p0 $0x1;
	_ =	shalt  }
.Lfunc_end2:
_tile_overlayer_lowered:
.L_overlay_start_2:
0x82: {  	(tag) =	ssettag $0x2  }
0x83: {  	s0 =	rddreg [dreg:$0x0];
	s2 =	stileid.u32  }
0x84: {  	s1 =	rddreg [dreg:$0x1];
	p0 =	sne.s32 s2, $0x0  }
0x85: {  	s3 =	rddreg [dreg:$0x2];
	[bflag:$0x3] =	sbarrier.arrive $0xFFFF;
	s2 =	simm.s32 @!p0 $0x1C02  }
0x86: {  	[timem:s3], [sflag:s2] =	dma.local @!p0 [hbm:s0], s1  }
0x87: {  	s0 =	simm.s32 @!p0 $0x2  }
0x88: {  	_ =	swait.ge @!p0 [sflag:s0], s1  }
0x89: {  	s1 =	ssub.s32 @!p0 $0x0, s1;
	[sflag:s0] =	ssyncset.done @!p0 $0x0  }
0x8a: {  	[sflag:s0] =	ssyncadd.s32 @!p0 s1  }
0x8b: {  	[bflag:$0x3] =	sbarrier.arrive $0xFFFF  }
0x8c: {  	_ =	shalt  }

// kernel: kernel.16.cloned.1.call-start
scs
__scs_entry_jumppad:
0x0: {  	(pc) =	sbr.rel $0x88, $3  }
0x1: {  	(tag) =	ssettag $0x0;
	lr =	simm.s32 $0x1  }
0x2: {  	[smem:$0x3F96] =	sst lr;
	_ =	strace $0xD0000000  }
0x3: {  	_ = 	snop  }
0x4: {  	_ = 	snop  }
0x5: {  	_ = 	snop  }
0x6: {  	_ = 	snop  }
0x7: {  	_ = 	snop  }
__scs_overlays_trampoline_lowered:
0x8: {  	[smem:$0x3FA5] =	sst s0  }
0x9: {  	[smem:$0x3FA6] =	sst s1  }
0xa: {  	[smem:$0x3FA7] =	sst s2  }
0xb: {  	[smem:$0x3FA8] =	sst s3  }
0xc: {  	[smem:$0x3FA9] =	sst s4  }
0xd: {  	[smem:$0x3FAA] =	sst s5  }
0xe: {  	[smem:$0x3FAB] =	sst s6  }
0xf: {  	[smem:$0x3FAC] =	sst s7  }
0x10: {  	[smem:$0x3FAD] =	sst s8  }
0x11: {  	[smem:$0x3FAE] =	sst s9;
	s0 =	simm.s32 @!p0 $0x0  }
0x12: {  	s1 =	sld [smem:$0x3F94];
	s0 =	simm.s32 @p0 $0x1  }
0x13: {  	[smem:$0x3FAF] =	sst s0;
	s0 =	simm.s32 @!p1 $0x0  }
0x14: {  	s2 =	sld [smem:$0x3F93];
	s0 =	simm.s32 @p1 $0x1  }
0x15: {  	[smem:$0x3FB0] =	sst s0;
	s0 =	simm.s32 @!p2 $0x0  }
0x16: {  	s3 =	sld [smem:$0x3FDB];
	s0 =	simm.s32 @p2 $0x1  }
0x17: {  	s4 =	simm.s32 $0x1BF5;
	[smem:$0x3FB2] =	sst s0  }
0x18: {  	s0 =	sld [smem:$0x3F95];
	_ =	swait.ge [sflag:s4], $0x0  }
0x19: {  	s7 =	sld [smem:$0x3F96]  }
0x1a: {  	s8 =	sadd.s32 $0xFFFFE003, lr  }
0x1b: {  	s9 =	sadd.s32 $0xFFFFFEF7, lr;
	s5 =	simm.s32 $0xFFFFFFFF;
	p2 =	slt.u32 s8, $0xFFFFF086  }
0x1c: {  	p1 =	slt.u32 s9, $0xF7A;
	s5 =	simm.s32 @!p2 $0x0  }
0x1d: {  	s5 =	simm.s32 @p1 $0x1;
	p0 =	seq.s32 s7, s2  }
0x1e: {  	s7 =	smul.u32 @!p0 $0xF7A, s2;
	p2 =	seq.s32 @!p0 s5, $0x0  }
0x1f: {  	s9 =	smul.u32 $0xF7A, s1;
	s8 =	simm.s32 @!p0 $0x1BF5;
	p2 =	por !p2, p0  }
0x20: {  	[sflag:s8] =	ssyncset.s32 @!p0 $0xFFFFF086;
	s6 =	sadd.s32 @!p0 s3, s7;
	s7 =	simm.s32 @!p0 $0x108  }
0x21: {  	s3 =	sadd.s32 s3, s9;
	s6 =	sadd.s32 @!p0 $0x88, s6;
	s7 =	simm.s32 @p2 $0x1082  }
0x22: {  	[simem:s7], [sflag:s8] =	dma.local @!p0 [hbm:s6], $0xF7A  }
0x23: {  	s9 =	sor.u32 $0xD0000000, s2;
	s6 =	simm.s32 $0x108;
	_ =	swait.ge @!p0 [sflag:s8], $0x0  }
0x24: {  	s3 =	sadd.s32 $0x88, s3;
	s6 =	simm.s32 @!p1 $0x1082;
	[sflag:s4] =	ssyncset.s32 $0xFFFFF086  }
0x25: {  	[simem:s6], [sflag:s4] =	dma.local [hbm:s3], $0xF7A  }
0x26: {  	[smem:$0x3F96] =	sst s1;
	(tag) =	ssettag s2;
	_ =	strace s9  }
0x27: {  	s1 =	sld [smem:$0x3FA6]  }
0x28: {  	s2 =	sld [smem:$0x3FA7]  }
0x29: {  	s4 =	sld [smem:$0x3FA9]  }
0x2a: {  	p0 =	seq.s32 s5, $0x0;
	s5 =	sld [smem:$0x3FAA]  }
0x2b: {  	s6 =	sld [smem:$0x3FAB]  }
0x2c: {  	s7 =	sld [smem:$0x3FAC]  }
0x2d: {  	s3 =	simm.s32 $0x108;
	s8 =	sld [smem:$0x3FAD]  }
0x2e: {  	s3 =	simm.s32 @!p0 $0x1082;
	s9 =	sld [smem:$0x3FAE]  }
0x2f: {  	lr =	sadd.s32 s0, s3;
	s0 =	sld [smem:$0x3FA5]  }
0x30: {  	s3 =	sld [smem:$0x3FA8]  }
0x31: {  	[smem:$0x3FB1] =	sst s10  }
0x32: {  	s10 =	sld [smem:$0x3FAF];
	_ =	sdelay $0x3  }
0x33: {  	p0 =	seq.s32 s10, $0x1;
	s10 =	sld [smem:$0x3FB1];
	_ =	sdelay $0x3  }
0x34: {  	[smem:$0x3FB1] =	sst s10  }
0x35: {  	s10 =	sld [smem:$0x3FB0];
	_ =	sdelay $0x3  }
0x36: {  	p1 =	seq.s32 s10, $0x1;
	s10 =	sld [smem:$0x3FB1];
	_ =	sdelay $0x3  }
0x37: {  	[smem:$0x3FB1] =	sst s10  }
0x38: {  	s10 =	sld [smem:$0x3FB2]  }
0x39: {  	_ = 	snop;
	(pc) =	sbr.ind lr, $3  }
0x3a: {  	_ = 	snop  }
0x3b: {  	_ = 	snop  }
0x3c: {  	p2 =	seq.s32 s10, $0x1;
	s10 =	sld [smem:$0x3FB1]  }
0x3d: {  	_ =	shalt  }
0x3e: {  	_ =	shalt  }
0x3f: {  	_ =	shalt  }
0x40: {  	_ =	shalt  }
0x41: {  	_ =	shalt  }
0x42: {  	_ =	shalt  }
0x43: {  	_ =	shalt  }
0x44: {  	_ =	shalt  }
0x45: {  	_ =	shalt  }
0x46: {  	_ =	shalt  }
0x47: {  	_ =	shalt  }
0x48: {  	_ =	shalt  }
0x49: {  	_ =	shalt  }
0x4a: {  	_ =	shalt  }
0x4b: {  	_ =	shalt  }
0x4c: {  	_ =	shalt  }
0x4d: {  	_ =	shalt  }
0x4e: {  	_ =	shalt  }
0x4f: {  	_ =	shalt  }
0x50: {  	_ =	shalt  }
0x51: {  	_ =	shalt  }
0x52: {  	_ =	shalt  }
0x53: {  	_ =	shalt  }
0x54: {  	_ =	shalt  }
0x55: {  	_ =	shalt  }
0x56: {  	_ =	shalt  }
0x57: {  	_ =	shalt  }
0x58: {  	_ =	shalt  }
0x59: {  	_ =	shalt  }
0x5a: {  	_ =	shalt  }
0x5b: {  	_ =	shalt  }
0x5c: {  	_ =	shalt  }
0x5d: {  	_ =	shalt  }
0x5e: {  	_ =	shalt  }
0x5f: {  	_ =	shalt  }
0x60: {  	_ =	shalt  }
0x61: {  	_ =	shalt  }
0x62: {  	_ =	shalt  }
0x63: {  	_ =	shalt  }
0x64: {  	_ =	shalt  }
0x65: {  	_ =	shalt  }
0x66: {  	_ =	shalt  }
0x67: {  	_ =	shalt  }
0x68: {  	_ =	shalt  }
0x69: {  	_ =	shalt  }
0x6a: {  	_ =	shalt  }
0x6b: {  	_ =	shalt  }
0x6c: {  	_ =	shalt  }
0x6d: {  	_ =	shalt  }
0x6e: {  	_ =	shalt  }
0x6f: {  	_ =	shalt  }
0x70: {  	_ =	shalt  }
0x71: {  	_ =	shalt  }
0x72: {  	_ =	shalt  }
0x73: {  	_ =	shalt  }
0x74: {  	_ =	shalt  }
0x75: {  	_ =	shalt  }
0x76: {  	_ =	shalt  }
0x77: {  	_ =	shalt  }
0x78: {  	_ =	shalt  }
0x79: {  	_ =	shalt  }
0x7a: {  	_ =	shalt  }
0x7b: {  	_ =	shalt  }
0x7c: {  	_ =	shalt  }
0x7d: {  	_ =	shalt  }
0x7e: {  	_ =	shalt  }
0x7f: {  	_ =	shalt  }
0x80: {  	_ =	shalt  }
0x81: {  	_ =	shalt  }
0x82: {  	_ =	shalt  }
0x83: {  	_ =	shalt  }
0x84: {  	_ =	shalt  }
0x85: {  	_ =	shalt  }
0x86: {  	_ =	shalt  }
0x87: {  	_ =	shalt  }
.Lfunc_end0:
.L_simem_size_0:
called_computation.2_lowered:
.L_overlay_start_0:
0x88: {  	s2 =	sld [smem:$0x3FD9]  }
0x89: {  	s3 =	sld [smem:$0x3FFE];
	_ =	sdelay $0x1  }
0x8a: {  	s1 =	srdreg.scid  }
0x8b: {  	s0 =	sand.u32 $0x1, s1  }
0x8c: {  	s17 =	sshll.u32 s0, $0xA;
	s2 =	sadd.s32 s3, s2  }
0x8d: {  	s2 =	sadd.s32 s2, s17  }
0x8e: {  	[smem:$0x3FBD] =	sst s2  }
0x8f: {  	_ = 	snop  }
0x90: {  	(tm) =	ssettm $0x1  }
0x91: {  	s18 =	sld [smem:$0x3FFB];
	_ =	sdelay $0x3  }
0x92: {  	_ =	strace s18  }
0x93: {  	s2 =	sld [smem:$0x3FFC];
	_ =	sdelay $0x3  }
0x94: {  	_ =	strace s2  }
0x95: {  	s2 =	sld [smem:$0x3FFD];
	_ =	sdelay $0x3  }
0x96: {  	_ =	strace s2  }
0x97: {  	_ =	strace $0x8FFFFFFF  }
0x98: {  	s19 =	sld [smem:$0x3FDB];
	_ =	sdelay $0x1  }
0x99: {  	s20 =	simm.s32 $_scs_section_size  }
0x9a: {  	s4 =	simm.s32 $_size__tile_overlayer_lowered;
	s5 =	simm.s32 $_tile_overlayer_lowered  }
0x9b: {  	s6 =	simm.s32 $0x1BFF;
	s21 =	sshll.u32 s5, $0x1;
	s3 =	sadd.s32 s20, s19  }
0x9c: {  	s22 =	simm.s32 $0x0;
	s4 =	sshll.u32 s4, $0x1;
	s5 =	sadd.s32 s21, s3  }
0x9d: {  	[timem:s22], [sflag:s6] =	dma.local [hbm:s5], s4  }
0x9e: {  	_ =	swait.ge [sflag:s6], s4  }
0x9f: {  	s4 =	ssub.s32 $0x0, s4;
	[sflag:s6] =	ssyncset.done $0x0  }
0xa0: {  	[sflag:s6] =	ssyncadd.s32 s4;
	_ =	sdelay $0x1  }
0xa1: {  	s23 =	simm.s32 $0x1B8B  }
0xa2: {  	_ =	swait.ge [sflag:s23], $0x1  }
0xa3: {  	[sflag:s23] =	ssyncset.done $0x0  }
0xa4: {  	[sflag:s23] =	ssyncadd.s32 $0xFFFFFFFF  }
0xa5: {  	s4 =	sld [smem:$0x0]  }
0xa6: {  	s5 =	sand.u32 $0xFFFFFFFE, s1  }
0xa7: {  	p0 =	sne.s32 s1, s5  }
0xa8: {  	s5 =	sshll.u32 @p0 s5, $0xE  }
0xa9: {  	s5 =	sadd.s32 @p0 $0x11B8D, s5;
	s6 =	sshll.u32 @p0 s4, $0x11  }
0xaa: {  	s5 =	sor.u32 @p0 s6, s5  }
0xab: {  	[sflag:s5] =	ssyncadd.remote.s32 @p0 $0x1;
	_ =	sdelay $0x1  }
0xac: {  	s5 =	simm.s32 @p0 $0x1B8D  }
0xad: {  	_ =	swait.eq @p0 [sflag:s5], $0x1  }
0xae: {  	[sflag:s5] =	ssyncadd.s32 @p0 $0xFFFFFFFF  }
0xaf: {  	s6 =	sshll.u32 @!p0 s1, $0xE  }
0xb0: {  	s6 =	sor.u32 @!p0 $0x4000, s6;
	s5 =	simm.s32 @!p0 $0x1B8D  }
0xb1: {  	s4 =	sshll.u32 @!p0 s4, $0x11;
	s6 =	sadd.s32 @!p0 $0x11B8D, s6;
	_ =	swait.eq @!p0 [sflag:s5], $0x1  }
0xb2: {  	s4 =	sor.u32 @!p0 s4, s6;
	[sflag:s5] =	ssyncadd.s32 @!p0 $0xFFFFFFFF  }
0xb3: {  	s25 =	simm.s32 $0x1B8E;
	s24 =	sld [smem:$0x3FFE];
	[sflag:s4] =	ssyncadd.remote.s32 @!p0 $0x1  }
0xb4: {  	s26 =	simm.s32 $execute0_lowered;
	[smem:$0x3FD2] =	sst s25  }
0xb5: {  	s5 =	sshll.u32 s26, $0x1;
	_ =	strace $0x8000004F;
	[dreg:$0x1] =	wrdreg $0xFFFFFFFF  }
0xb6: {  	s28 =	simm.s32 $_size_execute0_lowered;
	s3 =	sadd.s32 s3, s5;
	[dreg:$0x0] =	wrdreg $0x0  }
0xb7: {  	s5 =	sshll.u32 s28, $0x1;
	[dreg:$0x2] =	wrdreg s3  }
0xb8: {  	[dreg:$0x3] =	wrdreg s5  }
0xb9: {  	[dreg:$0x4] =	wrdreg $0xC0  }
0xba: {  	_ =	task [dreg:s22], $0x5FFFF  }
0xbb: {  	[dreg:$0x1] =	wrdreg $0xFFFFFFFF  }
0xbc: {  	[dreg:$0x0] =	wrdreg $0x60  }
0xbd: {  	[dreg:$0x2] =	wrdreg s24  }
0xbe: {  	[dreg:$0x3] =	wrdreg $0x80800  }
0xbf: {  	[dreg:$0x4] =	wrdreg $0x9  }
0xc0: {  	_ =	task.clear_ibuf [dreg:s22], $0x5FFFF;
	_ =	strace $0x9000004F  }
0xc1: {  	s29 =	simm.s32 $0x9;
	_ =	strace $0x80000051  }
0xc2: {  	_ =	swait.ge [sflag:s29], $0x1  }
0xc3: {  	[sflag:s29] =	ssyncadd.s32 $0xFFFFFFFF  }
0xc4: {  	_ =	strace $0x90000051  }
0xc5: {  	_ =	sfence  }
0xc6: {  	s30 =	sld [smem:$0x0];
	_ =	sdelay $0x2  }
0xc7: {  	s31 =	sshll.u32 s1, $0xD;
	s1 =	sshrl.u32 s1, $0x2  }
0xc8: {  	s4 =	sand.u32 $0x4000, s31;
	s1 =	sadd.s32 s1, s30  }
0xc9: {  	s0 =	sor.u32 s4, s0;
	s1 =	sshll.u32 s1, $0x11  }
0xca: {  	s0 =	sor.u32 s1, s0  }
0xcb: {  	s0 =	sadd.s32 $0x8F2B, s0  }
0xcc: {  	[sflag:s0] =	ssyncadd.remote.s32 $0x1  }
0xcd: {  	_ =	sfence.sel $0xFFFF  }
0xce: {  	[dreg:$0x0] =	wrdreg $0xFFFFFFFF;
	(pc) =	sbr.abs _section_cstart, $3  }
0xcf: {  	[dreg:$0x1] =	wrdreg $0xFFFFFFFF  }
0xd0: {  	_ =	task.clear_ibuf [dreg:s22], $0x2FFFF;
	_ =	strace $0x9FFFFFFF  }
0xd1: {  	(tm) =	ssettm $0x7FFFFFFF  }
tec
execute0_lowered:
.L_overlay_start_1:
0x0: {  	(tag) =	ssettag $0x1  }
0x1: {  	s8 =	rddreg [dreg:$0x0]  }
0x2: {  	s2 =	rddreg [dreg:$0x1]  }
0x3: {  	s0 =	rddreg [dreg:$0x2]  }
0x4: {  	s3 =	simm.s32 $0x0;
	s1 =	stileid.u32;
	s5 =	srdreg.scid  }
0x5: {  	s16 =	simm.s32 $0x80;
	s17 =	simm.s32 $0x4080;
	s18 =	simm.s32 $0x1  }
0x6: {  	s19 =	simm.s32 $0x0;
	[smem:$0x7FF] =	sst s3;
	s4 =	smul.u32 $0x2780, s1  }
0x7: {  	s9 =	sand.u32 $0x1, s5;
	s5 =	sadd.s32 $0xD400, s8;
	s11 =	smul.u32 $0x4F000, s1  }
0x8: {  	s6 =	sadd.s32 $0xDAA00, s8;
	s13 =	sshll.u32 s1, $0x1;
	p0 =	seq.s32 s1, $0xF  }
0x9: {  	_ =	strace $0x80000050;
	s10 =	ssub.s32 $0x2, s9;
	s9 =	sor.u32 s9, s13  }
0xa: {  	s13 =	sadd.s32 $0x128400, s2;
	s15 =	sshll.u32 @!p0 s1, $0x6;
	s7 =	sadd.s32 s4, s8  }
0xb: {  	s4 =	sadd.s32 $0x9DB200, s8;
	s12 =	sshrl.u32 s10, $0x1;
	s30 =	sshrl.u32 s11, $0x2  }
0xc: {  	s8 =	sadd.s32 $0x63480, s8;
	s31 =	ssub.s32 $0x9E3, s9;
	s9 =	sshll.u32 s9, $0x7  }
0xd: {  	s12 =	ssub.s32 s10, s12;
	s14 =	sadd.s32 s30, s2;
	s7 =	sadd.s32 $0x3E400, s7  }
0xe: {  	s10 =	sshrl.u32 s31, $0x5;
	s11 =	smax.u32 s12, $0x1;
	s12 =	sshrl.u32 @p0 s13, $0x3  }
0xf: {  	s13 =	sor.u32 @!p0 $0x1C02, s15;
	s14 =	sshrl.u32 @!p0 s14, $0x3;
	s15 =	simm.s32 $0x2  }
.LBB2_1:
0x10: {  	s20 =	simm.s32 @p0 $0x1FC2  }
0x11: {  	[spmem:s12], [sflag:s20] =	dma.local @p0 [hbm:s8], $0x2080  }
0x12: {  	s20 =	simm.s32 @p0 $0x2  }
0x13: {  	_ =	swait.ge @p0 [sflag:s20], $0x2080  }
0x14: {  	[sflag:s20] =	ssyncset.done @p0 $0x0  }
0x15: {  	[sflag:s20] =	ssyncadd.s32 @p0 $0xFFFFDF80;
	s20 =	simm.s32 @!p0 $0x2  }
0x16: {  	[spmem:s14], [sflag:s13] =	dma.local @!p0 [hbm:s7], $0x2780  }
0x17: {  	_ =	swait.ge @!p0 [sflag:s20], $0x2780  }
0x18: {  	[sflag:s20] =	ssyncset.done @!p0 $0x0  }
0x19: {  	[sflag:s20] =	ssyncadd.s32 @!p0 $0xFFFFD880  }
0x1a: {  	s20 =	simm.s32 $0x0;
	[bflag:$0x0] =	sbarrier.arrive $0xFFFF  }
.LBB2_2:
0x1b: {  	s21 =	sshll.u32 s20, $0xC  }
0x1c: {  	s21 =	sor.u32 s9, s21  }
0x1d: {  	s22 =	sshrl.u32 s21, $0x3  }
0x1e: {  	s23 =	simm.s32 $0x0;
	s22 =	sadd.s32 s5, s22  }
0x1f: {  	[tilespmem:s23], [sflag:$0x2] =	stream.linear.gather [hbm4b:s22+s23], $0x80, $0x38;
	[tilespmem:$0xA790] =	vst v63  }
0x20: {  	_ =	swait.ge [sflag:s15], $0x80  }
0x21: {  	[sflag:s15] =	ssyncset.done $0x0  }
0x22: {  	s21 =	sshll.u32 s21, $0x4;
	[sflag:s15] =	ssyncadd.s32 $0xFFFFFF80  }
0x23: {  	[tilespmem:s16], [sflag:$0x1] =	stream.indirect.gather [spmem:s2], $0x10, s23, s16, $0xb8;
	[tilespmem:$0xA790] =	vst v63  }
0x24: {  	s31 =	sadd.s32 s4, s21  }
0x25: {  	[tilespmem:s17], [sflag:$0x2] =	stream.linear.gather [hbm4b:s31+s23], $0x4000, $0x38;
	[tilespmem:$0xA790] =	vst v63  }
0x26: {  	_ =	swait.ge [sflag:s15], $0x4000  }
0x27: {  	[sflag:s15] =	ssyncset.done $0x0  }
0x28: {  	[sflag:s15] =	ssyncadd.s32 $0xFFFFC000  }
0x29: {  	_ =	swait.ge [sflag:s18], $0x800  }
0x2a: {  	[sflag:s18] =	ssyncset.done $0x0  }
0x2b: {  	s22 =	simm.s32 $0x0;
	[sflag:s18] =	ssyncadd.s32 $0xFFFFF800  }
0x2c: {  	s23 =	simm.s32 $0x200;
	v0 =	vld [tilespmem:s22+$0x80]  }
.LBB2_3:
0x2d: {  	p1 =	sne.s32 s23, $0xFE00;
	v1 =	vld [tilespmem:s22+$0x4080];
	_ =	sdelay $0x4  }
.Ltmp0:
0x2e: {  	v0 =	vadd.f32 v0, v1;
	(pc) =	sbr.rel @p1 .LBB2_3-.Ltmp0, $4  }
0x2f: {  	_ = 	snop  }
0x30: {  	v1 =	vmul.f32 $5.000000000e-01, v0  }
0x31: {  	s24 =	sshra.s32 s23, $0x2  }
0x32: {  	s23 =	sadd.s32 $0x200, s23;
	v0 =	vld [tilespmem:s24+$0x80];
	[tilespmem:s22+$0x4080] =	vst v1;
	s22 =	smov.u32 s24  }
0x33: {  	v1 =	vld [tilespmem:s22+$0x4080];
	_ =	sdelay $0x4  }
0x34: {  	v0 =	vadd.f32 v0, v1;
	_ =	sdelay $0x1  }
0x35: {  	s20 =	sadd.s32 $0x1, s20;
	v0 =	vmul.f32 $5.000000000e-01, v0  }
0x36: {  	p1 =	sne.s32 s20, s10  }
.Ltmp1:
0x37: {  	s21 =	sadd.s32 s6, s21;
	[tilespmem:s22+$0x4080] =	vst v0;
	(pc) =	sbr.rel @p1 .LBB2_2-.Ltmp1, $4  }
0x38: {  	[hbm4b:s21+s3] =	stream.linear.scatter [tilespmem:s17], [sflag:$0x2], $0x4000, $0x38;
	[tilespmem:$0xA790] =	vst v63  }
0x39: {  	_ =	swait.ge [sflag:s15], $0x4000  }
0x3a: {  	[sflag:s15] =	ssyncset.done $0x0  }
0x3b: {  	[sflag:s15] =	ssyncadd.s32 $0xFFFFC000  }
0x3c: {  	s19 =	sadd.s32 $0x1, s19  }
0x3d: {  	p1 =	sne.s32 s19, s11  }
.Ltmp2:
0x3e: {  	_ = 	snop;
	(pc) =	sbr.rel @p1 .LBB2_1-.Ltmp2, $1  }
0x3f: {  	_ =	sdelay $0x3  }
0x40: {  	_ =	sfence.sel $0x180000  }
0x41: {  	[bflag:$0x0] =	sbarrier.arrive $0xFFFF  }
0x42: {  	p0 =	sne.s32 s1, $0x0;
	_ =	strace $0x90000050  }
0x43: {  	s0 =	sadd.s32 @!p0 $0x100000, s0;
	[bflag:$0x2] =	sbarrier.arrive $0xFFFF  }
0x44: {  	[sflag:s0] =	ssyncadd.tile.s32 @!p0 $0x1;
	_ =	shalt  }
.Lfunc_end2:
_tile_overlayer_lowered:
.L_overlay_start_2:
0x45: {  	(tag) =	ssettag $0x2  }
0x46: {  	s0 =	rddreg [dreg:$0x0];
	s2 =	stileid.u32  }
0x47: {  	s1 =	rddreg [dreg:$0x1];
	p0 =	sne.s32 s2, $0x0  }
0x48: {  	s3 =	rddreg [dreg:$0x2];
	[bflag:$0x3] =	sbarrier.arrive $0xFFFF;
	s2 =	simm.s32 @!p0 $0x1C02  }
0x49: {  	[timem:s3], [sflag:s2] =	dma.local @!p0 [hbm:s0], s1  }
0x4a: {  	s0 =	simm.s32 @!p0 $0x2  }
0x4b: {  	_ =	swait.ge @!p0 [sflag:s0], s1  }
0x4c: {  	s1 =	ssub.s32 @!p0 $0x0, s1;
	[sflag:s0] =	ssyncset.done @!p0 $0x0  }
0x4d: {  	[sflag:s0] =	ssyncadd.s32 @!p0 s1  }
0x4e: {  	[bflag:$0x3] =	sbarrier.arrive $0xFFFF  }
0x4f: {  	_ =	shalt  }

// kernel: kernel.19.cloned.1.call-start
scs
__scs_entry_jumppad:
0x0: {  	(pc) =	sbr.rel $0x88, $3  }
0x1: {  	(tag) =	ssettag $0x0;
	lr =	simm.s32 $0x1  }
0x2: {  	[smem:$0x3F96] =	sst lr;
	_ =	strace $0xD0000000  }
0x3: {  	_ = 	snop  }
0x4: {  	_ = 	snop  }
0x5: {  	_ = 	snop  }
0x6: {  	_ = 	snop  }
0x7: {  	_ = 	snop  }
__scs_overlays_trampoline_lowered:
0x8: {  	[smem:$0x3FA5] =	sst s0  }
0x9: {  	[smem:$0x3FA6] =	sst s1  }
0xa: {  	[smem:$0x3FA7] =	sst s2  }
0xb: {  	[smem:$0x3FA8] =	sst s3  }
0xc: {  	[smem:$0x3FA9] =	sst s4  }
0xd: {  	[smem:$0x3FAA] =	sst s5  }
0xe: {  	[smem:$0x3FAB] =	sst s6  }
0xf: {  	[smem:$0x3FAC] =	sst s7  }
0x10: {  	[smem:$0x3FAD] =	sst s8  }
0x11: {  	[smem:$0x3FAE] =	sst s9;
	s0 =	simm.s32 @!p0 $0x0  }
0x12: {  	s1 =	sld [smem:$0x3F94];
	s0 =	simm.s32 @p0 $0x1  }
0x13: {  	[smem:$0x3FAF] =	sst s0;
	s0 =	simm.s32 @!p1 $0x0  }
0x14: {  	s2 =	sld [smem:$0x3F93];
	s0 =	simm.s32 @p1 $0x1  }
0x15: {  	[smem:$0x3FB0] =	sst s0;
	s0 =	simm.s32 @!p2 $0x0  }
0x16: {  	s3 =	sld [smem:$0x3FDB];
	s0 =	simm.s32 @p2 $0x1  }
0x17: {  	s4 =	simm.s32 $0x1BF5;
	[smem:$0x3FB2] =	sst s0  }
0x18: {  	s0 =	sld [smem:$0x3F95];
	_ =	swait.ge [sflag:s4], $0x0  }
0x19: {  	s7 =	sld [smem:$0x3F96]  }
0x1a: {  	s8 =	sadd.s32 $0xFFFFE003, lr  }
0x1b: {  	s9 =	sadd.s32 $0xFFFFFEF7, lr;
	s5 =	simm.s32 $0xFFFFFFFF;
	p2 =	slt.u32 s8, $0xFFFFF086  }
0x1c: {  	p1 =	slt.u32 s9, $0xF7A;
	s5 =	simm.s32 @!p2 $0x0  }
0x1d: {  	s5 =	simm.s32 @p1 $0x1;
	p0 =	seq.s32 s7, s2  }
0x1e: {  	s7 =	smul.u32 @!p0 $0xF7A, s2;
	p2 =	seq.s32 @!p0 s5, $0x0  }
0x1f: {  	s9 =	smul.u32 $0xF7A, s1;
	s8 =	simm.s32 @!p0 $0x1BF5;
	p2 =	por !p2, p0  }
0x20: {  	[sflag:s8] =	ssyncset.s32 @!p0 $0xFFFFF086;
	s6 =	sadd.s32 @!p0 s3, s7;
	s7 =	simm.s32 @!p0 $0x108  }
0x21: {  	s3 =	sadd.s32 s3, s9;
	s6 =	sadd.s32 @!p0 $0x88, s6;
	s7 =	simm.s32 @p2 $0x1082  }
0x22: {  	[simem:s7], [sflag:s8] =	dma.local @!p0 [hbm:s6], $0xF7A  }
0x23: {  	s9 =	sor.u32 $0xD0000000, s2;
	s6 =	simm.s32 $0x108;
	_ =	swait.ge @!p0 [sflag:s8], $0x0  }
0x24: {  	s3 =	sadd.s32 $0x88, s3;
	s6 =	simm.s32 @!p1 $0x1082;
	[sflag:s4] =	ssyncset.s32 $0xFFFFF086  }
0x25: {  	[simem:s6], [sflag:s4] =	dma.local [hbm:s3], $0xF7A  }
0x26: {  	[smem:$0x3F96] =	sst s1;
	(tag) =	ssettag s2;
	_ =	strace s9  }
0x27: {  	s1 =	sld [smem:$0x3FA6]  }
0x28: {  	s2 =	sld [smem:$0x3FA7]  }
0x29: {  	s4 =	sld [smem:$0x3FA9]  }
0x2a: {  	p0 =	seq.s32 s5, $0x0;
	s5 =	sld [smem:$0x3FAA]  }
0x2b: {  	s6 =	sld [smem:$0x3FAB]  }
0x2c: {  	s7 =	sld [smem:$0x3FAC]  }
0x2d: {  	s3 =	simm.s32 $0x108;
	s8 =	sld [smem:$0x3FAD]  }
0x2e: {  	s3 =	simm.s32 @!p0 $0x1082;
	s9 =	sld [smem:$0x3FAE]  }
0x2f: {  	lr =	sadd.s32 s0, s3;
	s0 =	sld [smem:$0x3FA5]  }
0x30: {  	s3 =	sld [smem:$0x3FA8]  }
0x31: {  	[smem:$0x3FB1] =	sst s10  }
0x32: {  	s10 =	sld [smem:$0x3FAF];
	_ =	sdelay $0x3  }
0x33: {  	p0 =	seq.s32 s10, $0x1;
	s10 =	sld [smem:$0x3FB1];
	_ =	sdelay $0x3  }
0x34: {  	[smem:$0x3FB1] =	sst s10  }
0x35: {  	s10 =	sld [smem:$0x3FB0];
	_ =	sdelay $0x3  }
0x36: {  	p1 =	seq.s32 s10, $0x1;
	s10 =	sld [smem:$0x3FB1];
	_ =	sdelay $0x3  }
0x37: {  	[smem:$0x3FB1] =	sst s10  }
0x38: {  	s10 =	sld [smem:$0x3FB2]  }
0x39: {  	_ = 	snop;
	(pc) =	sbr.ind lr, $3  }
0x3a: {  	_ = 	snop  }
0x3b: {  	_ = 	snop  }
0x3c: {  	p2 =	seq.s32 s10, $0x1;
	s10 =	sld [smem:$0x3FB1]  }
0x3d: {  	_ =	shalt  }
0x3e: {  	_ =	shalt  }
0x3f: {  	_ =	shalt  }
0x40: {  	_ =	shalt  }
0x41: {  	_ =	shalt  }
0x42: {  	_ =	shalt  }
0x43: {  	_ =	shalt  }
0x44: {  	_ =	shalt  }
0x45: {  	_ =	shalt  }
0x46: {  	_ =	shalt  }
0x47: {  	_ =	shalt  }
0x48: {  	_ =	shalt  }
0x49: {  	_ =	shalt  }
0x4a: {  	_ =	shalt  }
0x4b: {  	_ =	shalt  }
0x4c: {  	_ =	shalt  }
0x4d: {  	_ =	shalt  }
0x4e: {  	_ =	shalt  }
0x4f: {  	_ =	shalt  }
0x50: {  	_ =	shalt  }
0x51: {  	_ =	shalt  }
0x52: {  	_ =	shalt  }
0x53: {  	_ =	shalt  }
0x54: {  	_ =	shalt  }
0x55: {  	_ =	shalt  }
0x56: {  	_ =	shalt  }
0x57: {  	_ =	shalt  }
0x58: {  	_ =	shalt  }
0x59: {  	_ =	shalt  }
0x5a: {  	_ =	shalt  }
0x5b: {  	_ =	shalt  }
0x5c: {  	_ =	shalt  }
0x5d: {  	_ =	shalt  }
0x5e: {  	_ =	shalt  }
0x5f: {  	_ =	shalt  }
0x60: {  	_ =	shalt  }
0x61: {  	_ =	shalt  }
0x62: {  	_ =	shalt  }
0x63: {  	_ =	shalt  }
0x64: {  	_ =	shalt  }
0x65: {  	_ =	shalt  }
0x66: {  	_ =	shalt  }
0x67: {  	_ =	shalt  }
0x68: {  	_ =	shalt  }
0x69: {  	_ =	shalt  }
0x6a: {  	_ =	shalt  }
0x6b: {  	_ =	shalt  }
0x6c: {  	_ =	shalt  }
0x6d: {  	_ =	shalt  }
0x6e: {  	_ =	shalt  }
0x6f: {  	_ =	shalt  }
0x70: {  	_ =	shalt  }
0x71: {  	_ =	shalt  }
0x72: {  	_ =	shalt  }
0x73: {  	_ =	shalt  }
0x74: {  	_ =	shalt  }
0x75: {  	_ =	shalt  }
0x76: {  	_ =	shalt  }
0x77: {  	_ =	shalt  }
0x78: {  	_ =	shalt  }
0x79: {  	_ =	shalt  }
0x7a: {  	_ =	shalt  }
0x7b: {  	_ =	shalt  }
0x7c: {  	_ =	shalt  }
0x7d: {  	_ =	shalt  }
0x7e: {  	_ =	shalt  }
0x7f: {  	_ =	shalt  }
0x80: {  	_ =	shalt  }
0x81: {  	_ =	shalt  }
0x82: {  	_ =	shalt  }
0x83: {  	_ =	shalt  }
0x84: {  	_ =	shalt  }
0x85: {  	_ =	shalt  }
0x86: {  	_ =	shalt  }
0x87: {  	_ =	shalt  }
.Lfunc_end0:
.L_simem_size_0:
called_computation.3_lowered:
.L_overlay_start_0:
0x88: {  	s2 =	sld [smem:$0x3FD9]  }
0x89: {  	s3 =	sld [smem:$0x3FFE];
	_ =	sdelay $0x1  }
0x8a: {  	s1 =	srdreg.scid  }
0x8b: {  	s0 =	sand.u32 $0x1, s1  }
0x8c: {  	s14 =	sshll.u32 s0, $0xA;
	s2 =	sadd.s32 s3, s2  }
0x8d: {  	s2 =	sadd.s32 s2, s14  }
0x8e: {  	[smem:$0x3FBD] =	sst s2  }
0x8f: {  	_ = 	snop  }
0x90: {  	s2 =	sld [smem:$0x3FD0];
	_ =	sdelay $0x2  }
0x91: {  	s15 =	simm.s32 $0xB;
	s4 =	simm.s32 $0x10  }
0x92: {  	[smem:s4], [sflag:s15] =	dma.local [hbm:s2], $0x1  }
0x93: {  	_ =	swait.eq [sflag:s15], $0x1  }
0x94: {  	[sflag:s15] =	ssyncset.done $0x0  }
0x95: {  	[sflag:s15] =	ssyncadd.s32 $0xFFFFFFFF  }
0x96: {  	s16 =	sld [smem:$0x11];
	(tm) =	ssettm $0x1  }
0x97: {  	s17 =	sld [smem:$0x3FFB];
	_ =	sdelay $0x3  }
0x98: {  	_ =	strace s17  }
0x99: {  	s3 =	sld [smem:$0x3FFC];
	_ =	sdelay $0x3  }
0x9a: {  	_ =	strace s3  }
0x9b: {  	s3 =	sld [smem:$0x3FFD];
	_ =	sdelay $0x3  }
0x9c: {  	_ =	strace s3  }
0x9d: {  	_ =	strace $0x8FFFFFFF  }
0x9e: {  	s18 =	sld [smem:$0x3FDB];
	_ =	sdelay $0x1  }
0x9f: {  	s19 =	simm.s32 $_scs_section_size  }
0xa0: {  	s5 =	simm.s32 $_size__tile_overlayer_lowered;
	s6 =	simm.s32 $_tile_overlayer_lowered  }
0xa1: {  	s22 =	simm.s32 $0x1BFF;
	s21 =	sshll.u32 s6, $0x1;
	s3 =	sadd.s32 s19, s18  }
0xa2: {  	s7 =	simm.s32 $0x0;
	s20 =	sshll.u32 s5, $0x1;
	s5 =	sadd.s32 s21, s3  }
0xa3: {  	[timem:s7], [sflag:s22] =	dma.local [hbm:s5], s20  }
0xa4: {  	_ =	swait.ge [sflag:s22], s20  }
0xa5: {  	s4 =	ssub.s32 $0x0, s20;
	[sflag:s22] =	ssyncset.done $0x0  }
0xa6: {  	[sflag:s22] =	ssyncadd.s32 s4;
	_ =	sdelay $0x1  }
0xa7: {  	s23 =	simm.s32 $0x1B8B  }
0xa8: {  	_ =	swait.ge [sflag:s23], $0x1  }
0xa9: {  	[sflag:s23] =	ssyncset.done $0x0  }
0xaa: {  	s25 =	simm.s32 $0x1B8E;
	s24 =	sld [smem:$0x3FFE];
	[sflag:s23] =	ssyncadd.s32 $0xFFFFFFFF  }
0xab: {  	s26 =	simm.s32 $execute0_lowered;
	[smem:$0x3FD2] =	sst s25  }
0xac: {  	s5 =	sshll.u32 s26, $0x1;
	_ =	strace $0x8000004C;
	[dreg:$0x1] =	wrdreg $0xFFFFFFFF  }
0xad: {  	s28 =	simm.s32 $_size_execute0_lowered;
	s3 =	sadd.s32 s3, s5;
	[dreg:$0x0] =	wrdreg $0x0  }
0xae: {  	s5 =	sshll.u32 s28, $0x1;
	[dreg:$0x2] =	wrdreg s3  }
0xaf: {  	[dreg:$0x3] =	wrdreg s5  }
0xb0: {  	[dreg:$0x4] =	wrdreg $0xC0  }
0xb1: {  	_ =	task [dreg:s7], $0x5FFFF  }
0xb2: {  	[dreg:$0x1] =	wrdreg $0xFFFFFFFF  }
0xb3: {  	[dreg:$0x0] =	wrdreg $0x60  }
0xb4: {  	[dreg:$0x2] =	wrdreg s24  }
0xb5: {  	[dreg:$0x3] =	wrdreg s16  }
0xb6: {  	[dreg:$0x4] =	wrdreg $0x41000  }
0xb7: {  	[dreg:$0x5] =	wrdreg $0xA  }
0xb8: {  	_ =	task.clear_ibuf [dreg:s7], $0x6FFFF;
	_ =	strace $0x9000004C  }
0xb9: {  	s29 =	simm.s32 $0xA;
	_ =	strace $0x8000004E  }
0xba: {  	_ =	swait.ge [sflag:s29], $0x1  }
0xbb: {  	[sflag:s29] =	ssyncadd.s32 $0xFFFFFFFF  }
0xbc: {  	_ =	strace $0x9000004E  }
0xbd: {  	_ =	sfence  }
0xbe: {  	s30 =	sld [smem:$0x0];
	_ =	sdelay $0x2  }
0xbf: {  	s31 =	sshll.u32 s1, $0xD;
	s1 =	sshrl.u32 s1, $0x2  }
0xc0: {  	s3 =	sand.u32 $0x4000, s31;
	s1 =	sadd.s32 s1, s30  }
0xc1: {  	s0 =	sor.u32 s3, s0;
	s1 =	sshll.u32 s1, $0x11  }
0xc2: {  	s0 =	sor.u32 s1, s0  }
0xc3: {  	s0 =	sadd.s32 $0x8F2B, s0  }
0xc4: {  	[sflag:s0] =	ssyncadd.remote.s32 $0x1  }
0xc5: {  	_ =	sfence.sel $0xFFFF  }
0xc6: {  	[dreg:$0x0] =	wrdreg $0xFFFFFFFF;
	(pc) =	sbr.abs _section_cstart, $3  }
0xc7: {  	[dreg:$0x1] =	wrdreg $0xFFFFFFFF  }
0xc8: {  	_ =	task.clear_ibuf [dreg:s7], $0x2FFFF;
	_ =	strace $0x9FFFFFFF  }
0xc9: {  	(tm) =	ssettm $0x7FFFFFFF  }
tec
execute0_lowered:
.L_overlay_start_1:
0x0: {  	(tag) =	ssettag $0x1  }
0x1: {  	s8 =	rddreg [dreg:$0x0]  }
0x2: {  	s9 =	rddreg [dreg:$0x1]  }
0x3: {  	s1 =	rddreg [dreg:$0x2]  }
0x4: {  	s0 =	rddreg [dreg:$0x3];
	s2 =	simm.s32 $0x0  }
0x5: {  	s5 =	srdreg.scid;
	s3 =	stileid.u32;
	s18 =	simm.s32 $0x80  }
0x6: {  	s19 =	simm.s32 $0x100;
	s20 =	simm.s32 $0x1;
	s21 =	simm.s32 $0x0  }
0x7: {  	[smem:$0x7FF] =	sst s2;
	s4 =	sadd.s32 $0x17200, s8;
	s7 =	smul.u32 $0x2780, s3  }
0x8: {  	s13 =	sand.u32 $0x1, s5;
	s5 =	sadd.s32 $0x3600, s8;
	s12 =	smul.u32 $0x4F000, s3  }
0x9: {  	s6 =	sadd.s32 $0xD400, s8;
	s14 =	sshll.u32 s3, $0x1;
	s15 =	smul.u32 $0x13C00, s3  }
0xa: {  	s17 =	sadd.s32 $0x128400, s1;
	p0 =	seq.s32 s3, $0xF;
	s31 =	sshll.u32 s3, $0x8  }
0xb: {  	_ =	strace $0x8000004D;
	s10 =	ssub.s32 $0x2, s13;
	s28 =	smul.u32 $0x138800, s13  }
0xc: {  	s14 =	sor.u32 s14, s13;
	s13 =	sshll.u32 s13, $0x7;
	s11 =	sshrl.u32 s10, $0x1  }
0xd: {  	s7 =	sadd.s32 s7, s8;
	s12 =	sshrl.u32 s12, $0x2;
	s8 =	sadd.s32 $0xD8880, s8  }
0xe: {  	s30 =	ssub.s32 $0x9E3, s14;
	s13 =	sor.u32 s13, s31;
	s14 =	sshrl.u32 @p0 s17, $0x3  }
0xf: {  	s17 =	simm.s32 $0x2;
	s11 =	ssub.s32 s10, s11;
	s16 =	sadd.s32 s12, s1  }
0x10: {  	s7 =	sadd.s32 $0xB3800, s7;
	s29 =	sadd.s32 s15, s28;
	s10 =	sshrl.u32 s28, $0x3  }
0x11: {  	s15 =	sshll.u32 @!p0 s3, $0x6;
	s12 =	sshrl.u32 s29, $0x3;
	s10 =	sadd.s32 s9, s10  }
0x12: {  	s11 =	smax.u32 s11, $0x1;
	s15 =	sor.u32 @!p0 $0x1C02, s15;
	s16 =	sshrl.u32 @!p0 s16, $0x3  }
0x13: {  	s9 =	sadd.s32 s9, s12;
	s10 =	sadd.s32 $0x25080, s10;
	s12 =	sshrl.u32 s30, $0x5  }
.LBB2_1:
0x14: {  	s24 =	simm.s32 @p0 $0x1FC2;
	s23 =	simm.s32 @p0 $0x2  }
0x15: {  	[spmem:s14], [sflag:s24] =	dma.local @p0 [hbm:s8], $0x2080  }
0x16: {  	_ =	swait.ge @p0 [sflag:s23], $0x2080  }
0x17: {  	[sflag:s23] =	ssyncset.done @p0 $0x0  }
0x18: {  	s22 =	simm.s32 @!p0 $0x2;
	p2 =	sne.s32 s12, $0x1;
	[sflag:s23] =	ssyncadd.s32 @p0 $0xFFFFDF80  }
0x19: {  	[spmem:s16], [sflag:s15] =	dma.local @!p0 [hbm:s7], $0x2780  }
.Ltmp0:
0x1a: {  	_ =	swait.ge @!p0 [sflag:s22], $0x2780;
	(pc) =	sbr.rel @!p2 .LBB2_4-.Ltmp0, $4  }
0x1b: {  	[sflag:s22] =	ssyncset.done @!p0 $0x0  }
0x1c: {  	[sflag:s22] =	ssyncadd.s32 @!p0 $0xFFFFD880  }
0x1d: {  	[bflag:$0x0] =	sbarrier.arrive $0xFFFF  }
0x1e: {  	s25 =	sadd.s32 $0xFFFFFFFF, s12;
	s28 =	sshrl.u32 s13, $0x3;
	p1 =	por $0x0, $0x0  }
0x1f: {  	s26 =	sadd.s32 s5, s28  }
0x20: {  	[tilespmem:s2], [sflag:$0x2] =	stream.linear.gather [hbm4b:s26+s2], $0x80, $0x38;
	[tilespmem:$0x17980] =	vst v63  }
0x21: {  	_ =	swait.ge [sflag:s17], $0x80  }
0x22: {  	[sflag:s17] =	ssyncset.done $0x0  }
0x23: {  	s31 =	sadd.s32 s6, s28;
	[sflag:s17] =	ssyncadd.s32 $0xFFFFFF80  }
0x24: {  	[tilespmem:s18], [sflag:$0x2] =	stream.linear.gather [hbm4b:s31+s2], $0x80, $0x38;
	[tilespmem:$0x17980] =	vst v63  }
0x25: {  	_ =	swait.ge [sflag:s17], $0x80  }
0x26: {  	[sflag:s17] =	ssyncset.done $0x0  }
0x27: {  	[sflag:s17] =	ssyncadd.s32 $0xFFFFFF80  }
0x28: {  	[tilespmem:s19], [sflag:$0x1] =	stream.indirect.gather [hbm4b:s4+s18], $0x80, s2, s18, $0xb8;
	[tilespmem:$0x17980] =	vst v63  }
0x29: {  	p2 =	sne.s32 s25, $0x1;
	_ =	swait.ge [sflag:s20], $0x4000  }
.Ltmp1:
0x2a: {  	[sflag:s20] =	ssyncset.done $0x0;
	(pc) =	sbr.rel @!p2 .LBB2_4-.Ltmp1, $4  }
0x2b: {  	[sflag:s20] =	ssyncadd.s32 $0xFFFFC000  }
0x2c: {  	[spmem:s1] =	stream.indirect.scatter.add.f32 [tilespmem:s19], [sflag:$0x2], $0x80, s18, s18, $0xb8;
	[tilespmem:$0x17980] =	vst v63  }
0x2d: {  	s25 =	sadd.s32 $0xFFFFFFFF, s25;
	s26 =	sadd.s32 $0x1000, s13;
	_ =	swait.ge [sflag:s17], $0x4000  }
0x2e: {  	p1 =	por $0x1, $0x1;
	s28 =	sshrl.u32 s26, $0x3;
	[sflag:s17] =	ssyncset.done $0x0  }
.LBB2_3:
0x2f: {  	p2 =	sne.s32 s25, $0x1;
	s29 =	sadd.s32 s5, s28;
	[sflag:s17] =	ssyncadd.s32 $0xFFFFC000  }
0x30: {  	[tilespmem:s2], [sflag:$0x2] =	stream.linear.gather [hbm4b:s29+s2], $0x80, $0x38;
	[tilespmem:$0x17980] =	vst v63  }
0x31: {  	s25 =	sadd.s32 $0xFFFFFFFF, s25;
	_ =	swait.ge [sflag:s17], $0x80  }
0x32: {  	[sflag:s17] =	ssyncset.done $0x0  }
0x33: {  	s28 =	sadd.s32 s6, s28;
	[sflag:s17] =	ssyncadd.s32 $0xFFFFFF80  }
0x34: {  	[tilespmem:s18], [sflag:$0x2] =	stream.linear.gather [hbm4b:s28+s2], $0x80, $0x38;
	[tilespmem:$0x17980] =	vst v63  }
0x35: {  	_ =	swait.ge [sflag:s17], $0x80  }
0x36: {  	[sflag:s17] =	ssyncset.done $0x0  }
0x37: {  	[sflag:s17] =	ssyncadd.s32 $0xFFFFFF80  }
0x38: {  	[tilespmem:s19], [sflag:$0x1] =	stream.indirect.gather [hbm4b:s4+s18], $0x80, s2, s18, $0xb8;
	[tilespmem:$0x17980] =	vst v63  }
0x39: {  	_ =	swait.ge [sflag:s20], $0x4000  }
.Ltmp2:
0x3a: {  	[sflag:s20] =	ssyncset.done $0x0;
	(pc) =	sbr.rel @p2 .LBB2_3-.Ltmp2, $4  }
0x3b: {  	[sflag:s20] =	ssyncadd.s32 $0xFFFFC000  }
0x3c: {  	[spmem:s1] =	stream.indirect.scatter.add.f32 [tilespmem:s19], [sflag:$0x2], $0x80, s18, s18, $0xb8;
	[tilespmem:$0x17980] =	vst v63  }
0x3d: {  	s26 =	sadd.s32 $0x1000, s26;
	_ =	swait.ge [sflag:s17], $0x4000  }
0x3e: {  	s28 =	sshrl.u32 s26, $0x3;
	[sflag:s17] =	ssyncset.done $0x0  }
.LBB2_4:
0x3f: {  	s25 =	sadd.s32 s5, s28;
	[sflag:s17] =	ssyncadd.s32 @p1 $0xFFFFC000  }
0x40: {  	[tilespmem:s2], [sflag:$0x2] =	stream.linear.gather [hbm4b:s25+s2], $0x80, $0x38;
	[tilespmem:$0x17980] =	vst v63  }
0x41: {  	_ =	swait.ge [sflag:s17], $0x80  }
0x42: {  	[sflag:s17] =	ssyncset.done $0x0  }
0x43: {  	s31 =	sadd.s32 s6, s28;
	[sflag:s17] =	ssyncadd.s32 $0xFFFFFF80  }
0x44: {  	[tilespmem:s18], [sflag:$0x2] =	stream.linear.gather [hbm4b:s31+s2], $0x80, $0x38;
	[tilespmem:$0x17980] =	vst v63  }
0x45: {  	_ =	swait.ge [sflag:s17], $0x80  }
0x46: {  	[sflag:s17] =	ssyncset.done $0x0  }
0x47: {  	[sflag:s17] =	ssyncadd.s32 $0xFFFFFF80  }
0x48: {  	[tilespmem:s19], [sflag:$0x1] =	stream.indirect.gather [hbm4b:s4+s18], $0x80, s2, s18, $0xb8;
	[tilespmem:$0x17980] =	vst v63  }
0x49: {  	_ =	swait.ge [sflag:s20], $0x4000  }
0x4a: {  	[sflag:s20] =	ssyncset.done $0x0  }
0x4b: {  	[sflag:s20] =	ssyncadd.s32 $0xFFFFC000  }
0x4c: {  	[spmem:s1] =	stream.indirect.scatter.add.f32 [tilespmem:s19], [sflag:$0x2], $0x80, s18, s18, $0xb8;
	[tilespmem:$0x17980] =	vst v63  }
0x4d: {  	_ =	swait.ge [sflag:s17], $0x4000  }
0x4e: {  	[sflag:s17] =	ssyncset.done $0x0  }
0x4f: {  	[sflag:s17] =	ssyncadd.s32 $0xFFFFC000  }
0x50: {  	[bflag:$0x0] =	sbarrier.arrive $0xFFFF  }
0x51: {  	[hbm:s10], [sflag:s24] =	dma.local @p0 [spmem:s14], $0x2080  }
0x52: {  	s21 =	sadd.s32 $0x1, s21;
	_ =	swait.ge @p0 [sflag:s23], $0x2080  }
0x53: {  	p1 =	sne.s32 s21, s11;
	[sflag:s23] =	ssyncset.done @p0 $0x0  }
.Ltmp3:
0x54: {  	[sflag:s23] =	ssyncadd.s32 @p0 $0xFFFFDF80;
	(pc) =	sbr.rel @p1 .LBB2_1-.Ltmp3, $4  }
0x55: {  	[hbm:s9], [sflag:s15] =	dma.local @!p0 [spmem:s16], $0x2780  }
0x56: {  	_ =	swait.ge @!p0 [sflag:s22], $0x2780  }
0x57: {  	[sflag:s22] =	ssyncset.done @!p0 $0x0  }
0x58: {  	[sflag:s22] =	ssyncadd.s32 @!p0 $0xFFFFD880  }
0x59: {  	_ =	sfence.sel $0x180000  }
0x5a: {  	[bflag:$0x0] =	sbarrier.arrive $0xFFFF  }
0x5b: {  	p0 =	sne.s32 s3, $0x0;
	_ =	strace $0x9000004D  }
0x5c: {  	s0 =	sadd.s32 @!p0 $0x100000, s0;
	[bflag:$0x2] =	sbarrier.arrive $0xFFFF  }
0x5d: {  	[sflag:s0] =	ssyncadd.tile.s32 @!p0 $0x1;
	_ =	shalt  }
.Lfunc_end2:
_tile_overlayer_lowered:
.L_overlay_start_2:
0x5e: {  	(tag) =	ssettag $0x2  }
0x5f: {  	s0 =	rddreg [dreg:$0x0];
	s2 =	stileid.u32  }
0x60: {  	s1 =	rddreg [dreg:$0x1];
	p0 =	sne.s32 s2, $0x0  }
0x61: {  	s3 =	rddreg [dreg:$0x2];
	[bflag:$0x3] =	sbarrier.arrive $0xFFFF;
	s2 =	simm.s32 @!p0 $0x1C02  }
0x62: {  	[timem:s3], [sflag:s2] =	dma.local @!p0 [hbm:s0], s1  }
0x63: {  	s0 =	simm.s32 @!p0 $0x2  }
0x64: {  	_ =	swait.ge @!p0 [sflag:s0], s1  }
0x65: {  	s1 =	ssub.s32 @!p0 $0x0, s1;
	[sflag:s0] =	ssyncset.done @!p0 $0x0  }
0x66: {  	[sflag:s0] =	ssyncadd.s32 @!p0 s1  }
0x67: {  	[bflag:$0x3] =	sbarrier.arrive $0xFFFF  }
0x68: {  	_ =	shalt  }

</sc_bundles>
